<compile_context>
chip_gen: v7x
topology: tpu7x:2x2x1
jax: 0.10.2.dev20260603
libtpu: 0.0.44.dev20260713+nightly
codegen_flags: <defaults>
</compile_context>

<pallas_src>
import functools

import jax
import jax.numpy as jnp
from jax import lax
from jax.experimental import pallas as pl
from jax.experimental.pallas import tpu as pltpu
from jax.experimental.pallas import tpu_sc as plsc

_N = 10000
_E = 320000
_D = 128
_NC = 2
_NS = 16
_NW = _NC * _NS
_CH = 80
_GW = 256
_NBK = _E // _CH
_R = 2000

_NP = 10240
_NPW1 = _NP // _NS
_K1B = _NBK // _NW
_K1X = _NBK - _K1B * _NW

_HALF = 5120
_HP = 5248
_HPW = _HP // _NS
_K3B = _NBK // _NS
_K3X = _NBK - _K3B * _NS

_mesh = plsc.VectorSubcoreMesh(
    core_axis_name="c", subcore_axis_name="s", num_cores=_NC, num_subcores=_NS)



def _deg_body(ed_hbm, out_hbm, ebuf, ones_v, zbuf, acc_sh):
    c = lax.axis_index("c")
    s = lax.axis_index("s")
    wid = c * _NS + s
    start = wid * _K1B + jnp.minimum(wid, _K1X)
    cnt = _K1B + jnp.where(wid < _K1X, 1, 0)

    def zb(i, _):
        zbuf[pl.ds(i * 16, 16)] = jnp.zeros((16,), jnp.float32)
        return 0
    lax.fori_loop(0, _NPW1 // 16, zb, 0)

    def ob(i, _):
        ones_v[pl.ds(i * 16, 16)] = jnp.ones((16,), jnp.float32)
        return 0
    lax.fori_loop(0, _CH // 16, ob, 0)

    pltpu.sync_copy(zbuf, acc_sh.at[pl.ds(s * _NPW1, _NPW1)])
    plsc.subcore_barrier()

    def batch(g, _):
        pltpu.sync_copy(ed_hbm.at[start + g, 0], ebuf)
        pltpu.sync_copy(ones_v, acc_sh.at[ebuf], add=True)
        return 0
    lax.fori_loop(0, cnt, batch, 0)

    plsc.subcore_barrier()
    pltpu.sync_copy(acc_sh.at[pl.ds(s * _NPW1, _NPW1)],
                    out_hbm.at[c, pl.ds(s * _NPW1, _NPW1)])


_deg_call = functools.partial(
    pl.kernel,
    out_type=jax.ShapeDtypeStruct((_NC, _NP), jnp.float32),
    mesh=_mesh,
    scratch_types=[
        pltpu.VMEM((_CH,), jnp.int32),
        pltpu.VMEM((_CH,), jnp.float32),
        pltpu.VMEM((_NPW1,), jnp.float32),
        pltpu.VMEM_SHARED((_NP,), jnp.float32),
    ],
)(_deg_body)



def _dense_body(x_ref, wt_ref, b_ref, dps_ref, b0_ref, b1_ref, b2_ref,
                xs_ref, dinv_ref, c_ref, xgd_ref):
    xl = jnp.dot(x_ref[...], wt_ref[...], preferred_element_type=jnp.float32)
    xl = xl + b_ref[...]
    deg = dps_ref[...] + 1.0
    dinv = lax.rsqrt(deg)
    xs_ref[...] = xl
    dinv_ref[...] = dinv
    xgd_ref[:, :_D] = xl * dinv
    xgd_ref[:, _D:] = jnp.broadcast_to(dinv, (xl.shape[0], _GW - _D))
    t01 = (jnp.broadcast_to(b0_ref[...][:, None, :], (8, 8, _D))
           + b1_ref[...][None, :, :]).reshape(64, _D)
    c_ref[...] = (jnp.broadcast_to(t01[:, None, :], (64, 8, _D))
                  + b2_ref[...][None, :, :]).reshape(512, _D)


def _dense_call(x, wt, bvec, dps, b0, b1, b2):
    return pl.pallas_call(
        _dense_body,
        grid=(_N // _R,),
        in_specs=[
            pl.BlockSpec((_R, _D), lambda i: (i, 0)),
            pl.BlockSpec((_D, _D), lambda i: (0, 0)),
            pl.BlockSpec((1, _D), lambda i: (0, 0)),
            pl.BlockSpec((_R, 1), lambda i: (i, 0)),
            pl.BlockSpec((8, _D), lambda i: (0, 0)),
            pl.BlockSpec((8, _D), lambda i: (0, 0)),
            pl.BlockSpec((8, _D), lambda i: (0, 0)),
        ],
        out_specs=[
            pl.BlockSpec((_R, _D), lambda i: (i, 0)),
            pl.BlockSpec((_R, 1), lambda i: (i, 0)),
            pl.BlockSpec((512, _D), lambda i: (0, 0)),
            pl.BlockSpec((_R, _GW), lambda i: (i, 0)),
        ],
        out_shape=[
            jax.ShapeDtypeStruct((_N, _D), jnp.float32),
            jax.ShapeDtypeStruct((_N, 1), jnp.float32),
            jax.ShapeDtypeStruct((512, _D), jnp.float32),
            jax.ShapeDtypeStruct((_N, _GW), jnp.float32),
        ],
    )(x, wt, bvec, dps, b0, b1, b2)



def _main_body(ed_hbm, xgd_hbm, c_hbm, parts_hbm,
               eb0, eb1, cv0, cv1, lv0, lv1, xg0, xg1, ee0, ee1,
               acc_sh, sed0, sed1, sgx0, sgx1, ssc0, ssc1):
    c = lax.axis_index("c")
    s = lax.axis_index("s")
    base_node = c * _HALF
    start = s * _K3B + jnp.minimum(s, _K3X)
    cnt = _K3B + jnp.where(s < _K3X, 1, 0)
    eb = (eb0, eb1)
    cv = (cv0, cv1)
    lv = (lv0, lv1)
    xg = (xg0, xg1)
    ee = (ee0, ee1)
    sed = (sed0, sed1)
    sgx = (sgx0, sgx1)
    ssc = (ssc0, ssc1)

    def zb(i, _):
        r = i // 8
        k = i % 8
        ee0[r, pl.ds(k * 16, 16)] = jnp.zeros((16,), jnp.float32)
        return 0
    lax.fori_loop(0, _CH * (_D // 16), zb, 0)

    def zc(j, _):
        pltpu.sync_copy(ee0, acc_sh.at[pl.ds(s * _HPW + j * _CH, _CH)])
        return 0
    lax.fori_loop(0, _HPW // _CH, zc, 0)
    pltpu.sync_copy(ee0.at[pl.ds(0, _HPW % _CH)],
                    acc_sh.at[pl.ds(s * _HPW + (_HPW // _CH) * _CH,
                                    _HPW % _CH)])
    plsc.subcore_barrier()

    def compute_idx(p):
        def cidb(j, _):
            sl = pl.ds(j * 16, 16)
            cv[p][sl] = (eb[p][2, sl] * 8 + eb[p][3, sl]) * 8 + eb[p][4, sl]
            lc = eb[p][1, sl] - base_node
            ok = (lc >= 0) & (lc < _HALF)
            lv[p][sl] = jnp.where(ok, lc, _HALF)
            return 0
        lax.fori_loop(0, _CH // 16, cidb, 0)

    def issue_gathers(p):
        pltpu.async_copy(xgd_hbm.at[eb[p].at[0]], xg[p], sgx[p])
        pltpu.async_copy(c_hbm.at[cv[p]], ee[p], sgx[p])

    def wait_gathers(p):
        pltpu.make_async_copy(xgd_hbm.at[eb[p].at[0]], xg[p], sgx[p]).wait()
        pltpu.make_async_copy(c_hbm.at[cv[p]], ee[p], sgx[p]).wait()

    def wait_scatter(p):
        pltpu.make_async_copy(ee[p], acc_sh.at[lv[p]], ssc[p]).wait()

    def compute_msgs(p):
        @plsc.parallel_loop(0, _CH)
        def _row(r):
            dvsp = xg[p][r, pl.ds(_D, 16)]
            for k in range(_D // 16):
                sl = pl.ds(k * 16, 16)
                ee[p][r, sl] = jnp.maximum(
                    xg[p][r, sl] + dvsp * ee[p][r, sl], 0.0)

    pltpu.async_copy(ed_hbm.at[start], eb0, sed0)
    pltpu.async_copy(ed_hbm.at[start + 1], eb1, sed1)
    pltpu.make_async_copy(ed_hbm.at[start], eb0, sed0).wait()
    compute_idx(0)
    issue_gathers(0)

    def pipe(g2, _):
        for par in range(2):
            g = 2 * g2 + par
            p, q = par, 1 - par

            @pl.when(g < cnt)
            def _():
                wait_gathers(p)

                @pl.when(g < cnt - 2)
                def _():
                    pltpu.async_copy(ed_hbm.at[start + g + 2], eb[p], sed[p])

                compute_msgs(p)
                pltpu.async_copy(ee[p], acc_sh.at[lv[p]], ssc[p], add=True)

                @pl.when(g < cnt - 1)
                def _():
                    pltpu.make_async_copy(ed_hbm.at[start], eb[q],
                                          sed[q]).wait()

                    @pl.when(g >= 1)
                    def _():
                        wait_scatter(q)

                    compute_idx(q)
                    issue_gathers(q)
        return 0
    lax.fori_loop(0, (_K3B + _K3X + 1) // 2, pipe, 0)

    wait_scatter(0)
    wait_scatter(1)

    plsc.subcore_barrier()
    pltpu.sync_copy(acc_sh.at[pl.ds(s * _HPW, _HPW)],
                    parts_hbm.at[c, pl.ds(s * _HPW, _HPW)])


_main_call = functools.partial(
    pl.kernel,
    out_type=jax.ShapeDtypeStruct((_NC, _HP, _D), jnp.float32),
    mesh=_mesh,
    scratch_types=[
        pltpu.VMEM((5, _CH), jnp.int32),
        pltpu.VMEM((5, _CH), jnp.int32),
        pltpu.VMEM((_CH,), jnp.int32),
        pltpu.VMEM((_CH,), jnp.int32),
        pltpu.VMEM((_CH,), jnp.int32),
        pltpu.VMEM((_CH,), jnp.int32),
        pltpu.VMEM((_CH, _GW), jnp.float32),
        pltpu.VMEM((_CH, _GW), jnp.float32),
        pltpu.VMEM((_CH, _D), jnp.float32),
        pltpu.VMEM((_CH, _D), jnp.float32),
        pltpu.VMEM_SHARED((_HP, _D), jnp.float32),
        pltpu.SemaphoreType.DMA,
        pltpu.SemaphoreType.DMA,
        pltpu.SemaphoreType.DMA,
        pltpu.SemaphoreType.DMA,
        pltpu.SemaphoreType.DMA,
        pltpu.SemaphoreType.DMA,
    ],
)(_main_body)



def _final_body(p_ref, xs_ref, root_ref, dinv_ref, out_ref):
    dinv = dinv_ref[...]
    selfv = jnp.maximum(xs_ref[...] + root_ref[...], 0.0) * (dinv * dinv)
    out_ref[...] = p_ref[...] * dinv + selfv


def _final_call(pfull, xs, root, dinv2):
    return pl.pallas_call(
        _final_body,
        grid=(_N // _R,),
        in_specs=[
            pl.BlockSpec((_R, _D), lambda i: (i, 0)),
            pl.BlockSpec((_R, _D), lambda i: (i, 0)),
            pl.BlockSpec((1, _D), lambda i: (0, 0)),
            pl.BlockSpec((_R, 1), lambda i: (i, 0)),
        ],
        out_specs=pl.BlockSpec((_R, _D), lambda i: (i, 0)),
        out_shape=jax.ShapeDtypeStruct((_N, _D), jnp.float32),
    )(pfull, xs, root, dinv2)



def kernel(x, edge_index, edge_attr, W, b, root_emb, B0, B1, B2):
    row = edge_index[0]
    col = edge_index[1]
    packed = jnp.stack(
        [row, col, edge_attr[:, 0], edge_attr[:, 1], edge_attr[:, 2]], 0)
    packed = packed.reshape(5, _NBK, _CH).transpose(1, 0, 2)

    degp = _deg_call(packed)
    dps = (degp[0, :_N] + degp[1, :_N]).reshape(_N, 1)

    xs, dinv2, C, xgd = _dense_call(
        x, W.T, b.reshape(1, _D), dps, B0, B1, B2)

    parts = _main_call(packed, xgd, C)
    pfull = jnp.concatenate(
        [parts[0, :_HALF], parts[1, :_N - _HALF]], axis=0)

    return _final_call(pfull, xs, root_emb, dinv2)

# --- scband reference (transcript-rebuilt; emitter-appended) ---
"""Pipeline reference for scband-aimodel-22007412425257 (READ-ONLY COPY).

The authoritative reference and input builder live on the scoring server;
editing this copy changes nothing except your own understanding.
"""

import jax, jax.numpy as jnp
import numpy as np

N = 10000
E = 320000
D = 128
BOND_VOCAB = 8

def setup_inputs(seed: int = 0) -> dict:
    key = jax.random.key(seed)
    ks = jax.random.split(key, 9)
    x = jax.random.normal(ks[0], (N, D), dtype=jnp.float32)
    edge_index = jax.random.randint(ks[1], (2, E), 0, N, dtype=jnp.int32)
    edge_attr = jax.random.randint(ks[2], (E, 3), 0, 5, dtype=jnp.int32)
    W = jax.random.normal(ks[3], (D, D), dtype=jnp.float32) * 0.05
    b = jnp.zeros((D,), dtype=jnp.float32)
    root_emb = jax.random.normal(ks[4], (1, D), dtype=jnp.float32) * 0.05
    B0 = jax.random.normal(ks[5], (BOND_VOCAB, D), dtype=jnp.float32) * 0.05
    B1 = jax.random.normal(ks[6], (BOND_VOCAB, D), dtype=jnp.float32) * 0.05
    B2 = jax.random.normal(ks[7], (BOND_VOCAB, D), dtype=jnp.float32) * 0.05
    return {"x": x, "edge_index": edge_index, "edge_attr": edge_attr,
            "W": W, "b": b, "root_emb": root_emb, "B0": B0, "B1": B1, "B2": B2}

def reference(x, edge_index, edge_attr, W, b, root_emb, B0, B1, B2):
    # x = self.linear(x)
    xl = x @ W.T + b
    # edge_embedding = self.bond_encoder(edge_attr): sum of per-feature embedding lookups
    ee = B0[edge_attr[:, 0]] + B1[edge_attr[:, 1]] + B2[edge_attr[:, 2]]
    row = edge_index[0]
    col = edge_index[1]
    # deg = degree(row, N) + 1
    deg = jax.ops.segment_sum(jnp.ones((E,), dtype=xl.dtype), row, num_segments=N) + 1.0
    deg_inv_sqrt = deg ** (-0.5)
    deg_inv_sqrt = jnp.where(jnp.isinf(deg_inv_sqrt), 0.0, deg_inv_sqrt)
    norm = deg_inv_sqrt[row] * deg_inv_sqrt[col]
    # message: norm * relu(x_j + edge_attr), x_j = x[row] (source), aggregate at col (target)
    msg = norm[:, None] * jax.nn.relu(xl[row] + ee)
    agg = jax.ops.segment_sum(msg, col, num_segments=N)
    out = agg + jax.nn.relu(xl + root_emb) * (1.0 / deg[:, None])
    return out

if __name__ == "__main__":
    import jax
    _d = setup_inputs()
    print(jax.jit(kernel)(*tuple(_d.values())))

</pallas_src>

<mosaic_0001>
#map = affine_map<(d0, d1) -> (0, 0, 0)>
#map1 = affine_map<(d0, d1) -> (0, 0)>
module attributes {stable_mosaic.version = 14 : i64} {
  func.func @_deg_body(%arg0: i32, %arg1: i32, %arg2: memref<4000x5x80xi32, #tpu.memory_space<hbm>>, %arg3: memref<2x10240xf32, #tpu.memory_space<hbm>>, %arg4: memref<80xi32, #tpu.memory_space<vmem>>, %arg5: memref<80xf32, #tpu.memory_space<vmem>>, %arg6: memref<640xf32, #tpu.memory_space<vmem>>, %arg7: memref<10240xf32, #tpu.memory_space<vmem_shared>>) attributes {dimension_semantics = [#tpu.dimension_semantics<core_parallel>, #tpu.dimension_semantics<subcore_parallel>], iteration_bounds = array<i64: 2, 16>, scalar_prefetch = 0 : i64, scratch_operands = 4 : i64, tpu.core_type = #tpu.core_type<sc_vector_subcore>, window_params = [{transform_indices = #map}, {transform_indices = #map1}]} {
    %mul3A = arith.constant 16 : i32
    %mul3A_0 = arith.muli %arg0, %mul3A : i32
    %add3A = arith.addi %mul3A_0, %arg1 : i32
    %mul3A_1 = arith.constant 125 : i32
    %mul3A_2 = arith.muli %add3A, %mul3A_1 : i32
    %min3A = arith.constant 0 : i32
    %min3A_3 = arith.minsi %add3A, %min3A : i32
    %add3A_4 = arith.addi %mul3A_2, %min3A_3 : i32
    %lt3A = arith.constant 0 : i32
    %lt3A_5 = arith.cmpi slt, %add3A, %lt3A : i32
    %jit3A = arith.constant 1 : i32
    %jit3A_6 = arith.constant 0 : i32
    %select_n3A = arith.select %lt3A_5, %jit3A, %jit3A_6 : i32
    %add3A_7 = arith.constant 125 : i32
    %add3A_8 = arith.addi %add3A_7, %select_n3A : i32
    %scan3A = arith.constant 0 : i32
    %scan3A_9 = arith.constant 0 : i32
    %scan3A_10 = arith.constant 40 : i32
    %scan3A_11 = arith.addi %scan3A_9, %scan3A_10 : i32
    %scan3A_12 = arith.constant 1 : i32
    %scan3A_13 = scf.for %scan3A_40 = %scan3A_9 to %scan3A_11 step %scan3A_12 iter_args(%scan3A_41 = %scan3A) -> (i32)  : i32 {
      %broadcast_in_dim3A = arith.constant 0.000000e+00 : f32
      %broadcast_in_dim3A_42 = vector.broadcast %broadcast_in_dim3A : f32 to vector<16xf32>
      %mul3A_43 = arith.constant 16 : i32
      %mul3A_44 = arith.muli %scan3A_40, %mul3A_43 : i32
      %swap3A = arith.index_cast %mul3A_44 : i32 to index
      %swap3A_45 = tpu.vector_load %arg6[%swap3A] {strides = array<i32>} : memref<640xf32, #tpu.memory_space<vmem>>, vector<16xf32>,
      %swap3A_46 = vector.shape_cast %swap3A_45 : vector<16xf32> to vector<16xf32>
      %swap3A_47 = vector.shape_cast %broadcast_in_dim3A_42 : vector<16xf32> to vector<16xf32>
      tpu.vector_store %arg6[%swap3A], %swap3A_47 {strides = array<i32>} : memref<640xf32, #tpu.memory_space<vmem>>, vector<16xf32>,
      %scan3A_48 = arith.constant 0 : i32
      scf.yield %scan3A_48 : i32
    }
    %scan3A_14 = arith.constant 40 : i32
    %scan3A_15 = arith.constant 0 : i32
    %scan3A_16 = arith.constant 0 : i32
    %scan3A_17 = arith.constant 5 : i32
    %scan3A_18 = arith.addi %scan3A_16, %scan3A_17 : i32
    %scan3A_19 = arith.constant 1 : i32
    %scan3A_20 = scf.for %scan3A_40 = %scan3A_16 to %scan3A_18 step %scan3A_19 iter_args(%scan3A_41 = %scan3A_15) -> (i32)  : i32 {
      %broadcast_in_dim3A = arith.constant 1.000000e+00 : f32
      %broadcast_in_dim3A_42 = vector.broadcast %broadcast_in_dim3A : f32 to vector<16xf32>
      %mul3A_43 = arith.constant 16 : i32
      %mul3A_44 = arith.muli %scan3A_40, %mul3A_43 : i32
      %swap3A = arith.index_cast %mul3A_44 : i32 to index
      %swap3A_45 = tpu.vector_load %arg5[%swap3A] {strides = array<i32>} : memref<80xf32, #tpu.memory_space<vmem>>, vector<16xf32>,
      %swap3A_46 = vector.shape_cast %swap3A_45 : vector<16xf32> to vector<16xf32>
      %swap3A_47 = vector.shape_cast %broadcast_in_dim3A_42 : vector<16xf32> to vector<16xf32>
      tpu.vector_store %arg5[%swap3A], %swap3A_47 {strides = array<i32>} : memref<80xf32, #tpu.memory_space<vmem>>, vector<16xf32>,
      %scan3A_48 = arith.constant 0 : i32
      scf.yield %scan3A_48 : i32
    }
    %scan3A_21 = arith.constant 5 : i32
    %mul3A_22 = arith.constant 640 : i32
    %mul3A_23 = arith.muli %arg1, %mul3A_22 : i32
    "tpu.region"() ({
      %run_scoped3A = tpu.sem_alloc : memref<!tpu.dma_semaphore, #tpu.memory_space<semaphore_mem>>
      %dma_start3A = tpu.memref_slice %arg7[%mul3A_23] : memref<10240xf32, #tpu.memory_space<vmem_shared>> -> memref<640xf32, #tpu.memory_space<vmem_shared>>
      %dma_start3A_40 = tpu.memref_slice %arg7[%mul3A_23] : memref<10240xf32, #tpu.memory_space<vmem_shared>> -> memref<640xf32, #tpu.memory_space<vmem_shared>>
      tpu.enqueue_dma source(%arg6 : memref<640xf32, #tpu.memory_space<vmem>>) target(%dma_start3A_40 : memref<640xf32, #tpu.memory_space<vmem_shared>>) target_semaphore(%run_scoped3A : memref<!tpu.dma_semaphore, #tpu.memory_space<semaphore_mem>>)
      %dma_wait3A = tpu.memref_slice %arg7[%mul3A_23] : memref<10240xf32, #tpu.memory_space<vmem_shared>> -> memref<640xf32, #tpu.memory_space<vmem_shared>>
      %dma_wait3A_41 = tpu.memref_slice %arg7[%mul3A_23] : memref<10240xf32, #tpu.memory_space<vmem_shared>> -> memref<640xf32, #tpu.memory_space<vmem_shared>>
      tpu.wait_dma2 semaphore(%run_scoped3A : memref<!tpu.dma_semaphore, #tpu.memory_space<semaphore_mem>>) src(%arg6 : memref<640xf32, #tpu.memory_space<vmem>>) dst(%dma_wait3A_41 : memref<640xf32, #tpu.memory_space<vmem_shared>>)
      tpu.yield
    }) : () -> ()
    %barrier3A = arith.constant 0 : index
    tpu.barrier barrier_id(%barrier3A)
    %while3A = arith.constant 0 : i32
    %while3A_24 = arith.constant 0 : i32
    %while3A_25 = arith.subi %add3A_8, %while3A : i32
    %while3A_26 = arith.addi %while3A, %while3A_25 : i32
    %while3A_27 = arith.constant 1 : i32
    %while3A_28 = arith.divsi %while3A_25, %while3A_27 : i32
    %while3A_29 = arith.muli %while3A_28, %while3A_27 : i32
    %while3A_30 = arith.addi %while3A, %while3A_29 : i32
    %while3A_31 = arith.constant 1 : i32
    %while3A_32 = scf.for %while3A_40 = %while3A to %while3A_30 step %while3A_31 iter_args(%while3A_41 = %while3A_24) -> (i32)  : i32 {
      %add3A_42 = arith.addi %add3A_4, %while3A_40 : i32
      %run_scoped3A = arith.constant 0 : i32
      "tpu.region"() ({
        %run_scoped3A_44 = tpu.sem_alloc : memref<!tpu.dma_semaphore, #tpu.memory_space<semaphore_mem>>
        %dma_start3A = arith.constant 0 : i32
        %dma_start3A_45 = tpu.memref_slice %arg2[%add3A_42, %run_scoped3A, %dma_start3A] : memref<4000x5x80xi32, #tpu.memory_space<hbm>> -> memref<1x1x80xi32, #tpu.memory_space<hbm>>
        %dma_start3A_46 = tpu.memref_squeeze %dma_start3A_45 : memref<1x1x80xi32, #tpu.memory_space<hbm>> -> memref<80xi32, #tpu.memory_space<hbm>>
        %dma_start3A_47 = arith.constant 0 : i32
        %dma_start3A_48 = tpu.memref_slice %arg2[%add3A_42, %run_scoped3A, %dma_start3A_47] : memref<4000x5x80xi32, #tpu.memory_space<hbm>> -> memref<1x1x80xi32, #tpu.memory_space<hbm>>
        %dma_start3A_49 = tpu.memref_squeeze %dma_start3A_48 : memref<1x1x80xi32, #tpu.memory_space<hbm>> -> memref<80xi32, #tpu.memory_space<hbm>>
        tpu.enqueue_dma source(%dma_start3A_49 : memref<80xi32, #tpu.memory_space<hbm>>) target(%arg4 : memref<80xi32, #tpu.memory_space<vmem>>) target_semaphore(%run_scoped3A_44 : memref<!tpu.dma_semaphore, #tpu.memory_space<semaphore_mem>>)
        %dma_wait3A = arith.constant 0 : i32
        %dma_wait3A_50 = tpu.memref_slice %arg2[%add3A_42, %run_scoped3A, %dma_wait3A] : memref<4000x5x80xi32, #tpu.memory_space<hbm>> -> memref<1x1x80xi32, #tpu.memory_space<hbm>>
        %dma_wait3A_51 = tpu.memref_squeeze %dma_wait3A_50 : memref<1x1x80xi32, #tpu.memory_space<hbm>> -> memref<80xi32, #tpu.memory_space<hbm>>
        %dma_wait3A_52 = arith.constant 0 : i32
        %dma_wait3A_53 = tpu.memref_slice %arg2[%add3A_42, %run_scoped3A, %dma_wait3A_52] : memref<4000x5x80xi32, #tpu.memory_space<hbm>> -> memref<1x1x80xi32, #tpu.memory_space<hbm>>
        %dma_wait3A_54 = tpu.memref_squeeze %dma_wait3A_53 : memref<1x1x80xi32, #tpu.memory_space<hbm>> -> memref<80xi32, #tpu.memory_space<hbm>>
        tpu.wait_dma2 semaphore(%run_scoped3A_44 : memref<!tpu.dma_semaphore, #tpu.memory_space<semaphore_mem>>) src(%dma_wait3A_54 : memref<80xi32, #tpu.memory_space<hbm>>) dst(%arg4 : memref<80xi32, #tpu.memory_space<vmem>>)
        tpu.yield
      }) : () -> ()
      "tpu.region"() ({
        %run_scoped3A_44 = tpu.sem_alloc : memref<!tpu.dma_semaphore, #tpu.memory_space<semaphore_mem>>
        %dma_start3A = arith.constant 0 : i32
        %dma_start3A_45 = tpu.memref_slice %arg7[%dma_start3A] : memref<10240xf32, #tpu.memory_space<vmem_shared>> -> memref<10240xf32, #tpu.memory_space<vmem_shared>>
        tpu.enqueue_indirect_dma source(%arg5 : memref<80xf32, #tpu.memory_space<vmem>>) target(%dma_start3A_45 : memref<10240xf32, #tpu.memory_space<vmem_shared>>) offsets(%arg4 : memref<80xi32, #tpu.memory_space<vmem>>) semaphore(%run_scoped3A_44 : memref<!tpu.dma_semaphore, #tpu.memory_space<semaphore_mem>>) {add = true}
        %dma_wait3A = arith.constant 0 : i32
        %dma_wait3A_46 = tpu.memref_slice %arg7[%dma_wait3A] : memref<10240xf32, #tpu.memory_space<vmem_shared>> -> memref<10240xf32, #tpu.memory_space<vmem_shared>>
        tpu.wait_indirect_dma semaphore(%run_scoped3A_44 : memref<!tpu.dma_semaphore, #tpu.memory_space<semaphore_mem>>) src(%arg5 : memref<80xf32, #tpu.memory_space<vmem>>) dst(%dma_wait3A_46 : memref<10240xf32, #tpu.memory_space<vmem_shared>>)
        tpu.yield
      }) : () -> ()
      %while3A_43 = arith.constant 0 : i32
      scf.yield %while3A_43 : i32
    }
    %while3A_33 = arith.constant 1 : i32
    %while3A_34 = scf.for %while3A_40 = %while3A_30 to %while3A_26 step %while3A_33 iter_args(%while3A_41 = %while3A_32) -> (i32)  : i32 {
      %add3A_42 = arith.addi %add3A_4, %while3A_40 : i32
      %run_scoped3A = arith.constant 0 : i32
      "tpu.region"() ({
        %run_scoped3A_44 = tpu.sem_alloc : memref<!tpu.dma_semaphore, #tpu.memory_space<semaphore_mem>>
        %dma_start3A = arith.constant 0 : i32
        %dma_start3A_45 = tpu.memref_slice %arg2[%add3A_42, %run_scoped3A, %dma_start3A] : memref<4000x5x80xi32, #tpu.memory_space<hbm>> -> memref<1x1x80xi32, #tpu.memory_space<hbm>>
        %dma_start3A_46 = tpu.memref_squeeze %dma_start3A_45 : memref<1x1x80xi32, #tpu.memory_space<hbm>> -> memref<80xi32, #tpu.memory_space<hbm>>
        %dma_start3A_47 = arith.constant 0 : i32
        %dma_start3A_48 = tpu.memref_slice %arg2[%add3A_42, %run_scoped3A, %dma_start3A_47] : memref<4000x5x80xi32, #tpu.memory_space<hbm>> -> memref<1x1x80xi32, #tpu.memory_space<hbm>>
        %dma_start3A_49 = tpu.memref_squeeze %dma_start3A_48 : memref<1x1x80xi32, #tpu.memory_space<hbm>> -> memref<80xi32, #tpu.memory_space<hbm>>
        tpu.enqueue_dma source(%dma_start3A_49 : memref<80xi32, #tpu.memory_space<hbm>>) target(%arg4 : memref<80xi32, #tpu.memory_space<vmem>>) target_semaphore(%run_scoped3A_44 : memref<!tpu.dma_semaphore, #tpu.memory_space<semaphore_mem>>)
        %dma_wait3A = arith.constant 0 : i32
        %dma_wait3A_50 = tpu.memref_slice %arg2[%add3A_42, %run_scoped3A, %dma_wait3A] : memref<4000x5x80xi32, #tpu.memory_space<hbm>> -> memref<1x1x80xi32, #tpu.memory_space<hbm>>
        %dma_wait3A_51 = tpu.memref_squeeze %dma_wait3A_50 : memref<1x1x80xi32, #tpu.memory_space<hbm>> -> memref<80xi32, #tpu.memory_space<hbm>>
        %dma_wait3A_52 = arith.constant 0 : i32
        %dma_wait3A_53 = tpu.memref_slice %arg2[%add3A_42, %run_scoped3A, %dma_wait3A_52] : memref<4000x5x80xi32, #tpu.memory_space<hbm>> -> memref<1x1x80xi32, #tpu.memory_space<hbm>>
        %dma_wait3A_54 = tpu.memref_squeeze %dma_wait3A_53 : memref<1x1x80xi32, #tpu.memory_space<hbm>> -> memref<80xi32, #tpu.memory_space<hbm>>
        tpu.wait_dma2 semaphore(%run_scoped3A_44 : memref<!tpu.dma_semaphore, #tpu.memory_space<semaphore_mem>>) src(%dma_wait3A_54 : memref<80xi32, #tpu.memory_space<hbm>>) dst(%arg4 : memref<80xi32, #tpu.memory_space<vmem>>)
        tpu.yield
      }) : () -> ()
      "tpu.region"() ({
        %run_scoped3A_44 = tpu.sem_alloc : memref<!tpu.dma_semaphore, #tpu.memory_space<semaphore_mem>>
        %dma_start3A = arith.constant 0 : i32
        %dma_start3A_45 = tpu.memref_slice %arg7[%dma_start3A] : memref<10240xf32, #tpu.memory_space<vmem_shared>> -> memref<10240xf32, #tpu.memory_space<vmem_shared>>
        tpu.enqueue_indirect_dma source(%arg5 : memref<80xf32, #tpu.memory_space<vmem>>) target(%dma_start3A_45 : memref<10240xf32, #tpu.memory_space<vmem_shared>>) offsets(%arg4 : memref<80xi32, #tpu.memory_space<vmem>>) semaphore(%run_scoped3A_44 : memref<!tpu.dma_semaphore, #tpu.memory_space<semaphore_mem>>) {add = true}
        %dma_wait3A = arith.constant 0 : i32
        %dma_wait3A_46 = tpu.memref_slice %arg7[%dma_wait3A] : memref<10240xf32, #tpu.memory_space<vmem_shared>> -> memref<10240xf32, #tpu.memory_space<vmem_shared>>
        tpu.wait_indirect_dma semaphore(%run_scoped3A_44 : memref<!tpu.dma_semaphore, #tpu.memory_space<semaphore_mem>>) src(%arg5 : memref<80xf32, #tpu.memory_space<vmem>>) dst(%dma_wait3A_46 : memref<10240xf32, #tpu.memory_space<vmem_shared>>)
        tpu.yield
      }) : () -> ()
      %while3A_43 = arith.constant 0 : i32
      scf.yield %while3A_43 : i32
    }
    %barrier3A_35 = arith.constant 0 : index
    tpu.barrier barrier_id(%barrier3A_35)
    %mul3A_36 = arith.constant 640 : i32
    %mul3A_37 = arith.muli %arg1, %mul3A_36 : i32
    %mul3A_38 = arith.constant 640 : i32
    %mul3A_39 = arith.muli %arg1, %mul3A_38 : i32
    "tpu.region"() ({
      %run_scoped3A = tpu.sem_alloc : memref<!tpu.dma_semaphore, #tpu.memory_space<semaphore_mem>>
      %dma_start3A = tpu.memref_slice %arg3[%arg0, %mul3A_39] : memref<2x10240xf32, #tpu.memory_space<hbm>> -> memref<1x640xf32, #tpu.memory_space<hbm>>
      %dma_start3A_40 = tpu.memref_squeeze %dma_start3A : memref<1x640xf32, #tpu.memory_space<hbm>> -> memref<640xf32, #tpu.memory_space<hbm>>
      %dma_start3A_41 = tpu.memref_slice %arg7[%mul3A_37] : memref<10240xf32, #tpu.memory_space<vmem_shared>> -> memref<640xf32, #tpu.memory_space<vmem_shared>>
      tpu.enqueue_dma source(%dma_start3A_41 : memref<640xf32, #tpu.memory_space<vmem_shared>>) target(%dma_start3A_40 : memref<640xf32, #tpu.memory_space<hbm>>) target_semaphore(%run_scoped3A : memref<!tpu.dma_semaphore, #tpu.memory_space<semaphore_mem>>)
      %dma_wait3A = tpu.memref_slice %arg3[%arg0, %mul3A_39] : memref<2x10240xf32, #tpu.memory_space<hbm>> -> memref<1x640xf32, #tpu.memory_space<hbm>>
      %dma_wait3A_42 = tpu.memref_squeeze %dma_wait3A : memref<1x640xf32, #tpu.memory_space<hbm>> -> memref<640xf32, #tpu.memory_space<hbm>>
      %dma_wait3A_43 = tpu.memref_slice %arg7[%mul3A_37] : memref<10240xf32, #tpu.memory_space<vmem_shared>> -> memref<640xf32, #tpu.memory_space<vmem_shared>>
      tpu.wait_dma2 semaphore(%run_scoped3A : memref<!tpu.dma_semaphore, #tpu.memory_space<semaphore_mem>>) src(%dma_wait3A_43 : memref<640xf32, #tpu.memory_space<vmem_shared>>) dst(%dma_wait3A_42 : memref<640xf32, #tpu.memory_space<hbm>>)
      tpu.yield
    }) : () -> ()
    return
  }
}

#map = affine_map<(d0, d1) -> (0, 0, 0)>
#map1 = affine_map<(d0, d1) -> (0, 0)>
module attributes {stable_mosaic.version = 14 : i64} {
  func.func @_main_body(%arg0: i32, %arg1: i32, %arg2: memref<4000x5x80xi32, #tpu.memory_space<hbm>>, %arg3: memref<10000x256xf32, #tpu.memory_space<hbm>>, %arg4: memref<512x128xf32, #tpu.memory_space<hbm>>, %arg5: memref<2x5248x128xf32, #tpu.memory_space<hbm>>, %arg6: memref<5x80xi32, #tpu.memory_space<vmem>>, %arg7: memref<5x80xi32, #tpu.memory_space<vmem>>, %arg8: memref<80xi32, #tpu.memory_space<vmem>>, %arg9: memref<80xi32, #tpu.memory_space<vmem>>, %arg10: memref<80xi32, #tpu.memory_space<vmem>>, %arg11: memref<80xi32, #tpu.memory_space<vmem>>, %arg12: memref<80x256xf32, #tpu.memory_space<vmem>>, %arg13: memref<80x256xf32, #tpu.memory_space<vmem>>, %arg14: memref<80x128xf32, #tpu.memory_space<vmem>>, %arg15: memref<80x128xf32, #tpu.memory_space<vmem>>, %arg16: memref<5248x128xf32, #tpu.memory_space<vmem_shared>>, %arg17: memref<!tpu.dma_semaphore, #tpu.memory_space<semaphore_mem>>, %arg18: memref<!tpu.dma_semaphore, #tpu.memory_space<semaphore_mem>>, %arg19: memref<!tpu.dma_semaphore, #tpu.memory_space<semaphore_mem>>, %arg20: memref<!tpu.dma_semaphore, #tpu.memory_space<semaphore_mem>>, %arg21: memref<!tpu.dma_semaphore, #tpu.memory_space<semaphore_mem>>, %arg22: memref<!tpu.dma_semaphore, #tpu.memory_space<semaphore_mem>>) attributes {dimension_semantics = [#tpu.dimension_semantics<core_parallel>, #tpu.dimension_semantics<subcore_parallel>], iteration_bounds = array<i64: 2, 16>, scalar_prefetch = 0 : i64, scratch_operands = 17 : i64, tpu.core_type = #tpu.core_type<sc_vector_subcore>, window_params = [{transform_indices = #map}, {transform_indices = #map1}, {transform_indices = #map1}, {transform_indices = #map}]} {
    %mul3A = arith.constant 5120 : i32
    %mul3A_0 = arith.muli %arg0, %mul3A : i32
    %mul3A_1 = arith.constant 250 : i32
    %mul3A_2 = arith.muli %arg1, %mul3A_1 : i32
    %min3A = arith.constant 0 : i32
    %min3A_3 = arith.minsi %arg1, %min3A : i32
    %add3A = arith.addi %mul3A_2, %min3A_3 : i32
    %lt3A = arith.constant 0 : i32
    %lt3A_4 = arith.cmpi slt, %arg1, %lt3A : i32
    %jit3A = arith.constant 1 : i32
    %jit3A_5 = arith.constant 0 : i32
    %select_n3A = arith.select %lt3A_4, %jit3A, %jit3A_5 : i32
    %add3A_6 = arith.constant 250 : i32
    %add3A_7 = arith.addi %add3A_6, %select_n3A : i32
    %scan3A = arith.constant 0 : i32
    %scan3A_8 = arith.constant 0 : i32
    %scan3A_9 = arith.constant 640 : i32
    %scan3A_10 = arith.addi %scan3A_8, %scan3A_9 : i32
    %scan3A_11 = arith.constant 1 : i32
    %scan3A_12 = scf.for %scan3A_84 = %scan3A_8 to %scan3A_10 step %scan3A_11 iter_args(%scan3A_85 = %scan3A) -> (i32)  : i32 {
      %jit3A_86 = arith.constant 8 : i32
      %div3A = arith.divsi %scan3A_84, %jit3A_86 : i32
      %sign3A = arith.constant 0 : i32
      %sign3A_87 = arith.cmpi sgt, %scan3A_84, %sign3A : i32
      %sign3A_88 = arith.extui %sign3A_87 : i1 to i32
      %sign3A_89 = arith.constant 0 : i32
      %sign3A_90 = arith.cmpi slt, %scan3A_84, %sign3A_89 : i32
      %sign3A_91 = arith.extui %sign3A_90 : i1 to i32
      %sign3A_92 = arith.subi %sign3A_88, %sign3A_91 : i32
      %sign3A_93 = arith.constant 0 : i32
      %sign3A_94 = arith.cmpi sgt, %jit3A_86, %sign3A_93 : i32
      %sign3A_95 = arith.extui %sign3A_94 : i1 to i32
      %sign3A_96 = arith.constant 0 : i32
      %sign3A_97 = arith.cmpi slt, %jit3A_86, %sign3A_96 : i32
      %sign3A_98 = arith.extui %sign3A_97 : i1 to i32
      %sign3A_99 = arith.subi %sign3A_95, %sign3A_98 : i32
      %ne3A = arith.cmpi ne, %sign3A_92, %sign3A_99 : i32
      %rem3A = arith.remsi %scan3A_84, %jit3A_86 : i32
      %ne3A_100 = arith.constant 0 : i32
      %ne3A_101 = arith.cmpi ne, %rem3A, %ne3A_100 : i32
      %and3A = arith.andi %ne3A, %ne3A_101 : i1
      %sub3A = arith.constant 1 : i32
      %sub3A_102 = arith.subi %div3A, %sub3A : i32
      %select_n3A_103 = arith.select %and3A, %sub3A_102, %div3A : i32
      %jit3A_104 = arith.constant 8 : i32
      %eq3A = arith.constant 0 : i32
      %eq3A_105 = arith.cmpi eq, %jit3A_104, %eq3A : i32
      %jit3A_106 = arith.constant 1 : i32
      %select_n3A_107 = arith.select %eq3A_105, %jit3A_106, %jit3A_104 : i32
      %rem3A_108 = arith.remsi %scan3A_84, %select_n3A_107 : i32
      %ne3A_109 = arith.constant 0 : i32
      %ne3A_110 = arith.cmpi ne, %rem3A_108, %ne3A_109 : i32
      %lt3A_111 = arith.constant 0 : i32
      %lt3A_112 = arith.cmpi slt, %rem3A_108, %lt3A_111 : i32
      %lt3A_113 = arith.constant 0 : i32
      %lt3A_114 = arith.cmpi slt, %select_n3A_107, %lt3A_113 : i32
      %ne3A_115 = arith.xori %lt3A_112, %lt3A_114 : i1
      %and3A_116 = arith.andi %ne3A_115, %ne3A_110 : i1
      %add3A_117 = arith.addi %rem3A_108, %select_n3A_107 : i32
      %select_n3A_118 = arith.select %and3A_116, %add3A_117, %rem3A_108 : i32
      %broadcast_in_dim3A = arith.constant 0.000000e+00 : f32
      %broadcast_in_dim3A_119 = vector.broadcast %broadcast_in_dim3A : f32 to vector<16xf32>
      %mul3A_120 = arith.constant 16 : i32
      %mul3A_121 = arith.muli %select_n3A_118, %mul3A_120 : i32
      %swap3A = arith.index_cast %select_n3A_103 : i32 to index
      %swap3A_122 = arith.index_cast %mul3A_121 : i32 to index
      %swap3A_123 = tpu.vector_load %arg14[%swap3A, %swap3A_122] {strides = array<i32>} : memref<80x128xf32, #tpu.memory_space<vmem>>, vector<1x16xf32>,
      %swap3A_124 = vector.shape_cast %swap3A_123 : vector<1x16xf32> to vector<16xf32>
      %swap3A_125 = vector.shape_cast %broadcast_in_dim3A_119 : vector<16xf32> to vector<1x16xf32>
      tpu.vector_store %arg14[%swap3A, %swap3A_122], %swap3A_125 {strides = array<i32>} : memref<80x128xf32, #tpu.memory_space<vmem>>, vector<1x16xf32>,
      %scan3A_126 = arith.constant 0 : i32
      scf.yield %scan3A_126 : i32
    }
    %scan3A_13 = arith.constant 640 : i32
    %scan3A_14 = arith.constant 0 : i32
    %scan3A_15 = arith.constant 0 : i32
    %scan3A_16 = arith.constant 4 : i32
    %scan3A_17 = arith.addi %scan3A_15, %scan3A_16 : i32
    %scan3A_18 = arith.constant 1 : i32
    %scan3A_19 = scf.for %scan3A_84 = %scan3A_15 to %scan3A_17 step %scan3A_18 iter_args(%scan3A_85 = %scan3A_14) -> (i32)  : i32 {
      %mul3A_86 = arith.constant 328 : i32
      %mul3A_87 = arith.muli %arg1, %mul3A_86 : i32
      %mul3A_88 = arith.constant 80 : i32
      %mul3A_89 = arith.muli %scan3A_84, %mul3A_88 : i32
      %add3A_90 = arith.addi %mul3A_87, %mul3A_89 : i32
      "tpu.region"() ({
        %run_scoped3A = tpu.sem_alloc : memref<!tpu.dma_semaphore, #tpu.memory_space<semaphore_mem>>
        %dma_start3A_92 = arith.constant 0 : i32
        %dma_start3A_93 = tpu.memref_slice %arg16[%add3A_90, %dma_start3A_92] : memref<5248x128xf32, #tpu.memory_space<vmem_shared>> -> memref<80x128xf32, #tpu.memory_space<vmem_shared>>
        %dma_start3A_94 = arith.constant 0 : i32
        %dma_start3A_95 = tpu.memref_slice %arg16[%add3A_90, %dma_start3A_94] : memref<5248x128xf32, #tpu.memory_space<vmem_shared>> -> memref<80x128xf32, #tpu.memory_space<vmem_shared>>
        tpu.enqueue_dma source(%arg14 : memref<80x128xf32, #tpu.memory_space<vmem>>) target(%dma_start3A_95 : memref<80x128xf32, #tpu.memory_space<vmem_shared>>) target_semaphore(%run_scoped3A : memref<!tpu.dma_semaphore, #tpu.memory_space<semaphore_mem>>)
        %dma_wait3A_96 = arith.constant 0 : i32
        %dma_wait3A_97 = tpu.memref_slice %arg16[%add3A_90, %dma_wait3A_96] : memref<5248x128xf32, #tpu.memory_space<vmem_shared>> -> memref<80x128xf32, #tpu.memory_space<vmem_shared>>
        %dma_wait3A_98 = arith.constant 0 : i32
        %dma_wait3A_99 = tpu.memref_slice %arg16[%add3A_90, %dma_wait3A_98] : memref<5248x128xf32, #tpu.memory_space<vmem_shared>> -> memref<80x128xf32, #tpu.memory_space<vmem_shared>>
        tpu.wait_dma2 semaphore(%run_scoped3A : memref<!tpu.dma_semaphore, #tpu.memory_space<semaphore_mem>>) src(%arg14 : memref<80x128xf32, #tpu.memory_space<vmem>>) dst(%dma_wait3A_99 : memref<80x128xf32, #tpu.memory_space<vmem_shared>>)
        tpu.yield
      }) : () -> ()
      %scan3A_91 = arith.constant 0 : i32
      scf.yield %scan3A_91 : i32
    }
    %scan3A_20 = arith.constant 4 : i32
    %mul3A_21 = arith.constant 328 : i32
    %mul3A_22 = arith.muli %arg1, %mul3A_21 : i32
    %add3A_23 = arith.constant 320 : i32
    %add3A_24 = arith.addi %mul3A_22, %add3A_23 : i32
    "tpu.region"() ({
      %run_scoped3A = tpu.sem_alloc : memref<!tpu.dma_semaphore, #tpu.memory_space<semaphore_mem>>
      %dma_start3A_84 = arith.constant 0 : i32
      %dma_start3A_85 = arith.constant 0 : i32
      %dma_start3A_86 = tpu.memref_slice %arg14[%dma_start3A_84, %dma_start3A_85] : memref<80x128xf32, #tpu.memory_space<vmem>> -> memref<8x128xf32, #tpu.memory_space<vmem>>
      %dma_start3A_87 = arith.constant 0 : i32
      %dma_start3A_88 = tpu.memref_slice %arg16[%add3A_24, %dma_start3A_87] : memref<5248x128xf32, #tpu.memory_space<vmem_shared>> -> memref<8x128xf32, #tpu.memory_space<vmem_shared>>
      %dma_start3A_89 = arith.constant 0 : i32
      %dma_start3A_90 = tpu.memref_slice %arg16[%add3A_24, %dma_start3A_89] : memref<5248x128xf32, #tpu.memory_space<vmem_shared>> -> memref<8x128xf32, #tpu.memory_space<vmem_shared>>
      %dma_start3A_91 = arith.constant 0 : i32
      %dma_start3A_92 = arith.constant 0 : i32
      %dma_start3A_93 = tpu.memref_slice %arg14[%dma_start3A_91, %dma_start3A_92] : memref<80x128xf32, #tpu.memory_space<vmem>> -> memref<8x128xf32, #tpu.memory_space<vmem>>
      tpu.enqueue_dma source(%dma_start3A_93 : memref<8x128xf32, #tpu.memory_space<vmem>>) target(%dma_start3A_90 : memref<8x128xf32, #tpu.memory_space<vmem_shared>>) target_semaphore(%run_scoped3A : memref<!tpu.dma_semaphore, #tpu.memory_space<semaphore_mem>>)
      %dma_wait3A_94 = arith.constant 0 : i32
      %dma_wait3A_95 = arith.constant 0 : i32
      %dma_wait3A_96 = tpu.memref_slice %arg14[%dma_wait3A_94, %dma_wait3A_95] : memref<80x128xf32, #tpu.memory_space<vmem>> -> memref<8x128xf32, #tpu.memory_space<vmem>>
      %dma_wait3A_97 = arith.constant 0 : i32
      %dma_wait3A_98 = tpu.memref_slice %arg16[%add3A_24, %dma_wait3A_97] : memref<5248x128xf32, #tpu.memory_space<vmem_shared>> -> memref<8x128xf32, #tpu.memory_space<vmem_shared>>
      %dma_wait3A_99 = arith.constant 0 : i32
      %dma_wait3A_100 = tpu.memref_slice %arg16[%add3A_24, %dma_wait3A_99] : memref<5248x128xf32, #tpu.memory_space<vmem_shared>> -> memref<8x128xf32, #tpu.memory_space<vmem_shared>>
      %dma_wait3A_101 = arith.constant 0 : i32
      %dma_wait3A_102 = arith.constant 0 : i32
      %dma_wait3A_103 = tpu.memref_slice %arg14[%dma_wait3A_101, %dma_wait3A_102] : memref<80x128xf32, #tpu.memory_space<vmem>> -> memref<8x128xf32, #tpu.memory_space<vmem>>
      tpu.wait_dma2 semaphore(%run_scoped3A : memref<!tpu.dma_semaphore, #tpu.memory_space<semaphore_mem>>) src(%dma_wait3A_103 : memref<8x128xf32, #tpu.memory_space<vmem>>) dst(%dma_wait3A_100 : memref<8x128xf32, #tpu.memory_space<vmem_shared>>)
      tpu.yield
    }) : () -> ()
    %barrier3A = arith.constant 0 : index
    tpu.barrier barrier_id(%barrier3A)
    %dma_start3A = arith.constant 0 : i32
    %dma_start3A_25 = arith.constant 0 : i32
    %dma_start3A_26 = tpu.memref_slice %arg2[%add3A, %dma_start3A, %dma_start3A_25] : memref<4000x5x80xi32, #tpu.memory_space<hbm>> -> memref<1x5x80xi32, #tpu.memory_space<hbm>>
    %dma_start3A_27 = tpu.memref_squeeze %dma_start3A_26 : memref<1x5x80xi32, #tpu.memory_space<hbm>> -> memref<5x80xi32, #tpu.memory_space<hbm>>
    %dma_start3A_28 = arith.constant 0 : i32
    %dma_start3A_29 = arith.constant 0 : i32
    %dma_start3A_30 = tpu.memref_slice %arg2[%add3A, %dma_start3A_28, %dma_start3A_29] : memref<4000x5x80xi32, #tpu.memory_space<hbm>> -> memref<1x5x80xi32, #tpu.memory_space<hbm>>
    %dma_start3A_31 = tpu.memref_squeeze %dma_start3A_30 : memref<1x5x80xi32, #tpu.memory_space<hbm>> -> memref<5x80xi32, #tpu.memory_space<hbm>>
    tpu.enqueue_dma source(%dma_start3A_31 : memref<5x80xi32, #tpu.memory_space<hbm>>) target(%arg6 : memref<5x80xi32, #tpu.memory_space<vmem>>) target_semaphore(%arg17 : memref<!tpu.dma_semaphore, #tpu.memory_space<semaphore_mem>>)
    %add3A_32 = arith.constant 1 : i32
    %add3A_33 = arith.addi %add3A, %add3A_32 : i32
    %dma_start3A_34 = arith.constant 0 : i32
    %dma_start3A_35 = arith.constant 0 : i32
    %dma_start3A_36 = tpu.memref_slice %arg2[%add3A_33, %dma_start3A_34, %dma_start3A_35] : memref<4000x5x80xi32, #tpu.memory_space<hbm>> -> memref<1x5x80xi32, #tpu.memory_space<hbm>>
    %dma_start3A_37 = tpu.memref_squeeze %dma_start3A_36 : memref<1x5x80xi32, #tpu.memory_space<hbm>> -> memref<5x80xi32, #tpu.memory_space<hbm>>
    %dma_start3A_38 = arith.constant 0 : i32
    %dma_start3A_39 = arith.constant 0 : i32
    %dma_start3A_40 = tpu.memref_slice %arg2[%add3A_33, %dma_start3A_38, %dma_start3A_39] : memref<4000x5x80xi32, #tpu.memory_space<hbm>> -> memref<1x5x80xi32, #tpu.memory_space<hbm>>
    %dma_start3A_41 = tpu.memref_squeeze %dma_start3A_40 : memref<1x5x80xi32, #tpu.memory_space<hbm>> -> memref<5x80xi32, #tpu.memory_space<hbm>>
    tpu.enqueue_dma source(%dma_start3A_41 : memref<5x80xi32, #tpu.memory_space<hbm>>) target(%arg7 : memref<5x80xi32, #tpu.memory_space<vmem>>) target_semaphore(%arg18 : memref<!tpu.dma_semaphore, #tpu.memory_space<semaphore_mem>>)
    %dma_wait3A = arith.constant 0 : i32
    %dma_wait3A_42 = arith.constant 0 : i32
    %dma_wait3A_43 = tpu.memref_slice %arg2[%add3A, %dma_wait3A, %dma_wait3A_42] : memref<4000x5x80xi32, #tpu.memory_space<hbm>> -> memref<1x5x80xi32, #tpu.memory_space<hbm>>
    %dma_wait3A_44 = tpu.memref_squeeze %dma_wait3A_43 : memref<1x5x80xi32, #tpu.memory_space<hbm>> -> memref<5x80xi32, #tpu.memory_space<hbm>>
    %dma_wait3A_45 = arith.constant 0 : i32
    %dma_wait3A_46 = arith.constant 0 : i32
    %dma_wait3A_47 = tpu.memref_slice %arg2[%add3A, %dma_wait3A_45, %dma_wait3A_46] : memref<4000x5x80xi32, #tpu.memory_space<hbm>> -> memref<1x5x80xi32, #tpu.memory_space<hbm>>
    %dma_wait3A_48 = tpu.memref_squeeze %dma_wait3A_47 : memref<1x5x80xi32, #tpu.memory_space<hbm>> -> memref<5x80xi32, #tpu.memory_space<hbm>>
    tpu.wait_dma2 semaphore(%arg17 : memref<!tpu.dma_semaphore, #tpu.memory_space<semaphore_mem>>) src(%dma_wait3A_48 : memref<5x80xi32, #tpu.memory_space<hbm>>) dst(%arg6 : memref<5x80xi32, #tpu.memory_space<vmem>>)
    %scan3A_49 = arith.constant 0 : i32
    %scan3A_50 = arith.constant 0 : i32
    %scan3A_51 = arith.constant 5 : i32
    %scan3A_52 = arith.addi %scan3A_50, %scan3A_51 : i32
    %scan3A_53 = arith.constant 1 : i32
    %scan3A_54 = scf.for %scan3A_84 = %scan3A_50 to %scan3A_52 step %scan3A_53 iter_args(%scan3A_85 = %scan3A_49) -> (i32)  : i32 {
      %mul3A_86 = arith.constant 16 : i32
      %mul3A_87 = arith.muli %scan3A_84, %mul3A_86 : i32
      %get3A = arith.constant 2 : i32
      %get3A_88 = arith.index_cast %get3A : i32 to index
      %get3A_89 = arith.index_cast %mul3A_87 : i32 to index
      %get3A_90 = tpu.vector_load %arg6[%get3A_88, %get3A_89] {strides = array<i32>} : memref<5x80xi32, #tpu.memory_space<vmem>>, vector<1x16xi32>,
      %get3A_91 = vector.shape_cast %get3A_90 : vector<1x16xi32> to vector<16xi32>
      %mul3A_92 = arith.constant 8 : i32
      %mul3A_93 = vector.broadcast %mul3A_92 : i32 to vector<16xi32>
      %mul3A_94 = arith.muli %get3A_91, %mul3A_93 : vector<16xi32>
      %get3A_95 = arith.constant 3 : i32
      %get3A_96 = arith.index_cast %get3A_95 : i32 to index
      %get3A_97 = arith.index_cast %mul3A_87 : i32 to index
      %get3A_98 = tpu.vector_load %arg6[%get3A_96, %get3A_97] {strides = array<i32>} : memref<5x80xi32, #tpu.memory_space<vmem>>, vector<1x16xi32>,
      %get3A_99 = vector.shape_cast %get3A_98 : vector<1x16xi32> to vector<16xi32>
      %add3A_100 = arith.addi %mul3A_94, %get3A_99 : vector<16xi32>
      %mul3A_101 = arith.constant 8 : i32
      %mul3A_102 = vector.broadcast %mul3A_101 : i32 to vector<16xi32>
      %mul3A_103 = arith.muli %add3A_100, %mul3A_102 : vector<16xi32>
      %get3A_104 = arith.constant 4 : i32
      %get3A_105 = arith.index_cast %get3A_104 : i32 to index
      %get3A_106 = arith.index_cast %mul3A_87 : i32 to index
      %get3A_107 = tpu.vector_load %arg6[%get3A_105, %get3A_106] {strides = array<i32>} : memref<5x80xi32, #tpu.memory_space<vmem>>, vector<1x16xi32>,
      %get3A_108 = vector.shape_cast %get3A_107 : vector<1x16xi32> to vector<16xi32>
      %add3A_109 = arith.addi %mul3A_103, %get3A_108 : vector<16xi32>
      %swap3A = arith.index_cast %mul3A_87 : i32 to index
      %swap3A_110 = tpu.vector_load %arg8[%swap3A] {strides = array<i32>} : memref<80xi32, #tpu.memory_space<vmem>>, vector<16xi32>,
      %swap3A_111 = vector.shape_cast %swap3A_110 : vector<16xi32> to vector<16xi32>
      %swap3A_112 = vector.shape_cast %add3A_109 : vector<16xi32> to vector<16xi32>
      tpu.vector_store %arg8[%swap3A], %swap3A_112 {strides = array<i32>} : memref<80xi32, #tpu.memory_space<vmem>>, vector<16xi32>,
      %get3A_113 = arith.constant 1 : i32
      %get3A_114 = arith.index_cast %get3A_113 : i32 to index
      %get3A_115 = arith.index_cast %mul3A_87 : i32 to index
      %get3A_116 = tpu.vector_load %arg6[%get3A_114, %get3A_115] {strides = array<i32>} : memref<5x80xi32, #tpu.memory_space<vmem>>, vector<1x16xi32>,
      %get3A_117 = vector.shape_cast %get3A_116 : vector<1x16xi32> to vector<16xi32>
      %sub3A = vector.broadcast %mul3A_0 : i32 to vector<16xi32>
      %sub3A_118 = arith.subi %get3A_117, %sub3A : vector<16xi32>
      %ge3A = arith.constant 0 : i32
      %ge3A_119 = vector.broadcast %ge3A : i32 to vector<16xi32>
      %ge3A_120 = arith.cmpi sge, %sub3A_118, %ge3A_119 : vector<16xi32>
      %lt3A_121 = arith.constant 5120 : i32
      %lt3A_122 = vector.broadcast %lt3A_121 : i32 to vector<16xi32>
      %lt3A_123 = arith.cmpi slt, %sub3A_118, %lt3A_122 : vector<16xi32>
      %and3A = arith.andi %ge3A_120, %lt3A_123 : vector<16xi1>
      %jit3A_124 = arith.constant 5120 : i32
      %broadcast_in_dim3A = vector.broadcast %jit3A_124 : i32 to vector<16xi32>
      %select_n3A_125 = arith.select %and3A, %sub3A_118, %broadcast_in_dim3A : vector<16xi1>, vector<16xi32>
      %swap3A_126 = arith.index_cast %mul3A_87 : i32 to index
      %swap3A_127 = tpu.vector_load %arg10[%swap3A_126] {strides = array<i32>} : memref<80xi32, #tpu.memory_space<vmem>>, vector<16xi32>,
      %swap3A_128 = vector.shape_cast %swap3A_127 : vector<16xi32> to vector<16xi32>
      %swap3A_129 = vector.shape_cast %select_n3A_125 : vector<16xi32> to vector<16xi32>
      tpu.vector_store %arg10[%swap3A_126], %swap3A_129 {strides = array<i32>} : memref<80xi32, #tpu.memory_space<vmem>>, vector<16xi32>,
      %scan3A_130 = arith.constant 0 : i32
      scf.yield %scan3A_130 : i32
    }
    %scan3A_55 = arith.constant 5 : i32
    %dma_start3A_56 = arith.constant 0 : i32
    %dma_start3A_57 = arith.constant 0 : i32
    %dma_start3A_58 = tpu.memref_slice %arg6[%dma_start3A_56, %dma_start3A_57] : memref<5x80xi32, #tpu.memory_space<vmem>> -> memref<1x80xi32, #tpu.memory_space<vmem>>
    %dma_start3A_59 = tpu.memref_squeeze %dma_start3A_58 : memref<1x80xi32, #tpu.memory_space<vmem>> -> memref<80xi32, #tpu.memory_space<vmem>>
    %dma_start3A_60 = arith.constant 0 : i32
    %dma_start3A_61 = arith.constant 0 : i32
    %dma_start3A_62 = tpu.memref_slice %arg3[%dma_start3A_60, %dma_start3A_61] : memref<10000x256xf32, #tpu.memory_space<hbm>> -> memref<10000x256xf32, #tpu.memory_space<hbm>>
    tpu.enqueue_indirect_dma source(%dma_start3A_62 : memref<10000x256xf32, #tpu.memory_space<hbm>>) target(%arg12 : memref<80x256xf32, #tpu.memory_space<vmem>>) offsets(%dma_start3A_59 : memref<80xi32, #tpu.memory_space<vmem>>) semaphore(%arg19 : memref<!tpu.dma_semaphore, #tpu.memory_space<semaphore_mem>>)
    %dma_start3A_63 = arith.constant 0 : i32
    %dma_start3A_64 = arith.constant 0 : i32
    %dma_start3A_65 = tpu.memref_slice %arg4[%dma_start3A_63, %dma_start3A_64] : memref<512x128xf32, #tpu.memory_space<hbm>> -> memref<512x128xf32, #tpu.memory_space<hbm>>
    tpu.enqueue_indirect_dma source(%dma_start3A_65 : memref<512x128xf32, #tpu.memory_space<hbm>>) target(%arg14 : memref<80x128xf32, #tpu.memory_space<vmem>>) offsets(%arg8 : memref<80xi32, #tpu.memory_space<vmem>>) semaphore(%arg19 : memref<!tpu.dma_semaphore, #tpu.memory_space<semaphore_mem>>)
    %scan3A_66 = arith.constant 0 : i32
    %scan3A_67 = arith.constant 0 : i32
    %scan3A_68 = arith.constant 125 : i32
    %scan3A_69 = arith.addi %scan3A_67, %scan3A_68 : i32
    %scan3A_70 = arith.constant 1 : i32
    %scan3A_71 = scf.for %scan3A_84 = %scan3A_67 to %scan3A_69 step %scan3A_70 iter_args(%scan3A_85 = %scan3A_66) -> (i32)  : i32 {
      %mul3A_86 = arith.constant 2 : i32
      %mul3A_87 = arith.muli %mul3A_86, %scan3A_84 : i32
      %add3A_88 = arith.constant 0 : i32
      %add3A_89 = arith.addi %mul3A_87, %add3A_88 : i32
      %lt3A_90 = arith.cmpi slt, %add3A_89, %add3A_7 : i32
      %convert_element_type3A = arith.extui %lt3A_90 : i1 to i32
      %cond3A = arith.constant 0 : i32
      %cond3A_91 = arith.cmpi ne, %convert_element_type3A, %cond3A : i32
      scf.if %cond3A_91 {
        %dma_wait3A_101 = arith.constant 0 : i32
        %dma_wait3A_102 = arith.constant 0 : i32
        %dma_wait3A_103 = tpu.memref_slice %arg6[%dma_wait3A_101, %dma_wait3A_102] : memref<5x80xi32, #tpu.memory_space<vmem>> -> memref<1x80xi32, #tpu.memory_space<vmem>>
        %dma_wait3A_104 = tpu.memref_squeeze %dma_wait3A_103 : memref<1x80xi32, #tpu.memory_space<vmem>> -> memref<80xi32, #tpu.memory_space<vmem>>
        %dma_wait3A_105 = arith.constant 0 : i32
        %dma_wait3A_106 = arith.constant 0 : i32
        %dma_wait3A_107 = tpu.memref_slice %arg3[%dma_wait3A_105, %dma_wait3A_106] : memref<10000x256xf32, #tpu.memory_space<hbm>> -> memref<10000x256xf32, #tpu.memory_space<hbm>>
        tpu.wait_indirect_dma semaphore(%arg19 : memref<!tpu.dma_semaphore, #tpu.memory_space<semaphore_mem>>) src(%dma_wait3A_107 : memref<10000x256xf32, #tpu.memory_space<hbm>>) dst(%arg12 : memref<80x256xf32, #tpu.memory_space<vmem>>)
        %dma_wait3A_108 = arith.constant 0 : i32
        %dma_wait3A_109 = arith.constant 0 : i32
        %dma_wait3A_110 = tpu.memref_slice %arg4[%dma_wait3A_108, %dma_wait3A_109] : memref<512x128xf32, #tpu.memory_space<hbm>> -> memref<512x128xf32, #tpu.memory_space<hbm>>
        tpu.wait_indirect_dma semaphore(%arg19 : memref<!tpu.dma_semaphore, #tpu.memory_space<semaphore_mem>>) src(%dma_wait3A_110 : memref<512x128xf32, #tpu.memory_space<hbm>>) dst(%arg14 : memref<80x128xf32, #tpu.memory_space<vmem>>)
        %sub3A = arith.constant 2 : i32
        %sub3A_111 = arith.subi %add3A_7, %sub3A : i32
        %lt3A_112 = arith.cmpi slt, %add3A_89, %sub3A_111 : i32
        %convert_element_type3A_113 = arith.extui %lt3A_112 : i1 to i32
        %cond3A_114 = arith.constant 0 : i32
        %cond3A_115 = arith.cmpi ne, %convert_element_type3A_113, %cond3A_114 : i32
        scf.if %cond3A_115 {
          %add3A_127 = arith.addi %add3A, %add3A_89 : i32
          %add3A_128 = arith.constant 2 : i32
          %add3A_129 = arith.addi %add3A_127, %add3A_128 : i32
          %dma_start3A_130 = arith.constant 0 : i32
          %dma_start3A_131 = arith.constant 0 : i32
          %dma_start3A_132 = tpu.memref_slice %arg2[%add3A_129, %dma_start3A_130, %dma_start3A_131] : memref<4000x5x80xi32, #tpu.memory_space<hbm>> -> memref<1x5x80xi32, #tpu.memory_space<hbm>>
          %dma_start3A_133 = tpu.memref_squeeze %dma_start3A_132 : memref<1x5x80xi32, #tpu.memory_space<hbm>> -> memref<5x80xi32, #tpu.memory_space<hbm>>
          %dma_start3A_134 = arith.constant 0 : i32
          %dma_start3A_135 = arith.constant 0 : i32
          %dma_start3A_136 = tpu.memref_slice %arg2[%add3A_129, %dma_start3A_134, %dma_start3A_135] : memref<4000x5x80xi32, #tpu.memory_space<hbm>> -> memref<1x5x80xi32, #tpu.memory_space<hbm>>
          %dma_start3A_137 = tpu.memref_squeeze %dma_start3A_136 : memref<1x5x80xi32, #tpu.memory_space<hbm>> -> memref<5x80xi32, #tpu.memory_space<hbm>>
          tpu.enqueue_dma source(%dma_start3A_137 : memref<5x80xi32, #tpu.memory_space<hbm>>) target(%arg6 : memref<5x80xi32, #tpu.memory_space<vmem>>) target_semaphore(%arg17 : memref<!tpu.dma_semaphore, #tpu.memory_space<semaphore_mem>>)
        } else {
        }
        %parallel_loop3A = arith.constant 0 : i32
        %parallel_loop3A_116 = arith.constant 80 : i32
        %parallel_loop3A_117 = arith.constant 1 : i32
        scf.for %parallel_loop3A_127 = %parallel_loop3A to %parallel_loop3A_116 step %parallel_loop3A_117  : i32 {
          %parallel_loop3A_128 = arith.index_cast %parallel_loop3A_127 : i32 to index
          %parallel_loop3A_129 = arith.constant 128 : index
          %parallel_loop3A_130 = tpu.vector_load %arg12[%parallel_loop3A_128, %parallel_loop3A_129] {strides = array<i32>} : memref<80x256xf32, #tpu.memory_space<vmem>>, vector<1x16xf32>,
          %parallel_loop3A_131 = vector.shape_cast %parallel_loop3A_130 : vector<1x16xf32> to vector<16xf32>
          %parallel_loop3A_132 = arith.index_cast %parallel_loop3A_127 : i32 to index
          %parallel_loop3A_133 = arith.constant 0 : index
          %parallel_loop3A_134 = tpu.vector_load %arg12[%parallel_loop3A_132, %parallel_loop3A_133] {strides = array<i32>} : memref<80x256xf32, #tpu.memory_space<vmem>>, vector<1x16xf32>,
          %parallel_loop3A_135 = vector.shape_cast %parallel_loop3A_134 : vector<1x16xf32> to vector<16xf32>
          %parallel_loop3A_136 = arith.index_cast %parallel_loop3A_127 : i32 to index
          %parallel_loop3A_137 = arith.constant 0 : index
          %parallel_loop3A_138 = tpu.vector_load %arg14[%parallel_loop3A_136, %parallel_loop3A_137] {strides = array<i32>} : memref<80x128xf32, #tpu.memory_space<vmem>>, vector<1x16xf32>,
          %parallel_loop3A_139 = vector.shape_cast %parallel_loop3A_138 : vector<1x16xf32> to vector<16xf32>
          %parallel_loop3A_140 = arith.mulf %parallel_loop3A_131, %parallel_loop3A_139 : vector<16xf32>
          %parallel_loop3A_141 = arith.addf %parallel_loop3A_135, %parallel_loop3A_140 : vector<16xf32>
          %parallel_loop3A_142 = arith.constant 0.000000e+00 : f32
          %parallel_loop3A_143 = vector.broadcast %parallel_loop3A_142 : f32 to vector<16xf32>
          %parallel_loop3A_144 = arith.maximumf %parallel_loop3A_141, %parallel_loop3A_143 : vector<16xf32>
          %parallel_loop3A_145 = arith.index_cast %parallel_loop3A_127 : i32 to index
          %parallel_loop3A_146 = arith.constant 0 : index
          %parallel_loop3A_147 = tpu.vector_load %arg14[%parallel_loop3A_145, %parallel_loop3A_146] {strides = array<i32>} : memref<80x128xf32, #tpu.memory_space<vmem>>, vector<1x16xf32>,
          %parallel_loop3A_148 = vector.shape_cast %parallel_loop3A_147 : vector<1x16xf32> to vector<16xf32>
          %parallel_loop3A_149 = vector.shape_cast %parallel_loop3A_144 : vector<16xf32> to vector<1x16xf32>
          tpu.vector_store %arg14[%parallel_loop3A_145, %parallel_loop3A_146], %parallel_loop3A_149 {strides = array<i32>} : memref<80x128xf32, #tpu.memory_space<vmem>>, vector<1x16xf32>,
          %parallel_loop3A_150 = arith.index_cast %parallel_loop3A_127 : i32 to index
          %parallel_loop3A_151 = arith.constant 16 : index
          %parallel_loop3A_152 = tpu.vector_load %arg12[%parallel_loop3A_150, %parallel_loop3A_151] {strides = array<i32>} : memref<80x256xf32, #tpu.memory_space<vmem>>, vector<1x16xf32>,
          %parallel_loop3A_153 = vector.shape_cast %parallel_loop3A_152 : vector<1x16xf32> to vector<16xf32>
          %parallel_loop3A_154 = arith.index_cast %parallel_loop3A_127 : i32 to index
          %parallel_loop3A_155 = arith.constant 16 : index
          %parallel_loop3A_156 = tpu.vector_load %arg14[%parallel_loop3A_154, %parallel_loop3A_155] {strides = array<i32>} : memref<80x128xf32, #tpu.memory_space<vmem>>, vector<1x16xf32>,
          %parallel_loop3A_157 = vector.shape_cast %parallel_loop3A_156 : vector<1x16xf32> to vector<16xf32>
          %parallel_loop3A_158 = arith.mulf %parallel_loop3A_131, %parallel_loop3A_157 : vector<16xf32>
          %parallel_loop3A_159 = arith.addf %parallel_loop3A_153, %parallel_loop3A_158 : vector<16xf32>
          %parallel_loop3A_160 = arith.constant 0.000000e+00 : f32
          %parallel_loop3A_161 = vector.broadcast %parallel_loop3A_160 : f32 to vector<16xf32>
          %parallel_loop3A_162 = arith.maximumf %parallel_loop3A_159, %parallel_loop3A_161 : vector<16xf32>
          %parallel_loop3A_163 = arith.index_cast %parallel_loop3A_127 : i32 to index
          %parallel_loop3A_164 = arith.constant 16 : index
          %parallel_loop3A_165 = tpu.vector_load %arg14[%parallel_loop3A_163, %parallel_loop3A_164] {strides = array<i32>} : memref<80x128xf32, #tpu.memory_space<vmem>>, vector<1x16xf32>,
          %parallel_loop3A_166 = vector.shape_cast %parallel_loop3A_165 : vector<1x16xf32> to vector<16xf32>
          %parallel_loop3A_167 = vector.shape_cast %parallel_loop3A_162 : vector<16xf32> to vector<1x16xf32>
          tpu.vector_store %arg14[%parallel_loop3A_163, %parallel_loop3A_164], %parallel_loop3A_167 {strides = array<i32>} : memref<80x128xf32, #tpu.memory_space<vmem>>, vector<1x16xf32>,
          %parallel_loop3A_168 = arith.index_cast %parallel_loop3A_127 : i32 to index
          %parallel_loop3A_169 = arith.constant 32 : index
          %parallel_loop3A_170 = tpu.vector_load %arg12[%parallel_loop3A_168, %parallel_loop3A_169] {strides = array<i32>} : memref<80x256xf32, #tpu.memory_space<vmem>>, vector<1x16xf32>,
          %parallel_loop3A_171 = vector.shape_cast %parallel_loop3A_170 : vector<1x16xf32> to vector<16xf32>
          %parallel_loop3A_172 = arith.index_cast %parallel_loop3A_127 : i32 to index
          %parallel_loop3A_173 = arith.constant 32 : index
          %parallel_loop3A_174 = tpu.vector_load %arg14[%parallel_loop3A_172, %parallel_loop3A_173] {strides = array<i32>} : memref<80x128xf32, #tpu.memory_space<vmem>>, vector<1x16xf32>,
          %parallel_loop3A_175 = vector.shape_cast %parallel_loop3A_174 : vector<1x16xf32> to vector<16xf32>
          %parallel_loop3A_176 = arith.mulf %parallel_loop3A_131, %parallel_loop3A_175 : vector<16xf32>
          %parallel_loop3A_177 = arith.addf %parallel_loop3A_171, %parallel_loop3A_176 : vector<16xf32>
          %parallel_loop3A_178 = arith.constant 0.000000e+00 : f32
          %parallel_loop3A_179 = vector.broadcast %parallel_loop3A_178 : f32 to vector<16xf32>
          %parallel_loop3A_180 = arith.maximumf %parallel_loop3A_177, %parallel_loop3A_179 : vector<16xf32>
          %parallel_loop3A_181 = arith.index_cast %parallel_loop3A_127 : i32 to index
          %parallel_loop3A_182 = arith.constant 32 : index
          %parallel_loop3A_183 = tpu.vector_load %arg14[%parallel_loop3A_181, %parallel_loop3A_182] {strides = array<i32>} : memref<80x128xf32, #tpu.memory_space<vmem>>, vector<1x16xf32>,
          %parallel_loop3A_184 = vector.shape_cast %parallel_loop3A_183 : vector<1x16xf32> to vector<16xf32>
          %parallel_loop3A_185 = vector.shape_cast %parallel_loop3A_180 : vector<16xf32> to vector<1x16xf32>
          tpu.vector_store %arg14[%parallel_loop3A_181, %parallel_loop3A_182], %parallel_loop3A_185 {strides = array<i32>} : memref<80x128xf32, #tpu.memory_space<vmem>>, vector<1x16xf32>,
          %parallel_loop3A_186 = arith.index_cast %parallel_loop3A_127 : i32 to index
          %parallel_loop3A_187 = arith.constant 48 : index
          %parallel_loop3A_188 = tpu.vector_load %arg12[%parallel_loop3A_186, %parallel_loop3A_187] {strides = array<i32>} : memref<80x256xf32, #tpu.memory_space<vmem>>, vector<1x16xf32>,
          %parallel_loop3A_189 = vector.shape_cast %parallel_loop3A_188 : vector<1x16xf32> to vector<16xf32>
          %parallel_loop3A_190 = arith.index_cast %parallel_loop3A_127 : i32 to index
          %parallel_loop3A_191 = arith.constant 48 : index
          %parallel_loop3A_192 = tpu.vector_load %arg14[%parallel_loop3A_190, %parallel_loop3A_191] {strides = array<i32>} : memref<80x128xf32, #tpu.memory_space<vmem>>, vector<1x16xf32>,
          %parallel_loop3A_193 = vector.shape_cast %parallel_loop3A_192 : vector<1x16xf32> to vector<16xf32>
          %parallel_loop3A_194 = arith.mulf %parallel_loop3A_131, %parallel_loop3A_193 : vector<16xf32>
          %parallel_loop3A_195 = arith.addf %parallel_loop3A_189, %parallel_loop3A_194 : vector<16xf32>
          %parallel_loop3A_196 = arith.constant 0.000000e+00 : f32
          %parallel_loop3A_197 = vector.broadcast %parallel_loop3A_196 : f32 to vector<16xf32>
          %parallel_loop3A_198 = arith.maximumf %parallel_loop3A_195, %parallel_loop3A_197 : vector<16xf32>
          %parallel_loop3A_199 = arith.index_cast %parallel_loop3A_127 : i32 to index
          %parallel_loop3A_200 = arith.constant 48 : index
          %parallel_loop3A_201 = tpu.vector_load %arg14[%parallel_loop3A_199, %parallel_loop3A_200] {strides = array<i32>} : memref<80x128xf32, #tpu.memory_space<vmem>>, vector<1x16xf32>,
          %parallel_loop3A_202 = vector.shape_cast %parallel_loop3A_201 : vector<1x16xf32> to vector<16xf32>
          %parallel_loop3A_203 = vector.shape_cast %parallel_loop3A_198 : vector<16xf32> to vector<1x16xf32>
          tpu.vector_store %arg14[%parallel_loop3A_199, %parallel_loop3A_200], %parallel_loop3A_203 {strides = array<i32>} : memref<80x128xf32, #tpu.memory_space<vmem>>, vector<1x16xf32>,
          %parallel_loop3A_204 = arith.index_cast %parallel_loop3A_127 : i32 to index
          %parallel_loop3A_205 = arith.constant 64 : index
          %parallel_loop3A_206 = tpu.vector_load %arg12[%parallel_loop3A_204, %parallel_loop3A_205] {strides = array<i32>} : memref<80x256xf32, #tpu.memory_space<vmem>>, vector<1x16xf32>,
          %parallel_loop3A_207 = vector.shape_cast %parallel_loop3A_206 : vector<1x16xf32> to vector<16xf32>
          %parallel_loop3A_208 = arith.index_cast %parallel_loop3A_127 : i32 to index
          %parallel_loop3A_209 = arith.constant 64 : index
          %parallel_loop3A_210 = tpu.vector_load %arg14[%parallel_loop3A_208, %parallel_loop3A_209] {strides = array<i32>} : memref<80x128xf32, #tpu.memory_space<vmem>>, vector<1x16xf32>,
          %parallel_loop3A_211 = vector.shape_cast %parallel_loop3A_210 : vector<1x16xf32> to vector<16xf32>
          %parallel_loop3A_212 = arith.mulf %parallel_loop3A_131, %parallel_loop3A_211 : vector<16xf32>
          %parallel_loop3A_213 = arith.addf %parallel_loop3A_207, %parallel_loop3A_212 : vector<16xf32>
          %parallel_loop3A_214 = arith.constant 0.000000e+00 : f32
          %parallel_loop3A_215 = vector.broadcast %parallel_loop3A_214 : f32 to vector<16xf32>
          %parallel_loop3A_216 = arith.maximumf %parallel_loop3A_213, %parallel_loop3A_215 : vector<16xf32>
          %parallel_loop3A_217 = arith.index_cast %parallel_loop3A_127 : i32 to index
          %parallel_loop3A_218 = arith.constant 64 : index
          %parallel_loop3A_219 = tpu.vector_load %arg14[%parallel_loop3A_217, %parallel_loop3A_218] {strides = array<i32>} : memref<80x128xf32, #tpu.memory_space<vmem>>, vector<1x16xf32>,
          %parallel_loop3A_220 = vector.shape_cast %parallel_loop3A_219 : vector<1x16xf32> to vector<16xf32>
          %parallel_loop3A_221 = vector.shape_cast %parallel_loop3A_216 : vector<16xf32> to vector<1x16xf32>
          tpu.vector_store %arg14[%parallel_loop3A_217, %parallel_loop3A_218], %parallel_loop3A_221 {strides = array<i32>} : memref<80x128xf32, #tpu.memory_space<vmem>>, vector<1x16xf32>,
          %parallel_loop3A_222 = arith.index_cast %parallel_loop3A_127 : i32 to index
          %parallel_loop3A_223 = arith.constant 80 : index
          %parallel_loop3A_224 = tpu.vector_load %arg12[%parallel_loop3A_222, %parallel_loop3A_223] {strides = array<i32>} : memref<80x256xf32, #tpu.memory_space<vmem>>, vector<1x16xf32>,
          %parallel_loop3A_225 = vector.shape_cast %parallel_loop3A_224 : vector<1x16xf32> to vector<16xf32>
          %parallel_loop3A_226 = arith.index_cast %parallel_loop3A_127 : i32 to index
          %parallel_loop3A_227 = arith.constant 80 : index
          %parallel_loop3A_228 = tpu.vector_load %arg14[%parallel_loop3A_226, %parallel_loop3A_227] {strides = array<i32>} : memref<80x128xf32, #tpu.memory_space<vmem>>, vector<1x16xf32>,
          %parallel_loop3A_229 = vector.shape_cast %parallel_loop3A_228 : vector<1x16xf32> to vector<16xf32>
          %parallel_loop3A_230 = arith.mulf %parallel_loop3A_131, %parallel_loop3A_229 : vector<16xf32>
          %parallel_loop3A_231 = arith.addf %parallel_loop3A_225, %parallel_loop3A_230 : vector<16xf32>
          %parallel_loop3A_232 = arith.constant 0.000000e+00 : f32
          %parallel_loop3A_233 = vector.broadcast %parallel_loop3A_232 : f32 to vector<16xf32>
          %parallel_loop3A_234 = arith.maximumf %parallel_loop3A_231, %parallel_loop3A_233 : vector<16xf32>
          %parallel_loop3A_235 = arith.index_cast %parallel_loop3A_127 : i32 to index
          %parallel_loop3A_236 = arith.constant 80 : index
          %parallel_loop3A_237 = tpu.vector_load %arg14[%parallel_loop3A_235, %parallel_loop3A_236] {strides = array<i32>} : memref<80x128xf32, #tpu.memory_space<vmem>>, vector<1x16xf32>,
          %parallel_loop3A_238 = vector.shape_cast %parallel_loop3A_237 : vector<1x16xf32> to vector<16xf32>
          %parallel_loop3A_239 = vector.shape_cast %parallel_loop3A_234 : vector<16xf32> to vector<1x16xf32>
          tpu.vector_store %arg14[%parallel_loop3A_235, %parallel_loop3A_236], %parallel_loop3A_239 {strides = array<i32>} : memref<80x128xf32, #tpu.memory_space<vmem>>, vector<1x16xf32>,
          %parallel_loop3A_240 = arith.index_cast %parallel_loop3A_127 : i32 to index
          %parallel_loop3A_241 = arith.constant 96 : index
          %parallel_loop3A_242 = tpu.vector_load %arg12[%parallel_loop3A_240, %parallel_loop3A_241] {strides = array<i32>} : memref<80x256xf32, #tpu.memory_space<vmem>>, vector<1x16xf32>,
          %parallel_loop3A_243 = vector.shape_cast %parallel_loop3A_242 : vector<1x16xf32> to vector<16xf32>
          %parallel_loop3A_244 = arith.index_cast %parallel_loop3A_127 : i32 to index
          %parallel_loop3A_245 = arith.constant 96 : index
          %parallel_loop3A_246 = tpu.vector_load %arg14[%parallel_loop3A_244, %parallel_loop3A_245] {strides = array<i32>} : memref<80x128xf32, #tpu.memory_space<vmem>>, vector<1x16xf32>,
          %parallel_loop3A_247 = vector.shape_cast %parallel_loop3A_246 : vector<1x16xf32> to vector<16xf32>
          %parallel_loop3A_248 = arith.mulf %parallel_loop3A_131, %parallel_loop3A_247 : vector<16xf32>
          %parallel_loop3A_249 = arith.addf %parallel_loop3A_243, %parallel_loop3A_248 : vector<16xf32>
          %parallel_loop3A_250 = arith.constant 0.000000e+00 : f32
          %parallel_loop3A_251 = vector.broadcast %parallel_loop3A_250 : f32 to vector<16xf32>
          %parallel_loop3A_252 = arith.maximumf %parallel_loop3A_249, %parallel_loop3A_251 : vector<16xf32>
          %parallel_loop3A_253 = arith.index_cast %parallel_loop3A_127 : i32 to index
          %parallel_loop3A_254 = arith.constant 96 : index
          %parallel_loop3A_255 = tpu.vector_load %arg14[%parallel_loop3A_253, %parallel_loop3A_254] {strides = array<i32>} : memref<80x128xf32, #tpu.memory_space<vmem>>, vector<1x16xf32>,
          %parallel_loop3A_256 = vector.shape_cast %parallel_loop3A_255 : vector<1x16xf32> to vector<16xf32>
          %parallel_loop3A_257 = vector.shape_cast %parallel_loop3A_252 : vector<16xf32> to vector<1x16xf32>
          tpu.vector_store %arg14[%parallel_loop3A_253, %parallel_loop3A_254], %parallel_loop3A_257 {strides = array<i32>} : memref<80x128xf32, #tpu.memory_space<vmem>>, vector<1x16xf32>,
          %parallel_loop3A_258 = arith.index_cast %parallel_loop3A_127 : i32 to index
          %parallel_loop3A_259 = arith.constant 112 : index
          %parallel_loop3A_260 = tpu.vector_load %arg12[%parallel_loop3A_258, %parallel_loop3A_259] {strides = array<i32>} : memref<80x256xf32, #tpu.memory_space<vmem>>, vector<1x16xf32>,
          %parallel_loop3A_261 = vector.shape_cast %parallel_loop3A_260 : vector<1x16xf32> to vector<16xf32>
          %parallel_loop3A_262 = arith.index_cast %parallel_loop3A_127 : i32 to index
          %parallel_loop3A_263 = arith.constant 112 : index
          %parallel_loop3A_264 = tpu.vector_load %arg14[%parallel_loop3A_262, %parallel_loop3A_263] {strides = array<i32>} : memref<80x128xf32, #tpu.memory_space<vmem>>, vector<1x16xf32>,
          %parallel_loop3A_265 = vector.shape_cast %parallel_loop3A_264 : vector<1x16xf32> to vector<16xf32>
          %parallel_loop3A_266 = arith.mulf %parallel_loop3A_131, %parallel_loop3A_265 : vector<16xf32>
          %parallel_loop3A_267 = arith.addf %parallel_loop3A_261, %parallel_loop3A_266 : vector<16xf32>
          %parallel_loop3A_268 = arith.constant 0.000000e+00 : f32
          %parallel_loop3A_269 = vector.broadcast %parallel_loop3A_268 : f32 to vector<16xf32>
          %parallel_loop3A_270 = arith.maximumf %parallel_loop3A_267, %parallel_loop3A_269 : vector<16xf32>
          %parallel_loop3A_271 = arith.index_cast %parallel_loop3A_127 : i32 to index
          %parallel_loop3A_272 = arith.constant 112 : index
          %parallel_loop3A_273 = tpu.vector_load %arg14[%parallel_loop3A_271, %parallel_loop3A_272] {strides = array<i32>} : memref<80x128xf32, #tpu.memory_space<vmem>>, vector<1x16xf32>,
          %parallel_loop3A_274 = vector.shape_cast %parallel_loop3A_273 : vector<1x16xf32> to vector<16xf32>
          %parallel_loop3A_275 = vector.shape_cast %parallel_loop3A_270 : vector<16xf32> to vector<1x16xf32>
          tpu.vector_store %arg14[%parallel_loop3A_271, %parallel_loop3A_272], %parallel_loop3A_275 {strides = array<i32>} : memref<80x128xf32, #tpu.memory_space<vmem>>, vector<1x16xf32>,
        } {sc.loop_unroll_factor = 1 : i64, sc.parallel_access}
        %dma_start3A_118 = arith.constant 0 : i32
        %dma_start3A_119 = arith.constant 0 : i32
        %dma_start3A_120 = tpu.memref_slice %arg16[%dma_start3A_118, %dma_start3A_119] : memref<5248x128xf32, #tpu.memory_space<vmem_shared>> -> memref<5248x128xf32, #tpu.memory_space<vmem_shared>>
        tpu.enqueue_indirect_dma source(%arg14 : memref<80x128xf32, #tpu.memory_space<vmem>>) target(%dma_start3A_120 : memref<5248x128xf32, #tpu.memory_space<vmem_shared>>) offsets(%arg10 : memref<80xi32, #tpu.memory_space<vmem>>) semaphore(%arg21 : memref<!tpu.dma_semaphore, #tpu.memory_space<semaphore_mem>>) {add = true}
        %sub3A_121 = arith.constant 1 : i32
        %sub3A_122 = arith.subi %add3A_7, %sub3A_121 : i32
        %lt3A_123 = arith.cmpi slt, %add3A_89, %sub3A_122 : i32
        %convert_element_type3A_124 = arith.extui %lt3A_123 : i1 to i32
        %cond3A_125 = arith.constant 0 : i32
        %cond3A_126 = arith.cmpi ne, %convert_element_type3A_124, %cond3A_125 : i32
        scf.if %cond3A_126 {
          %dma_wait3A_127 = arith.constant 0 : i32
          %dma_wait3A_128 = arith.constant 0 : i32
          %dma_wait3A_129 = tpu.memref_slice %arg2[%add3A, %dma_wait3A_127, %dma_wait3A_128] : memref<4000x5x80xi32, #tpu.memory_space<hbm>> -> memref<1x5x80xi32, #tpu.memory_space<hbm>>
          %dma_wait3A_130 = tpu.memref_squeeze %dma_wait3A_129 : memref<1x5x80xi32, #tpu.memory_space<hbm>> -> memref<5x80xi32, #tpu.memory_space<hbm>>
          %dma_wait3A_131 = arith.constant 0 : i32
          %dma_wait3A_132 = arith.constant 0 : i32
          %dma_wait3A_133 = tpu.memref_slice %arg2[%add3A, %dma_wait3A_131, %dma_wait3A_132] : memref<4000x5x80xi32, #tpu.memory_space<hbm>> -> memref<1x5x80xi32, #tpu.memory_space<hbm>>
          %dma_wait3A_134 = tpu.memref_squeeze %dma_wait3A_133 : memref<1x5x80xi32, #tpu.memory_space<hbm>> -> memref<5x80xi32, #tpu.memory_space<hbm>>
          tpu.wait_dma2 semaphore(%arg18 : memref<!tpu.dma_semaphore, #tpu.memory_space<semaphore_mem>>) src(%dma_wait3A_134 : memref<5x80xi32, #tpu.memory_space<hbm>>) dst(%arg7 : memref<5x80xi32, #tpu.memory_space<vmem>>)
          %ge3A = arith.constant 1 : i32
          %ge3A_135 = arith.cmpi sge, %add3A_89, %ge3A : i32
          %convert_element_type3A_136 = arith.extui %ge3A_135 : i1 to i32
          %cond3A_137 = arith.constant 0 : i32
          %cond3A_138 = arith.cmpi ne, %convert_element_type3A_136, %cond3A_137 : i32
          scf.if %cond3A_138 {
            %dma_wait3A_156 = arith.constant 0 : i32
            %dma_wait3A_157 = arith.constant 0 : i32
            %dma_wait3A_158 = tpu.memref_slice %arg16[%dma_wait3A_156, %dma_wait3A_157] : memref<5248x128xf32, #tpu.memory_space<vmem_shared>> -> memref<5248x128xf32, #tpu.memory_space<vmem_shared>>
            tpu.wait_indirect_dma semaphore(%arg22 : memref<!tpu.dma_semaphore, #tpu.memory_space<semaphore_mem>>) src(%arg15 : memref<80x128xf32, #tpu.memory_space<vmem>>) dst(%dma_wait3A_158 : memref<5248x128xf32, #tpu.memory_space<vmem_shared>>)
          } else {
          }
          %scan3A_139 = arith.constant 0 : i32
          %scan3A_140 = arith.constant 0 : i32
          %scan3A_141 = arith.constant 5 : i32
          %scan3A_142 = arith.addi %scan3A_140, %scan3A_141 : i32
          %scan3A_143 = arith.constant 1 : i32
          %scan3A_144 = scf.for %scan3A_156 = %scan3A_140 to %scan3A_142 step %scan3A_143 iter_args(%scan3A_157 = %scan3A_139) -> (i32)  : i32 {
            %mul3A_158 = arith.constant 16 : i32
            %mul3A_159 = arith.muli %scan3A_156, %mul3A_158 : i32
            %get3A = arith.constant 2 : i32
            %get3A_160 = arith.index_cast %get3A : i32 to index
            %get3A_161 = arith.index_cast %mul3A_159 : i32 to index
            %get3A_162 = tpu.vector_load %arg7[%get3A_160, %get3A_161] {strides = array<i32>} : memref<5x80xi32, #tpu.memory_space<vmem>>, vector<1x16xi32>,
            %get3A_163 = vector.shape_cast %get3A_162 : vector<1x16xi32> to vector<16xi32>
            %mul3A_164 = arith.constant 8 : i32
            %mul3A_165 = vector.broadcast %mul3A_164 : i32 to vector<16xi32>
            %mul3A_166 = arith.muli %get3A_163, %mul3A_165 : vector<16xi32>
            %get3A_167 = arith.constant 3 : i32
            %get3A_168 = arith.index_cast %get3A_167 : i32 to index
            %get3A_169 = arith.index_cast %mul3A_159 : i32 to index
            %get3A_170 = tpu.vector_load %arg7[%get3A_168, %get3A_169] {strides = array<i32>} : memref<5x80xi32, #tpu.memory_space<vmem>>, vector<1x16xi32>,
            %get3A_171 = vector.shape_cast %get3A_170 : vector<1x16xi32> to vector<16xi32>
            %add3A_172 = arith.addi %mul3A_166, %get3A_171 : vector<16xi32>
            %mul3A_173 = arith.constant 8 : i32
            %mul3A_174 = vector.broadcast %mul3A_173 : i32 to vector<16xi32>
            %mul3A_175 = arith.muli %add3A_172, %mul3A_174 : vector<16xi32>
            %get3A_176 = arith.constant 4 : i32
            %get3A_177 = arith.index_cast %get3A_176 : i32 to index
            %get3A_178 = arith.index_cast %mul3A_159 : i32 to index
            %get3A_179 = tpu.vector_load %arg7[%get3A_177, %get3A_178] {strides = array<i32>} : memref<5x80xi32, #tpu.memory_space<vmem>>, vector<1x16xi32>,
            %get3A_180 = vector.shape_cast %get3A_179 : vector<1x16xi32> to vector<16xi32>
            %add3A_181 = arith.addi %mul3A_175, %get3A_180 : vector<16xi32>
            %swap3A = arith.index_cast %mul3A_159 : i32 to index
            %swap3A_182 = tpu.vector_load %arg9[%swap3A] {strides = array<i32>} : memref<80xi32, #tpu.memory_space<vmem>>, vector<16xi32>,
            %swap3A_183 = vector.shape_cast %swap3A_182 : vector<16xi32> to vector<16xi32>
            %swap3A_184 = vector.shape_cast %add3A_181 : vector<16xi32> to vector<16xi32>
            tpu.vector_store %arg9[%swap3A], %swap3A_184 {strides = array<i32>} : memref<80xi32, #tpu.memory_space<vmem>>, vector<16xi32>,
            %get3A_185 = arith.constant 1 : i32
            %get3A_186 = arith.index_cast %get3A_185 : i32 to index
            %get3A_187 = arith.index_cast %mul3A_159 : i32 to index
            %get3A_188 = tpu.vector_load %arg7[%get3A_186, %get3A_187] {strides = array<i32>} : memref<5x80xi32, #tpu.memory_space<vmem>>, vector<1x16xi32>,
            %get3A_189 = vector.shape_cast %get3A_188 : vector<1x16xi32> to vector<16xi32>
            %sub3A_190 = vector.broadcast %mul3A_0 : i32 to vector<16xi32>
            %sub3A_191 = arith.subi %get3A_189, %sub3A_190 : vector<16xi32>
            %ge3A_192 = arith.constant 0 : i32
            %ge3A_193 = vector.broadcast %ge3A_192 : i32 to vector<16xi32>
            %ge3A_194 = arith.cmpi sge, %sub3A_191, %ge3A_193 : vector<16xi32>
            %lt3A_195 = arith.constant 5120 : i32
            %lt3A_196 = vector.broadcast %lt3A_195 : i32 to vector<16xi32>
            %lt3A_197 = arith.cmpi slt, %sub3A_191, %lt3A_196 : vector<16xi32>
            %and3A = arith.andi %ge3A_194, %lt3A_197 : vector<16xi1>
            %jit3A_198 = arith.constant 5120 : i32
            %broadcast_in_dim3A = vector.broadcast %jit3A_198 : i32 to vector<16xi32>
            %select_n3A_199 = arith.select %and3A, %sub3A_191, %broadcast_in_dim3A : vector<16xi1>, vector<16xi32>
            %swap3A_200 = arith.index_cast %mul3A_159 : i32 to index
            %swap3A_201 = tpu.vector_load %arg11[%swap3A_200] {strides = array<i32>} : memref<80xi32, #tpu.memory_space<vmem>>, vector<16xi32>,
            %swap3A_202 = vector.shape_cast %swap3A_201 : vector<16xi32> to vector<16xi32>
            %swap3A_203 = vector.shape_cast %select_n3A_199 : vector<16xi32> to vector<16xi32>
            tpu.vector_store %arg11[%swap3A_200], %swap3A_203 {strides = array<i32>} : memref<80xi32, #tpu.memory_space<vmem>>, vector<16xi32>,
            %scan3A_204 = arith.constant 0 : i32
            scf.yield %scan3A_204 : i32
          }
          %scan3A_145 = arith.constant 5 : i32
          %dma_start3A_146 = arith.constant 0 : i32
          %dma_start3A_147 = arith.constant 0 : i32
          %dma_start3A_148 = tpu.memref_slice %arg7[%dma_start3A_146, %dma_start3A_147] : memref<5x80xi32, #tpu.memory_space<vmem>> -> memref<1x80xi32, #tpu.memory_space<vmem>>
          %dma_start3A_149 = tpu.memref_squeeze %dma_start3A_148 : memref<1x80xi32, #tpu.memory_space<vmem>> -> memref<80xi32, #tpu.memory_space<vmem>>
          %dma_start3A_150 = arith.constant 0 : i32
          %dma_start3A_151 = arith.constant 0 : i32
          %dma_start3A_152 = tpu.memref_slice %arg3[%dma_start3A_150, %dma_start3A_151] : memref<10000x256xf32, #tpu.memory_space<hbm>> -> memref<10000x256xf32, #tpu.memory_space<hbm>>
          tpu.enqueue_indirect_dma source(%dma_start3A_152 : memref<10000x256xf32, #tpu.memory_space<hbm>>) target(%arg13 : memref<80x256xf32, #tpu.memory_space<vmem>>) offsets(%dma_start3A_149 : memref<80xi32, #tpu.memory_space<vmem>>) semaphore(%arg20 : memref<!tpu.dma_semaphore, #tpu.memory_space<semaphore_mem>>)
          %dma_start3A_153 = arith.constant 0 : i32
          %dma_start3A_154 = arith.constant 0 : i32
          %dma_start3A_155 = tpu.memref_slice %arg4[%dma_start3A_153, %dma_start3A_154] : memref<512x128xf32, #tpu.memory_space<hbm>> -> memref<512x128xf32, #tpu.memory_space<hbm>>
          tpu.enqueue_indirect_dma source(%dma_start3A_155 : memref<512x128xf32, #tpu.memory_space<hbm>>) target(%arg15 : memref<80x128xf32, #tpu.memory_space<vmem>>) offsets(%arg9 : memref<80xi32, #tpu.memory_space<vmem>>) semaphore(%arg20 : memref<!tpu.dma_semaphore, #tpu.memory_space<semaphore_mem>>)
        } else {
        }
      } else {
      }
      %mul3A_92 = arith.constant 2 : i32
      %mul3A_93 = arith.muli %mul3A_92, %scan3A_84 : i32
      %add3A_94 = arith.constant 1 : i32
      %add3A_95 = arith.addi %mul3A_93, %add3A_94 : i32
      %lt3A_96 = arith.cmpi slt, %add3A_95, %add3A_7 : i32
      %convert_element_type3A_97 = arith.extui %lt3A_96 : i1 to i32
      %cond3A_98 = arith.constant 0 : i32
      %cond3A_99 = arith.cmpi ne, %convert_element_type3A_97, %cond3A_98 : i32
      scf.if %cond3A_99 {
        %dma_wait3A_101 = arith.constant 0 : i32
        %dma_wait3A_102 = arith.constant 0 : i32
        %dma_wait3A_103 = tpu.memref_slice %arg7[%dma_wait3A_101, %dma_wait3A_102] : memref<5x80xi32, #tpu.memory_space<vmem>> -> memref<1x80xi32, #tpu.memory_space<vmem>>
        %dma_wait3A_104 = tpu.memref_squeeze %dma_wait3A_103 : memref<1x80xi32, #tpu.memory_space<vmem>> -> memref<80xi32, #tpu.memory_space<vmem>>
        %dma_wait3A_105 = arith.constant 0 : i32
        %dma_wait3A_106 = arith.constant 0 : i32
        %dma_wait3A_107 = tpu.memref_slice %arg3[%dma_wait3A_105, %dma_wait3A_106] : memref<10000x256xf32, #tpu.memory_space<hbm>> -> memref<10000x256xf32, #tpu.memory_space<hbm>>
        tpu.wait_indirect_dma semaphore(%arg20 : memref<!tpu.dma_semaphore, #tpu.memory_space<semaphore_mem>>) src(%dma_wait3A_107 : memref<10000x256xf32, #tpu.memory_space<hbm>>) dst(%arg13 : memref<80x256xf32, #tpu.memory_space<vmem>>)
        %dma_wait3A_108 = arith.constant 0 : i32
        %dma_wait3A_109 = arith.constant 0 : i32
        %dma_wait3A_110 = tpu.memref_slice %arg4[%dma_wait3A_108, %dma_wait3A_109] : memref<512x128xf32, #tpu.memory_space<hbm>> -> memref<512x128xf32, #tpu.memory_space<hbm>>
        tpu.wait_indirect_dma semaphore(%arg20 : memref<!tpu.dma_semaphore, #tpu.memory_space<semaphore_mem>>) src(%dma_wait3A_110 : memref<512x128xf32, #tpu.memory_space<hbm>>) dst(%arg15 : memref<80x128xf32, #tpu.memory_space<vmem>>)
        %sub3A = arith.constant 2 : i32
        %sub3A_111 = arith.subi %add3A_7, %sub3A : i32
        %lt3A_112 = arith.cmpi slt, %add3A_95, %sub3A_111 : i32
        %convert_element_type3A_113 = arith.extui %lt3A_112 : i1 to i32
        %cond3A_114 = arith.constant 0 : i32
        %cond3A_115 = arith.cmpi ne, %convert_element_type3A_113, %cond3A_114 : i32
        scf.if %cond3A_115 {
          %add3A_127 = arith.addi %add3A, %add3A_95 : i32
          %add3A_128 = arith.constant 2 : i32
          %add3A_129 = arith.addi %add3A_127, %add3A_128 : i32
          %dma_start3A_130 = arith.constant 0 : i32
          %dma_start3A_131 = arith.constant 0 : i32
          %dma_start3A_132 = tpu.memref_slice %arg2[%add3A_129, %dma_start3A_130, %dma_start3A_131] : memref<4000x5x80xi32, #tpu.memory_space<hbm>> -> memref<1x5x80xi32, #tpu.memory_space<hbm>>
          %dma_start3A_133 = tpu.memref_squeeze %dma_start3A_132 : memref<1x5x80xi32, #tpu.memory_space<hbm>> -> memref<5x80xi32, #tpu.memory_space<hbm>>
          %dma_start3A_134 = arith.constant 0 : i32
          %dma_start3A_135 = arith.constant 0 : i32
          %dma_start3A_136 = tpu.memref_slice %arg2[%add3A_129, %dma_start3A_134, %dma_start3A_135] : memref<4000x5x80xi32, #tpu.memory_space<hbm>> -> memref<1x5x80xi32, #tpu.memory_space<hbm>>
          %dma_start3A_137 = tpu.memref_squeeze %dma_start3A_136 : memref<1x5x80xi32, #tpu.memory_space<hbm>> -> memref<5x80xi32, #tpu.memory_space<hbm>>
          tpu.enqueue_dma source(%dma_start3A_137 : memref<5x80xi32, #tpu.memory_space<hbm>>) target(%arg7 : memref<5x80xi32, #tpu.memory_space<vmem>>) target_semaphore(%arg18 : memref<!tpu.dma_semaphore, #tpu.memory_space<semaphore_mem>>)
        } else {
        }
        %parallel_loop3A = arith.constant 0 : i32
        %parallel_loop3A_116 = arith.constant 80 : i32
        %parallel_loop3A_117 = arith.constant 1 : i32
        scf.for %parallel_loop3A_127 = %parallel_loop3A to %parallel_loop3A_116 step %parallel_loop3A_117  : i32 {
          %parallel_loop3A_128 = arith.index_cast %parallel_loop3A_127 : i32 to index
          %parallel_loop3A_129 = arith.constant 128 : index
          %parallel_loop3A_130 = tpu.vector_load %arg13[%parallel_loop3A_128, %parallel_loop3A_129] {strides = array<i32>} : memref<80x256xf32, #tpu.memory_space<vmem>>, vector<1x16xf32>,
          %parallel_loop3A_131 = vector.shape_cast %parallel_loop3A_130 : vector<1x16xf32> to vector<16xf32>
          %parallel_loop3A_132 = arith.index_cast %parallel_loop3A_127 : i32 to index
          %parallel_loop3A_133 = arith.constant 0 : index
          %parallel_loop3A_134 = tpu.vector_load %arg13[%parallel_loop3A_132, %parallel_loop3A_133] {strides = array<i32>} : memref<80x256xf32, #tpu.memory_space<vmem>>, vector<1x16xf32>,
          %parallel_loop3A_135 = vector.shape_cast %parallel_loop3A_134 : vector<1x16xf32> to vector<16xf32>
          %parallel_loop3A_136 = arith.index_cast %parallel_loop3A_127 : i32 to index
          %parallel_loop3A_137 = arith.constant 0 : index
          %parallel_loop3A_138 = tpu.vector_load %arg15[%parallel_loop3A_136, %parallel_loop3A_137] {strides = array<i32>} : memref<80x128xf32, #tpu.memory_space<vmem>>, vector<1x16xf32>,
          %parallel_loop3A_139 = vector.shape_cast %parallel_loop3A_138 : vector<1x16xf32> to vector<16xf32>
          %parallel_loop3A_140 = arith.mulf %parallel_loop3A_131, %parallel_loop3A_139 : vector<16xf32>
          %parallel_loop3A_141 = arith.addf %parallel_loop3A_135, %parallel_loop3A_140 : vector<16xf32>
          %parallel_loop3A_142 = arith.constant 0.000000e+00 : f32
          %parallel_loop3A_143 = vector.broadcast %parallel_loop3A_142 : f32 to vector<16xf32>
          %parallel_loop3A_144 = arith.maximumf %parallel_loop3A_141, %parallel_loop3A_143 : vector<16xf32>
          %parallel_loop3A_145 = arith.index_cast %parallel_loop3A_127 : i32 to index
          %parallel_loop3A_146 = arith.constant 0 : index
          %parallel_loop3A_147 = tpu.vector_load %arg15[%parallel_loop3A_145, %parallel_loop3A_146] {strides = array<i32>} : memref<80x128xf32, #tpu.memory_space<vmem>>, vector<1x16xf32>,
          %parallel_loop3A_148 = vector.shape_cast %parallel_loop3A_147 : vector<1x16xf32> to vector<16xf32>
          %parallel_loop3A_149 = vector.shape_cast %parallel_loop3A_144 : vector<16xf32> to vector<1x16xf32>
          tpu.vector_store %arg15[%parallel_loop3A_145, %parallel_loop3A_146], %parallel_loop3A_149 {strides = array<i32>} : memref<80x128xf32, #tpu.memory_space<vmem>>, vector<1x16xf32>,
          %parallel_loop3A_150 = arith.index_cast %parallel_loop3A_127 : i32 to index
          %parallel_loop3A_151 = arith.constant 16 : index
          %parallel_loop3A_152 = tpu.vector_load %arg13[%parallel_loop3A_150, %parallel_loop3A_151] {strides = array<i32>} : memref<80x256xf32, #tpu.memory_space<vmem>>, vector<1x16xf32>,
          %parallel_loop3A_153 = vector.shape_cast %parallel_loop3A_152 : vector<1x16xf32> to vector<16xf32>
          %parallel_loop3A_154 = arith.index_cast %parallel_loop3A_127 : i32 to index
          %parallel_loop3A_155 = arith.constant 16 : index
          %parallel_loop3A_156 = tpu.vector_load %arg15[%parallel_loop3A_154, %parallel_loop3A_155] {strides = array<i32>} : memref<80x128xf32, #tpu.memory_space<vmem>>, vector<1x16xf32>,
          %parallel_loop3A_157 = vector.shape_cast %parallel_loop3A_156 : vector<1x16xf32> to vector<16xf32>
          %parallel_loop3A_158 = arith.mulf %parallel_loop3A_131, %parallel_loop3A_157 : vector<16xf32>
          %parallel_loop3A_159 = arith.addf %parallel_loop3A_153, %parallel_loop3A_158 : vector<16xf32>
          %parallel_loop3A_160 = arith.constant 0.000000e+00 : f32
          %parallel_loop3A_161 = vector.broadcast %parallel_loop3A_160 : f32 to vector<16xf32>
          %parallel_loop3A_162 = arith.maximumf %parallel_loop3A_159, %parallel_loop3A_161 : vector<16xf32>
          %parallel_loop3A_163 = arith.index_cast %parallel_loop3A_127 : i32 to index
          %parallel_loop3A_164 = arith.constant 16 : index
          %parallel_loop3A_165 = tpu.vector_load %arg15[%parallel_loop3A_163, %parallel_loop3A_164] {strides = array<i32>} : memref<80x128xf32, #tpu.memory_space<vmem>>, vector<1x16xf32>,
          %parallel_loop3A_166 = vector.shape_cast %parallel_loop3A_165 : vector<1x16xf32> to vector<16xf32>
          %parallel_loop3A_167 = vector.shape_cast %parallel_loop3A_162 : vector<16xf32> to vector<1x16xf32>
          tpu.vector_store %arg15[%parallel_loop3A_163, %parallel_loop3A_164], %parallel_loop3A_167 {strides = array<i32>} : memref<80x128xf32, #tpu.memory_space<vmem>>, vector<1x16xf32>,
          %parallel_loop3A_168 = arith.index_cast %parallel_loop3A_127 : i32 to index
          %parallel_loop3A_169 = arith.constant 32 : index
          %parallel_loop3A_170 = tpu.vector_load %arg13[%parallel_loop3A_168, %parallel_loop3A_169] {strides = array<i32>} : memref<80x256xf32, #tpu.memory_space<vmem>>, vector<1x16xf32>,
          %parallel_loop3A_171 = vector.shape_cast %parallel_loop3A_170 : vector<1x16xf32> to vector<16xf32>
          %parallel_loop3A_172 = arith.index_cast %parallel_loop3A_127 : i32 to index
          %parallel_loop3A_173 = arith.constant 32 : index
          %parallel_loop3A_174 = tpu.vector_load %arg15[%parallel_loop3A_172, %parallel_loop3A_173] {strides = array<i32>} : memref<80x128xf32, #tpu.memory_space<vmem>>, vector<1x16xf32>,
          %parallel_loop3A_175 = vector.shape_cast %parallel_loop3A_174 : vector<1x16xf32> to vector<16xf32>
          %parallel_loop3A_176 = arith.mulf %parallel_loop3A_131, %parallel_loop3A_175 : vector<16xf32>
          %parallel_loop3A_177 = arith.addf %parallel_loop3A_171, %parallel_loop3A_176 : vector<16xf32>
          %parallel_loop3A_178 = arith.constant 0.000000e+00 : f32
          %parallel_loop3A_179 = vector.broadcast %parallel_loop3A_178 : f32 to vector<16xf32>
          %parallel_loop3A_180 = arith.maximumf %parallel_loop3A_177, %parallel_loop3A_179 : vector<16xf32>
          %parallel_loop3A_181 = arith.index_cast %parallel_loop3A_127 : i32 to index
          %parallel_loop3A_182 = arith.constant 32 : index
          %parallel_loop3A_183 = tpu.vector_load %arg15[%parallel_loop3A_181, %parallel_loop3A_182] {strides = array<i32>} : memref<80x128xf32, #tpu.memory_space<vmem>>, vector<1x16xf32>,
          %parallel_loop3A_184 = vector.shape_cast %parallel_loop3A_183 : vector<1x16xf32> to vector<16xf32>
          %parallel_loop3A_185 = vector.shape_cast %parallel_loop3A_180 : vector<16xf32> to vector<1x16xf32>
          tpu.vector_store %arg15[%parallel_loop3A_181, %parallel_loop3A_182], %parallel_loop3A_185 {strides = array<i32>} : memref<80x128xf32, #tpu.memory_space<vmem>>, vector<1x16xf32>,
          %parallel_loop3A_186 = arith.index_cast %parallel_loop3A_127 : i32 to index
          %parallel_loop3A_187 = arith.constant 48 : index
          %parallel_loop3A_188 = tpu.vector_load %arg13[%parallel_loop3A_186, %parallel_loop3A_187] {strides = array<i32>} : memref<80x256xf32, #tpu.memory_space<vmem>>, vector<1x16xf32>,
          %parallel_loop3A_189 = vector.shape_cast %parallel_loop3A_188 : vector<1x16xf32> to vector<16xf32>
          %parallel_loop3A_190 = arith.index_cast %parallel_loop3A_127 : i32 to index
          %parallel_loop3A_191 = arith.constant 48 : index
          %parallel_loop3A_192 = tpu.vector_load %arg15[%parallel_loop3A_190, %parallel_loop3A_191] {strides = array<i32>} : memref<80x128xf32, #tpu.memory_space<vmem>>, vector<1x16xf32>,
          %parallel_loop3A_193 = vector.shape_cast %parallel_loop3A_192 : vector<1x16xf32> to vector<16xf32>
          %parallel_loop3A_194 = arith.mulf %parallel_loop3A_131, %parallel_loop3A_193 : vector<16xf32>
          %parallel_loop3A_195 = arith.addf %parallel_loop3A_189, %parallel_loop3A_194 : vector<16xf32>
          %parallel_loop3A_196 = arith.constant 0.000000e+00 : f32
          %parallel_loop3A_197 = vector.broadcast %parallel_loop3A_196 : f32 to vector<16xf32>
          %parallel_loop3A_198 = arith.maximumf %parallel_loop3A_195, %parallel_loop3A_197 : vector<16xf32>
          %parallel_loop3A_199 = arith.index_cast %parallel_loop3A_127 : i32 to index
          %parallel_loop3A_200 = arith.constant 48 : index
          %parallel_loop3A_201 = tpu.vector_load %arg15[%parallel_loop3A_199, %parallel_loop3A_200] {strides = array<i32>} : memref<80x128xf32, #tpu.memory_space<vmem>>, vector<1x16xf32>,
          %parallel_loop3A_202 = vector.shape_cast %parallel_loop3A_201 : vector<1x16xf32> to vector<16xf32>
          %parallel_loop3A_203 = vector.shape_cast %parallel_loop3A_198 : vector<16xf32> to vector<1x16xf32>
          tpu.vector_store %arg15[%parallel_loop3A_199, %parallel_loop3A_200], %parallel_loop3A_203 {strides = array<i32>} : memref<80x128xf32, #tpu.memory_space<vmem>>, vector<1x16xf32>,
          %parallel_loop3A_204 = arith.index_cast %parallel_loop3A_127 : i32 to index
          %parallel_loop3A_205 = arith.constant 64 : index
          %parallel_loop3A_206 = tpu.vector_load %arg13[%parallel_loop3A_204, %parallel_loop3A_205] {strides = array<i32>} : memref<80x256xf32, #tpu.memory_space<vmem>>, vector<1x16xf32>,
          %parallel_loop3A_207 = vector.shape_cast %parallel_loop3A_206 : vector<1x16xf32> to vector<16xf32>
          %parallel_loop3A_208 = arith.index_cast %parallel_loop3A_127 : i32 to index
          %parallel_loop3A_209 = arith.constant 64 : index
          %parallel_loop3A_210 = tpu.vector_load %arg15[%parallel_loop3A_208, %parallel_loop3A_209] {strides = array<i32>} : memref<80x128xf32, #tpu.memory_space<vmem>>, vector<1x16xf32>,
          %parallel_loop3A_211 = vector.shape_cast %parallel_loop3A_210 : vector<1x16xf32> to vector<16xf32>
          %parallel_loop3A_212 = arith.mulf %parallel_loop3A_131, %parallel_loop3A_211 : vector<16xf32>
          %parallel_loop3A_213 = arith.addf %parallel_loop3A_207, %parallel_loop3A_212 : vector<16xf32>
          %parallel_loop3A_214 = arith.constant 0.000000e+00 : f32
          %parallel_loop3A_215 = vector.broadcast %parallel_loop3A_214 : f32 to vector<16xf32>
          %parallel_loop3A_216 = arith.maximumf %parallel_loop3A_213, %parallel_loop3A_215 : vector<16xf32>
          %parallel_loop3A_217 = arith.index_cast %parallel_loop3A_127 : i32 to index
          %parallel_loop3A_218 = arith.constant 64 : index
          %parallel_loop3A_219 = tpu.vector_load %arg15[%parallel_loop3A_217, %parallel_loop3A_218] {strides = array<i32>} : memref<80x128xf32, #tpu.memory_space<vmem>>, vector<1x16xf32>,
          %parallel_loop3A_220 = vector.shape_cast %parallel_loop3A_219 : vector<1x16xf32> to vector<16xf32>
          %parallel_loop3A_221 = vector.shape_cast %parallel_loop3A_216 : vector<16xf32> to vector<1x16xf32>
          tpu.vector_store %arg15[%parallel_loop3A_217, %parallel_loop3A_218], %parallel_loop3A_221 {strides = array<i32>} : memref<80x128xf32, #tpu.memory_space<vmem>>, vector<1x16xf32>,
          %parallel_loop3A_222 = arith.index_cast %parallel_loop3A_127 : i32 to index
          %parallel_loop3A_223 = arith.constant 80 : index
          %parallel_loop3A_224 = tpu.vector_load %arg13[%parallel_loop3A_222, %parallel_loop3A_223] {strides = array<i32>} : memref<80x256xf32, #tpu.memory_space<vmem>>, vector<1x16xf32>,
          %parallel_loop3A_225 = vector.shape_cast %parallel_loop3A_224 : vector<1x16xf32> to vector<16xf32>
          %parallel_loop3A_226 = arith.index_cast %parallel_loop3A_127 : i32 to index
          %parallel_loop3A_227 = arith.constant 80 : index
          %parallel_loop3A_228 = tpu.vector_load %arg15[%parallel_loop3A_226, %parallel_loop3A_227] {strides = array<i32>} : memref<80x128xf32, #tpu.memory_space<vmem>>, vector<1x16xf32>,
          %parallel_loop3A_229 = vector.shape_cast %parallel_loop3A_228 : vector<1x16xf32> to vector<16xf32>
          %parallel_loop3A_230 = arith.mulf %parallel_loop3A_131, %parallel_loop3A_229 : vector<16xf32>
          %parallel_loop3A_231 = arith.addf %parallel_loop3A_225, %parallel_loop3A_230 : vector<16xf32>
          %parallel_loop3A_232 = arith.constant 0.000000e+00 : f32
          %parallel_loop3A_233 = vector.broadcast %parallel_loop3A_232 : f32 to vector<16xf32>
          %parallel_loop3A_234 = arith.maximumf %parallel_loop3A_231, %parallel_loop3A_233 : vector<16xf32>
          %parallel_loop3A_235 = arith.index_cast %parallel_loop3A_127 : i32 to index
          %parallel_loop3A_236 = arith.constant 80 : index
          %parallel_loop3A_237 = tpu.vector_load %arg15[%parallel_loop3A_235, %parallel_loop3A_236] {strides = array<i32>} : memref<80x128xf32, #tpu.memory_space<vmem>>, vector<1x16xf32>,
          %parallel_loop3A_238 = vector.shape_cast %parallel_loop3A_237 : vector<1x16xf32> to vector<16xf32>
          %parallel_loop3A_239 = vector.shape_cast %parallel_loop3A_234 : vector<16xf32> to vector<1x16xf32>
          tpu.vector_store %arg15[%parallel_loop3A_235, %parallel_loop3A_236], %parallel_loop3A_239 {strides = array<i32>} : memref<80x128xf32, #tpu.memory_space<vmem>>, vector<1x16xf32>,
          %parallel_loop3A_240 = arith.index_cast %parallel_loop3A_127 : i32 to index
          %parallel_loop3A_241 = arith.constant 96 : index
          %parallel_loop3A_242 = tpu.vector_load %arg13[%parallel_loop3A_240, %parallel_loop3A_241] {strides = array<i32>} : memref<80x256xf32, #tpu.memory_space<vmem>>, vector<1x16xf32>,
          %parallel_loop3A_243 = vector.shape_cast %parallel_loop3A_242 : vector<1x16xf32> to vector<16xf32>
          %parallel_loop3A_244 = arith.index_cast %parallel_loop3A_127 : i32 to index
          %parallel_loop3A_245 = arith.constant 96 : index
          %parallel_loop3A_246 = tpu.vector_load %arg15[%parallel_loop3A_244, %parallel_loop3A_245] {strides = array<i32>} : memref<80x128xf32, #tpu.memory_space<vmem>>, vector<1x16xf32>,
          %parallel_loop3A_247 = vector.shape_cast %parallel_loop3A_246 : vector<1x16xf32> to vector<16xf32>
          %parallel_loop3A_248 = arith.mulf %parallel_loop3A_131, %parallel_loop3A_247 : vector<16xf32>
          %parallel_loop3A_249 = arith.addf %parallel_loop3A_243, %parallel_loop3A_248 : vector<16xf32>
          %parallel_loop3A_250 = arith.constant 0.000000e+00 : f32
          %parallel_loop3A_251 = vector.broadcast %parallel_loop3A_250 : f32 to vector<16xf32>
          %parallel_loop3A_252 = arith.maximumf %parallel_loop3A_249, %parallel_loop3A_251 : vector<16xf32>
          %parallel_loop3A_253 = arith.index_cast %parallel_loop3A_127 : i32 to index
          %parallel_loop3A_254 = arith.constant 96 : index
          %parallel_loop3A_255 = tpu.vector_load %arg15[%parallel_loop3A_253, %parallel_loop3A_254] {strides = array<i32>} : memref<80x128xf32, #tpu.memory_space<vmem>>, vector<1x16xf32>,
          %parallel_loop3A_256 = vector.shape_cast %parallel_loop3A_255 : vector<1x16xf32> to vector<16xf32>
          %parallel_loop3A_257 = vector.shape_cast %parallel_loop3A_252 : vector<16xf32> to vector<1x16xf32>
          tpu.vector_store %arg15[%parallel_loop3A_253, %parallel_loop3A_254], %parallel_loop3A_257 {strides = array<i32>} : memref<80x128xf32, #tpu.memory_space<vmem>>, vector<1x16xf32>,
          %parallel_loop3A_258 = arith.index_cast %parallel_loop3A_127 : i32 to index
          %parallel_loop3A_259 = arith.constant 112 : index
          %parallel_loop3A_260 = tpu.vector_load %arg13[%parallel_loop3A_258, %parallel_loop3A_259] {strides = array<i32>} : memref<80x256xf32, #tpu.memory_space<vmem>>, vector<1x16xf32>,
          %parallel_loop3A_261 = vector.shape_cast %parallel_loop3A_260 : vector<1x16xf32> to vector<16xf32>
          %parallel_loop3A_262 = arith.index_cast %parallel_loop3A_127 : i32 to index
          %parallel_loop3A_263 = arith.constant 112 : index
          %parallel_loop3A_264 = tpu.vector_load %arg15[%parallel_loop3A_262, %parallel_loop3A_263] {strides = array<i32>} : memref<80x128xf32, #tpu.memory_space<vmem>>, vector<1x16xf32>,
          %parallel_loop3A_265 = vector.shape_cast %parallel_loop3A_264 : vector<1x16xf32> to vector<16xf32>
          %parallel_loop3A_266 = arith.mulf %parallel_loop3A_131, %parallel_loop3A_265 : vector<16xf32>
          %parallel_loop3A_267 = arith.addf %parallel_loop3A_261, %parallel_loop3A_266 : vector<16xf32>
          %parallel_loop3A_268 = arith.constant 0.000000e+00 : f32
          %parallel_loop3A_269 = vector.broadcast %parallel_loop3A_268 : f32 to vector<16xf32>
          %parallel_loop3A_270 = arith.maximumf %parallel_loop3A_267, %parallel_loop3A_269 : vector<16xf32>
          %parallel_loop3A_271 = arith.index_cast %parallel_loop3A_127 : i32 to index
          %parallel_loop3A_272 = arith.constant 112 : index
          %parallel_loop3A_273 = tpu.vector_load %arg15[%parallel_loop3A_271, %parallel_loop3A_272] {strides = array<i32>} : memref<80x128xf32, #tpu.memory_space<vmem>>, vector<1x16xf32>,
          %parallel_loop3A_274 = vector.shape_cast %parallel_loop3A_273 : vector<1x16xf32> to vector<16xf32>
          %parallel_loop3A_275 = vector.shape_cast %parallel_loop3A_270 : vector<16xf32> to vector<1x16xf32>
          tpu.vector_store %arg15[%parallel_loop3A_271, %parallel_loop3A_272], %parallel_loop3A_275 {strides = array<i32>} : memref<80x128xf32, #tpu.memory_space<vmem>>, vector<1x16xf32>,
        } {sc.loop_unroll_factor = 1 : i64, sc.parallel_access}
        %dma_start3A_118 = arith.constant 0 : i32
        %dma_start3A_119 = arith.constant 0 : i32
        %dma_start3A_120 = tpu.memref_slice %arg16[%dma_start3A_118, %dma_start3A_119] : memref<5248x128xf32, #tpu.memory_space<vmem_shared>> -> memref<5248x128xf32, #tpu.memory_space<vmem_shared>>
        tpu.enqueue_indirect_dma source(%arg15 : memref<80x128xf32, #tpu.memory_space<vmem>>) target(%dma_start3A_120 : memref<5248x128xf32, #tpu.memory_space<vmem_shared>>) offsets(%arg11 : memref<80xi32, #tpu.memory_space<vmem>>) semaphore(%arg22 : memref<!tpu.dma_semaphore, #tpu.memory_space<semaphore_mem>>) {add = true}
        %sub3A_121 = arith.constant 1 : i32
        %sub3A_122 = arith.subi %add3A_7, %sub3A_121 : i32
        %lt3A_123 = arith.cmpi slt, %add3A_95, %sub3A_122 : i32
        %convert_element_type3A_124 = arith.extui %lt3A_123 : i1 to i32
        %cond3A_125 = arith.constant 0 : i32
        %cond3A_126 = arith.cmpi ne, %convert_element_type3A_124, %cond3A_125 : i32
        scf.if %cond3A_126 {
          %dma_wait3A_127 = arith.constant 0 : i32
          %dma_wait3A_128 = arith.constant 0 : i32
          %dma_wait3A_129 = tpu.memref_slice %arg2[%add3A, %dma_wait3A_127, %dma_wait3A_128] : memref<4000x5x80xi32, #tpu.memory_space<hbm>> -> memref<1x5x80xi32, #tpu.memory_space<hbm>>
          %dma_wait3A_130 = tpu.memref_squeeze %dma_wait3A_129 : memref<1x5x80xi32, #tpu.memory_space<hbm>> -> memref<5x80xi32, #tpu.memory_space<hbm>>
          %dma_wait3A_131 = arith.constant 0 : i32
          %dma_wait3A_132 = arith.constant 0 : i32
          %dma_wait3A_133 = tpu.memref_slice %arg2[%add3A, %dma_wait3A_131, %dma_wait3A_132] : memref<4000x5x80xi32, #tpu.memory_space<hbm>> -> memref<1x5x80xi32, #tpu.memory_space<hbm>>
          %dma_wait3A_134 = tpu.memref_squeeze %dma_wait3A_133 : memref<1x5x80xi32, #tpu.memory_space<hbm>> -> memref<5x80xi32, #tpu.memory_space<hbm>>
          tpu.wait_dma2 semaphore(%arg17 : memref<!tpu.dma_semaphore, #tpu.memory_space<semaphore_mem>>) src(%dma_wait3A_134 : memref<5x80xi32, #tpu.memory_space<hbm>>) dst(%arg6 : memref<5x80xi32, #tpu.memory_space<vmem>>)
          %ge3A = arith.constant 1 : i32
          %ge3A_135 = arith.cmpi sge, %add3A_95, %ge3A : i32
          %convert_element_type3A_136 = arith.extui %ge3A_135 : i1 to i32
          %cond3A_137 = arith.constant 0 : i32
          %cond3A_138 = arith.cmpi ne, %convert_element_type3A_136, %cond3A_137 : i32
          scf.if %cond3A_138 {
            %dma_wait3A_156 = arith.constant 0 : i32
            %dma_wait3A_157 = arith.constant 0 : i32
            %dma_wait3A_158 = tpu.memref_slice %arg16[%dma_wait3A_156, %dma_wait3A_157] : memref<5248x128xf32, #tpu.memory_space<vmem_shared>> -> memref<5248x128xf32, #tpu.memory_space<vmem_shared>>
            tpu.wait_indirect_dma semaphore(%arg21 : memref<!tpu.dma_semaphore, #tpu.memory_space<semaphore_mem>>) src(%arg14 : memref<80x128xf32, #tpu.memory_space<vmem>>) dst(%dma_wait3A_158 : memref<5248x128xf32, #tpu.memory_space<vmem_shared>>)
          } else {
          }
          %scan3A_139 = arith.constant 0 : i32
          %scan3A_140 = arith.constant 0 : i32
          %scan3A_141 = arith.constant 5 : i32
          %scan3A_142 = arith.addi %scan3A_140, %scan3A_141 : i32
          %scan3A_143 = arith.constant 1 : i32
          %scan3A_144 = scf.for %scan3A_156 = %scan3A_140 to %scan3A_142 step %scan3A_143 iter_args(%scan3A_157 = %scan3A_139) -> (i32)  : i32 {
            %mul3A_158 = arith.constant 16 : i32
            %mul3A_159 = arith.muli %scan3A_156, %mul3A_158 : i32
            %get3A = arith.constant 2 : i32
            %get3A_160 = arith.index_cast %get3A : i32 to index
            %get3A_161 = arith.index_cast %mul3A_159 : i32 to index
            %get3A_162 = tpu.vector_load %arg6[%get3A_160, %get3A_161] {strides = array<i32>} : memref<5x80xi32, #tpu.memory_space<vmem>>, vector<1x16xi32>,
            %get3A_163 = vector.shape_cast %get3A_162 : vector<1x16xi32> to vector<16xi32>
            %mul3A_164 = arith.constant 8 : i32
            %mul3A_165 = vector.broadcast %mul3A_164 : i32 to vector<16xi32>
            %mul3A_166 = arith.muli %get3A_163, %mul3A_165 : vector<16xi32>
            %get3A_167 = arith.constant 3 : i32
            %get3A_168 = arith.index_cast %get3A_167 : i32 to index
            %get3A_169 = arith.index_cast %mul3A_159 : i32 to index
            %get3A_170 = tpu.vector_load %arg6[%get3A_168, %get3A_169] {strides = array<i32>} : memref<5x80xi32, #tpu.memory_space<vmem>>, vector<1x16xi32>,
            %get3A_171 = vector.shape_cast %get3A_170 : vector<1x16xi32> to vector<16xi32>
            %add3A_172 = arith.addi %mul3A_166, %get3A_171 : vector<16xi32>
            %mul3A_173 = arith.constant 8 : i32
            %mul3A_174 = vector.broadcast %mul3A_173 : i32 to vector<16xi32>
            %mul3A_175 = arith.muli %add3A_172, %mul3A_174 : vector<16xi32>
            %get3A_176 = arith.constant 4 : i32
            %get3A_177 = arith.index_cast %get3A_176 : i32 to index
            %get3A_178 = arith.index_cast %mul3A_159 : i32 to index
            %get3A_179 = tpu.vector_load %arg6[%get3A_177, %get3A_178] {strides = array<i32>} : memref<5x80xi32, #tpu.memory_space<vmem>>, vector<1x16xi32>,
            %get3A_180 = vector.shape_cast %get3A_179 : vector<1x16xi32> to vector<16xi32>
            %add3A_181 = arith.addi %mul3A_175, %get3A_180 : vector<16xi32>
            %swap3A = arith.index_cast %mul3A_159 : i32 to index
            %swap3A_182 = tpu.vector_load %arg8[%swap3A] {strides = array<i32>} : memref<80xi32, #tpu.memory_space<vmem>>, vector<16xi32>,
            %swap3A_183 = vector.shape_cast %swap3A_182 : vector<16xi32> to vector<16xi32>
            %swap3A_184 = vector.shape_cast %add3A_181 : vector<16xi32> to vector<16xi32>
            tpu.vector_store %arg8[%swap3A], %swap3A_184 {strides = array<i32>} : memref<80xi32, #tpu.memory_space<vmem>>, vector<16xi32>,
            %get3A_185 = arith.constant 1 : i32
            %get3A_186 = arith.index_cast %get3A_185 : i32 to index
            %get3A_187 = arith.index_cast %mul3A_159 : i32 to index
            %get3A_188 = tpu.vector_load %arg6[%get3A_186, %get3A_187] {strides = array<i32>} : memref<5x80xi32, #tpu.memory_space<vmem>>, vector<1x16xi32>,
            %get3A_189 = vector.shape_cast %get3A_188 : vector<1x16xi32> to vector<16xi32>
            %sub3A_190 = vector.broadcast %mul3A_0 : i32 to vector<16xi32>
            %sub3A_191 = arith.subi %get3A_189, %sub3A_190 : vector<16xi32>
            %ge3A_192 = arith.constant 0 : i32
            %ge3A_193 = vector.broadcast %ge3A_192 : i32 to vector<16xi32>
            %ge3A_194 = arith.cmpi sge, %sub3A_191, %ge3A_193 : vector<16xi32>
            %lt3A_195 = arith.constant 5120 : i32
            %lt3A_196 = vector.broadcast %lt3A_195 : i32 to vector<16xi32>
            %lt3A_197 = arith.cmpi slt, %sub3A_191, %lt3A_196 : vector<16xi32>
            %and3A = arith.andi %ge3A_194, %lt3A_197 : vector<16xi1>
            %jit3A_198 = arith.constant 5120 : i32
            %broadcast_in_dim3A = vector.broadcast %jit3A_198 : i32 to vector<16xi32>
            %select_n3A_199 = arith.select %and3A, %sub3A_191, %broadcast_in_dim3A : vector<16xi1>, vector<16xi32>
            %swap3A_200 = arith.index_cast %mul3A_159 : i32 to index
            %swap3A_201 = tpu.vector_load %arg10[%swap3A_200] {strides = array<i32>} : memref<80xi32, #tpu.memory_space<vmem>>, vector<16xi32>,
            %swap3A_202 = vector.shape_cast %swap3A_201 : vector<16xi32> to vector<16xi32>
            %swap3A_203 = vector.shape_cast %select_n3A_199 : vector<16xi32> to vector<16xi32>
            tpu.vector_store %arg10[%swap3A_200], %swap3A_203 {strides = array<i32>} : memref<80xi32, #tpu.memory_space<vmem>>, vector<16xi32>,
            %scan3A_204 = arith.constant 0 : i32
            scf.yield %scan3A_204 : i32
          }
          %scan3A_145 = arith.constant 5 : i32
          %dma_start3A_146 = arith.constant 0 : i32
          %dma_start3A_147 = arith.constant 0 : i32
          %dma_start3A_148 = tpu.memref_slice %arg6[%dma_start3A_146, %dma_start3A_147] : memref<5x80xi32, #tpu.memory_space<vmem>> -> memref<1x80xi32, #tpu.memory_space<vmem>>
          %dma_start3A_149 = tpu.memref_squeeze %dma_start3A_148 : memref<1x80xi32, #tpu.memory_space<vmem>> -> memref<80xi32, #tpu.memory_space<vmem>>
          %dma_start3A_150 = arith.constant 0 : i32
          %dma_start3A_151 = arith.constant 0 : i32
          %dma_start3A_152 = tpu.memref_slice %arg3[%dma_start3A_150, %dma_start3A_151] : memref<10000x256xf32, #tpu.memory_space<hbm>> -> memref<10000x256xf32, #tpu.memory_space<hbm>>
          tpu.enqueue_indirect_dma source(%dma_start3A_152 : memref<10000x256xf32, #tpu.memory_space<hbm>>) target(%arg12 : memref<80x256xf32, #tpu.memory_space<vmem>>) offsets(%dma_start3A_149 : memref<80xi32, #tpu.memory_space<vmem>>) semaphore(%arg19 : memref<!tpu.dma_semaphore, #tpu.memory_space<semaphore_mem>>)
          %dma_start3A_153 = arith.constant 0 : i32
          %dma_start3A_154 = arith.constant 0 : i32
          %dma_start3A_155 = tpu.memref_slice %arg4[%dma_start3A_153, %dma_start3A_154] : memref<512x128xf32, #tpu.memory_space<hbm>> -> memref<512x128xf32, #tpu.memory_space<hbm>>
          tpu.enqueue_indirect_dma source(%dma_start3A_155 : memref<512x128xf32, #tpu.memory_space<hbm>>) target(%arg14 : memref<80x128xf32, #tpu.memory_space<vmem>>) offsets(%arg8 : memref<80xi32, #tpu.memory_space<vmem>>) semaphore(%arg19 : memref<!tpu.dma_semaphore, #tpu.memory_space<semaphore_mem>>)
        } else {
        }
      } else {
      }
      %scan3A_100 = arith.constant 0 : i32
      scf.yield %scan3A_100 : i32
    }
    %scan3A_72 = arith.constant 125 : i32
    %dma_wait3A_73 = arith.constant 0 : i32
    %dma_wait3A_74 = arith.constant 0 : i32
    %dma_wait3A_75 = tpu.memref_slice %arg16[%dma_wait3A_73, %dma_wait3A_74] : memref<5248x128xf32, #tpu.memory_space<vmem_shared>> -> memref<5248x128xf32, #tpu.memory_space<vmem_shared>>
    tpu.wait_indirect_dma semaphore(%arg21 : memref<!tpu.dma_semaphore, #tpu.memory_space<semaphore_mem>>) src(%arg14 : memref<80x128xf32, #tpu.memory_space<vmem>>) dst(%dma_wait3A_75 : memref<5248x128xf32, #tpu.memory_space<vmem_shared>>)
    %dma_wait3A_76 = arith.constant 0 : i32
    %dma_wait3A_77 = arith.constant 0 : i32
    %dma_wait3A_78 = tpu.memref_slice %arg16[%dma_wait3A_76, %dma_wait3A_77] : memref<5248x128xf32, #tpu.memory_space<vmem_shared>> -> memref<5248x128xf32, #tpu.memory_space<vmem_shared>>
    tpu.wait_indirect_dma semaphore(%arg22 : memref<!tpu.dma_semaphore, #tpu.memory_space<semaphore_mem>>) src(%arg15 : memref<80x128xf32, #tpu.memory_space<vmem>>) dst(%dma_wait3A_78 : memref<5248x128xf32, #tpu.memory_space<vmem_shared>>)
    %barrier3A_79 = arith.constant 0 : index
    tpu.barrier barrier_id(%barrier3A_79)
    %mul3A_80 = arith.constant 328 : i32
    %mul3A_81 = arith.muli %arg1, %mul3A_80 : i32
    %mul3A_82 = arith.constant 328 : i32
    %mul3A_83 = arith.muli %arg1, %mul3A_82 : i32
    "tpu.region"() ({
      %run_scoped3A = tpu.sem_alloc : memref<!tpu.dma_semaphore, #tpu.memory_space<semaphore_mem>>
      %dma_start3A_84 = arith.constant 0 : i32
      %dma_start3A_85 = tpu.memref_slice %arg5[%arg0, %mul3A_83, %dma_start3A_84] : memref<2x5248x128xf32, #tpu.memory_space<hbm>> -> memref<1x328x128xf32, #tpu.memory_space<hbm>>
      %dma_start3A_86 = tpu.memref_squeeze %dma_start3A_85 : memref<1x328x128xf32, #tpu.memory_space<hbm>> -> memref<328x128xf32, #tpu.memory_space<hbm>>
      %dma_start3A_87 = arith.constant 0 : i32
      %dma_start3A_88 = tpu.memref_slice %arg16[%mul3A_81, %dma_start3A_87] : memref<5248x128xf32, #tpu.memory_space<vmem_shared>> -> memref<328x128xf32, #tpu.memory_space<vmem_shared>>
      tpu.enqueue_dma source(%dma_start3A_88 : memref<328x128xf32, #tpu.memory_space<vmem_shared>>) target(%dma_start3A_86 : memref<328x128xf32, #tpu.memory_space<hbm>>) target_semaphore(%run_scoped3A : memref<!tpu.dma_semaphore, #tpu.memory_space<semaphore_mem>>)
      %dma_wait3A_89 = arith.constant 0 : i32
      %dma_wait3A_90 = tpu.memref_slice %arg5[%arg0, %mul3A_83, %dma_wait3A_89] : memref<2x5248x128xf32, #tpu.memory_space<hbm>> -> memref<1x328x128xf32, #tpu.memory_space<hbm>>
      %dma_wait3A_91 = tpu.memref_squeeze %dma_wait3A_90 : memref<1x328x128xf32, #tpu.memory_space<hbm>> -> memref<328x128xf32, #tpu.memory_space<hbm>>
      %dma_wait3A_92 = arith.constant 0 : i32
      %dma_wait3A_93 = tpu.memref_slice %arg16[%mul3A_81, %dma_wait3A_92] : memref<5248x128xf32, #tpu.memory_space<vmem_shared>> -> memref<328x128xf32, #tpu.memory_space<vmem_shared>>
      tpu.wait_dma2 semaphore(%run_scoped3A : memref<!tpu.dma_semaphore, #tpu.memory_space<semaphore_mem>>) src(%dma_wait3A_93 : memref<328x128xf32, #tpu.memory_space<vmem_shared>>) dst(%dma_wait3A_91 : memref<328x128xf32, #tpu.memory_space<hbm>>)
      tpu.yield
    }) : () -> ()
    return
  }
}

module attributes {stable_mosaic.version = 14 : i64} {
  func.func @_dense_body(%arg0: i32, %arg1: memref<2000x128xf32, #tpu.memory_space<vmem>>, %arg2: memref<128x128xf32, #tpu.memory_space<vmem>>, %arg3: memref<1x128xf32, #tpu.memory_space<vmem>>, %arg4: memref<2000x1xf32, #tpu.memory_space<vmem>>, %arg5: memref<8x128xf32, #tpu.memory_space<vmem>>, %arg6: memref<8x128xf32, #tpu.memory_space<vmem>>, %arg7: memref<8x128xf32, #tpu.memory_space<vmem>>, %arg8: memref<2000x128xf32, #tpu.memory_space<vmem>>, %arg9: memref<2000x1xf32, #tpu.memory_space<vmem>>, %arg10: memref<512x128xf32, #tpu.memory_space<vmem>>, %arg11: memref<2000x256xf32, #tpu.memory_space<vmem>>) attributes {dimension_semantics = [#tpu.dimension_semantics<arbitrary>], iteration_bounds = array<i64: 5>, scalar_prefetch = 0 : i64, scratch_operands = 0 : i64, tpu.core_type = #tpu.core_type<tc>, window_params = [{transform_indices = @transform_0, window_bounds = array<i64: 2000, 128>}, {pipeline_mode = #tpu.pipeline_mode<synchronous>, transform_indices = @transform_1, window_bounds = array<i64: 128, 128>}, {pipeline_mode = #tpu.pipeline_mode<synchronous>, transform_indices = @transform_2, window_bounds = array<i64: 1, 128>}, {transform_indices = @transform_3, window_bounds = array<i64: 2000, 1>}, {pipeline_mode = #tpu.pipeline_mode<synchronous>, transform_indices = @transform_4, window_bounds = array<i64: 8, 128>}, {pipeline_mode = #tpu.pipeline_mode<synchronous>, transform_indices = @transform_5, window_bounds = array<i64: 8, 128>}, {pipeline_mode = #tpu.pipeline_mode<synchronous>, transform_indices = @transform_6, window_bounds = array<i64: 8, 128>}, {transform_indices = @transform_7, window_bounds = array<i64: 2000, 128>}, {transform_indices = @transform_8, window_bounds = array<i64: 2000, 1>}, {pipeline_mode = #tpu.pipeline_mode<synchronous>, transform_indices = @transform_9, window_bounds = array<i64: 512, 128>}, {transform_indices = @transform_10, window_bounds = array<i64: 2000, 256>}]} {
    %get3A = arith.constant 0 : index
    %get3A_0 = arith.constant 0 : index
    %get3A_1 = vector.load %arg1[%get3A, %get3A_0] : memref<2000x128xf32, #tpu.memory_space<vmem>>, vector<2000x128xf32>
    %get3A_2 = arith.constant 0 : index
    %get3A_3 = arith.constant 0 : index
    %get3A_4 = vector.load %arg2[%get3A_2, %get3A_3] : memref<128x128xf32, #tpu.memory_space<vmem>>, vector<128x128xf32>
    %dot_general3A = arith.constant dense<0.000000e+00> : vector<2000x128xf32>
    %dot_general3A_5 = tpu.matmul %get3A_1, %get3A_4, %dot_general3A {dimension_numbers = #tpu.dot_dimension_numbers<[1], [0], [0], [1], [0, 0, 1, 1], [], []>, transpose_lhs_hint = false} : vector<2000x128xf32>, vector<128x128xf32>, vector<2000x128xf32> -> vector<2000x128xf32>
    %get3A_6 = arith.constant 0 : index
    %get3A_7 = arith.constant 0 : index
    %get3A_8 = vector.load %arg3[%get3A_6, %get3A_7] : memref<1x128xf32, #tpu.memory_space<vmem>>, vector<1x128xf32>
    %add3A = vector.broadcast %get3A_8 : vector<1x128xf32> to vector<2000x128xf32>
    %add3A_9 = arith.addf %dot_general3A_5, %add3A : vector<2000x128xf32>
    %get3A_10 = arith.constant 0 : index
    %get3A_11 = arith.constant 0 : index
    %get3A_12 = vector.load %arg4[%get3A_10, %get3A_11] : memref<2000x1xf32, #tpu.memory_space<vmem>>, vector<2000x1xf32>
    %add3A_13 = arith.constant 1.000000e+00 : f32
    %add3A_14 = vector.broadcast %add3A_13 : f32 to vector<2000x1xf32>
    %add3A_15 = arith.addf %get3A_12, %add3A_14 : vector<2000x1xf32>
    %rsqrt3A = math.rsqrt %add3A_15 : vector<2000x1xf32>
    %swap3A = arith.constant 0 : index
    %swap3A_16 = arith.constant 0 : index
    %swap3A_17 = vector.load %arg8[%swap3A, %swap3A_16] : memref<2000x128xf32, #tpu.memory_space<vmem>>, vector<2000x128xf32>
    tpu.vector_store %arg8[%swap3A, %swap3A_16], %add3A_9 {strides = array<i32>} : memref<2000x128xf32, #tpu.memory_space<vmem>>, vector<2000x128xf32>,
    %swap3A_18 = arith.constant 0 : index
    %swap3A_19 = arith.constant 0 : index
    %swap3A_20 = vector.load %arg9[%swap3A_18, %swap3A_19] : memref<2000x1xf32, #tpu.memory_space<vmem>>, vector<2000x1xf32>
    tpu.vector_store %arg9[%swap3A_18, %swap3A_19], %rsqrt3A {strides = array<i32>} : memref<2000x1xf32, #tpu.memory_space<vmem>>, vector<2000x1xf32>,
    %mul3A = vector.broadcast %rsqrt3A : vector<2000x1xf32> to vector<2000x128xf32>
    %mul3A_21 = arith.mulf %add3A_9, %mul3A : vector<2000x128xf32>
    %swap3A_22 = arith.constant 0 : index
    %swap3A_23 = arith.constant 0 : index
    %swap3A_24 = vector.load %arg11[%swap3A_22, %swap3A_23] : memref<2000x256xf32, #tpu.memory_space<vmem>>, vector<2000x128xf32>
    tpu.vector_store %arg11[%swap3A_22, %swap3A_23], %mul3A_21 {strides = array<i32>} : memref<2000x256xf32, #tpu.memory_space<vmem>>, vector<2000x128xf32>,
    %broadcast_in_dim3A = vector.shape_cast %rsqrt3A : vector<2000x1xf32> to vector<2000x1xf32>
    %broadcast_in_dim3A_25 = vector.broadcast %broadcast_in_dim3A : vector<2000x1xf32> to vector<2000x128xf32>
    %swap3A_26 = arith.constant 0 : index
    %swap3A_27 = arith.constant 128 : index
    %swap3A_28 = vector.load %arg11[%swap3A_26, %swap3A_27] : memref<2000x256xf32, #tpu.memory_space<vmem>>, vector<2000x128xf32>
    tpu.vector_store %arg11[%swap3A_26, %swap3A_27], %broadcast_in_dim3A_25 {strides = array<i32>} : memref<2000x256xf32, #tpu.memory_space<vmem>>, vector<2000x128xf32>,
    %get3A_29 = arith.constant 0 : index
    %get3A_30 = arith.constant 0 : index
    %get3A_31 = vector.load %arg5[%get3A_29, %get3A_30] : memref<8x128xf32, #tpu.memory_space<vmem>>, vector<8x128xf32>
    %broadcast_in_dim3A_32 = vector.shape_cast %get3A_31 : vector<8x128xf32> to vector<8x1x128xf32>
    %broadcast_in_dim3A_33 = vector.shape_cast %broadcast_in_dim3A_32 : vector<8x1x128xf32> to vector<8x1x128xf32>
    %broadcast_in_dim3A_34 = vector.broadcast %broadcast_in_dim3A_33 : vector<8x1x128xf32> to vector<8x8x128xf32>
    %get3A_35 = arith.constant 0 : index
    %get3A_36 = arith.constant 0 : index
    %get3A_37 = vector.load %arg6[%get3A_35, %get3A_36] : memref<8x128xf32, #tpu.memory_space<vmem>>, vector<8x128xf32>
    %broadcast_in_dim3A_38 = vector.shape_cast %get3A_37 : vector<8x128xf32> to vector<1x8x128xf32>
    %add3A_39 = vector.broadcast %broadcast_in_dim3A_38 : vector<1x8x128xf32> to vector<8x8x128xf32>
    %add3A_40 = arith.addf %broadcast_in_dim3A_34, %add3A_39 : vector<8x8x128xf32>
    %reshape3A = vector.shape_cast %add3A_40 : vector<8x8x128xf32> to vector<64x128xf32>
    %broadcast_in_dim3A_41 = vector.shape_cast %reshape3A : vector<64x128xf32> to vector<64x1x128xf32>
    %broadcast_in_dim3A_42 = vector.shape_cast %broadcast_in_dim3A_41 : vector<64x1x128xf32> to vector<64x1x128xf32>
    %broadcast_in_dim3A_43 = vector.broadcast %broadcast_in_dim3A_42 : vector<64x1x128xf32> to vector<64x8x128xf32>
    %get3A_44 = arith.constant 0 : index
    %get3A_45 = arith.constant 0 : index
    %get3A_46 = vector.load %arg7[%get3A_44, %get3A_45] : memref<8x128xf32, #tpu.memory_space<vmem>>, vector<8x128xf32>
    %broadcast_in_dim3A_47 = vector.shape_cast %get3A_46 : vector<8x128xf32> to vector<1x8x128xf32>
    %add3A_48 = vector.broadcast %broadcast_in_dim3A_47 : vector<1x8x128xf32> to vector<64x8x128xf32>
    %add3A_49 = arith.addf %broadcast_in_dim3A_43, %add3A_48 : vector<64x8x128xf32>
    %reshape3A_50 = vector.shape_cast %add3A_49 : vector<64x8x128xf32> to vector<512x128xf32>
    %swap3A_51 = arith.constant 0 : index
    %swap3A_52 = arith.constant 0 : index
    %swap3A_53 = vector.load %arg10[%swap3A_51, %swap3A_52] : memref<512x128xf32, #tpu.memory_space<vmem>>, vector<512x128xf32>
    tpu.vector_store %arg10[%swap3A_51, %swap3A_52], %reshape3A_50 {strides = array<i32>} : memref<512x128xf32, #tpu.memory_space<vmem>>, vector<512x128xf32>,
    return
  }
  func.func @transform_0(%arg0: i32) -> (i32, i32) {
    %c0_i32 = arith.constant 0 : i32
    %c0_i32_0 = arith.constant 0 : i32
    return %arg0, %c0_i32 : i32, i32
  }
  func.func @transform_1(%arg0: i32) -> (i32, i32) {
    %c0_i32 = arith.constant 0 : i32
    %c0_i32_0 = arith.constant 0 : i32
    %c0_i32_1 = arith.constant 0 : i32
    return %c0_i32, %c0_i32_0 : i32, i32
  }
  func.func @transform_2(%arg0: i32) -> (i32, i32) {
    %c0_i32 = arith.constant 0 : i32
    %c0_i32_0 = arith.constant 0 : i32
    %c0_i32_1 = arith.constant 0 : i32
    return %c0_i32, %c0_i32_0 : i32, i32
  }
  func.func @transform_3(%arg0: i32) -> (i32, i32) {
    %c0_i32 = arith.constant 0 : i32
    %c0_i32_0 = arith.constant 0 : i32
    return %arg0, %c0_i32 : i32, i32
  }
  func.func @transform_4(%arg0: i32) -> (i32, i32) {
    %c0_i32 = arith.constant 0 : i32
    %c0_i32_0 = arith.constant 0 : i32
    %c0_i32_1 = arith.constant 0 : i32
    return %c0_i32, %c0_i32_0 : i32, i32
  }
  func.func @transform_5(%arg0: i32) -> (i32, i32) {
    %c0_i32 = arith.constant 0 : i32
    %c0_i32_0 = arith.constant 0 : i32
    %c0_i32_1 = arith.constant 0 : i32
    return %c0_i32, %c0_i32_0 : i32, i32
  }
  func.func @transform_6(%arg0: i32) -> (i32, i32) {
    %c0_i32 = arith.constant 0 : i32
    %c0_i32_0 = arith.constant 0 : i32
    %c0_i32_1 = arith.constant 0 : i32
    return %c0_i32, %c0_i32_0 : i32, i32
  }
  func.func @transform_7(%arg0: i32) -> (i32, i32) {
    %c0_i32 = arith.constant 0 : i32
    %c0_i32_0 = arith.constant 0 : i32
    return %arg0, %c0_i32 : i32, i32
  }
  func.func @transform_8(%arg0: i32) -> (i32, i32) {
    %c0_i32 = arith.constant 0 : i32
    %c0_i32_0 = arith.constant 0 : i32
    return %arg0, %c0_i32 : i32, i32
  }
  func.func @transform_9(%arg0: i32) -> (i32, i32) {
    %c0_i32 = arith.constant 0 : i32
    %c0_i32_0 = arith.constant 0 : i32
    %c0_i32_1 = arith.constant 0 : i32
    return %c0_i32, %c0_i32_0 : i32, i32
  }
  func.func @transform_10(%arg0: i32) -> (i32, i32) {
    %c0_i32 = arith.constant 0 : i32
    %c0_i32_0 = arith.constant 0 : i32
    return %arg0, %c0_i32 : i32, i32
  }
}

module attributes {stable_mosaic.version = 14 : i64} {
  func.func @_final_body(%arg0: i32, %arg1: memref<2000x128xf32, #tpu.memory_space<vmem>>, %arg2: memref<2000x128xf32, #tpu.memory_space<vmem>>, %arg3: memref<1x128xf32, #tpu.memory_space<vmem>>, %arg4: memref<2000x1xf32, #tpu.memory_space<vmem>>, %arg5: memref<2000x128xf32, #tpu.memory_space<vmem>>) attributes {dimension_semantics = [#tpu.dimension_semantics<arbitrary>], iteration_bounds = array<i64: 5>, scalar_prefetch = 0 : i64, scratch_operands = 0 : i64, tpu.core_type = #tpu.core_type<tc>, window_params = [{transform_indices = @transform_0, window_bounds = array<i64: 2000, 128>}, {transform_indices = @transform_1, window_bounds = array<i64: 2000, 128>}, {pipeline_mode = #tpu.pipeline_mode<synchronous>, transform_indices = @transform_2, window_bounds = array<i64: 1, 128>}, {transform_indices = @transform_3, window_bounds = array<i64: 2000, 1>}, {transform_indices = @transform_4, window_bounds = array<i64: 2000, 128>}]} {
    %get3A = arith.constant 0 : index
    %get3A_0 = arith.constant 0 : index
    %get3A_1 = vector.load %arg4[%get3A, %get3A_0] : memref<2000x1xf32, #tpu.memory_space<vmem>>, vector<2000x1xf32>
    %get3A_2 = arith.constant 0 : index
    %get3A_3 = arith.constant 0 : index
    %get3A_4 = vector.load %arg2[%get3A_2, %get3A_3] : memref<2000x128xf32, #tpu.memory_space<vmem>>, vector<2000x128xf32>
    %get3A_5 = arith.constant 0 : index
    %get3A_6 = arith.constant 0 : index
    %get3A_7 = vector.load %arg3[%get3A_5, %get3A_6] : memref<1x128xf32, #tpu.memory_space<vmem>>, vector<1x128xf32>
    %add3A = vector.broadcast %get3A_7 : vector<1x128xf32> to vector<2000x128xf32>
    %add3A_8 = arith.addf %get3A_4, %add3A : vector<2000x128xf32>
    %max3A = arith.constant 0.000000e+00 : f32
    %max3A_9 = vector.broadcast %max3A : f32 to vector<2000x128xf32>
    %max3A_10 = arith.maximumf %add3A_8, %max3A_9 : vector<2000x128xf32>
    %mul3A = arith.mulf %get3A_1, %get3A_1 : vector<2000x1xf32>
    %mul3A_11 = vector.broadcast %mul3A : vector<2000x1xf32> to vector<2000x128xf32>
    %mul3A_12 = arith.mulf %max3A_10, %mul3A_11 : vector<2000x128xf32>
    %get3A_13 = arith.constant 0 : index
    %get3A_14 = arith.constant 0 : index
    %get3A_15 = vector.load %arg1[%get3A_13, %get3A_14] : memref<2000x128xf32, #tpu.memory_space<vmem>>, vector<2000x128xf32>
    %mul3A_16 = vector.broadcast %get3A_1 : vector<2000x1xf32> to vector<2000x128xf32>
    %mul3A_17 = arith.mulf %get3A_15, %mul3A_16 : vector<2000x128xf32>
    %add3A_18 = arith.addf %mul3A_17, %mul3A_12 : vector<2000x128xf32>
    %swap3A = arith.constant 0 : index
    %swap3A_19 = arith.constant 0 : index
    %swap3A_20 = vector.load %arg5[%swap3A, %swap3A_19] : memref<2000x128xf32, #tpu.memory_space<vmem>>, vector<2000x128xf32>
    tpu.vector_store %arg5[%swap3A, %swap3A_19], %add3A_18 {strides = array<i32>} : memref<2000x128xf32, #tpu.memory_space<vmem>>, vector<2000x128xf32>,
    return
  }
  func.func @transform_0(%arg0: i32) -> (i32, i32) {
    %c0_i32 = arith.constant 0 : i32
    %c0_i32_0 = arith.constant 0 : i32
    return %arg0, %c0_i32 : i32, i32
  }
  func.func @transform_1(%arg0: i32) -> (i32, i32) {
    %c0_i32 = arith.constant 0 : i32
    %c0_i32_0 = arith.constant 0 : i32
    return %arg0, %c0_i32 : i32, i32
  }
  func.func @transform_2(%arg0: i32) -> (i32, i32) {
    %c0_i32 = arith.constant 0 : i32
    %c0_i32_0 = arith.constant 0 : i32
    %c0_i32_1 = arith.constant 0 : i32
    return %c0_i32, %c0_i32_0 : i32, i32
  }
  func.func @transform_3(%arg0: i32) -> (i32, i32) {
    %c0_i32 = arith.constant 0 : i32
    %c0_i32_0 = arith.constant 0 : i32
    return %arg0, %c0_i32 : i32, i32
  }
  func.func @transform_4(%arg0: i32) -> (i32, i32) {
    %c0_i32 = arith.constant 0 : i32
    %c0_i32_0 = arith.constant 0 : i32
    return %arg0, %c0_i32 : i32, i32
  }
}

</mosaic_0001>

<sc_bundles>
// kernel: kernel.6.cloned.1.call-start
scs
__scs_entry_jumppad:
0x0: {  	(pc) =	sbr.rel $0x88, $3  }
0x1: {  	(tag) =	ssettag $0x0;
	lr =	simm.s32 $0x1  }
0x2: {  	[smem:$0x3F98] =	sst lr;
	_ =	strace $0xD0000000  }
0x3: {  	_ = 	snop  }
0x4: {  	_ = 	snop  }
0x5: {  	_ = 	snop  }
0x6: {  	_ = 	snop  }
0x7: {  	_ = 	snop  }
__scs_overlays_trampoline_lowered:
0x8: {  	[smem:$0x3FA7] =	sst s0  }
0x9: {  	[smem:$0x3FA8] =	sst s1  }
0xa: {  	[smem:$0x3FA9] =	sst s2  }
0xb: {  	[smem:$0x3FAA] =	sst s3  }
0xc: {  	[smem:$0x3FAB] =	sst s4  }
0xd: {  	[smem:$0x3FAC] =	sst s5  }
0xe: {  	[smem:$0x3FAD] =	sst s6  }
0xf: {  	[smem:$0x3FAE] =	sst s7  }
0x10: {  	[smem:$0x3FAF] =	sst s8  }
0x11: {  	[smem:$0x3FB0] =	sst s9;
	s0 =	simm.s32 @!p0 $0x0  }
0x12: {  	s1 =	sld [smem:$0x3F96];
	s0 =	simm.s32 @p0 $0x1  }
0x13: {  	[smem:$0x3FB1] =	sst s0;
	s0 =	simm.s32 @!p1 $0x0  }
0x14: {  	s2 =	sld [smem:$0x3F95];
	s0 =	simm.s32 @p1 $0x1  }
0x15: {  	[smem:$0x3FB2] =	sst s0;
	s0 =	simm.s32 @!p2 $0x0  }
0x16: {  	s3 =	sld [smem:$0x3FDB];
	s0 =	simm.s32 @p2 $0x1  }
0x17: {  	s4 =	simm.s32 $0x1BF5;
	[smem:$0x3FB4] =	sst s0  }
0x18: {  	s0 =	sld [smem:$0x3F97];
	_ =	swait.ge [sflag:s4], $0x0  }
0x19: {  	s7 =	sld [smem:$0x3F98]  }
0x1a: {  	s8 =	sadd.s32 $0xFFFFE003, lr  }
0x1b: {  	s9 =	sadd.s32 $0xFFFFFEF7, lr;
	s5 =	simm.s32 $0xFFFFFFFF;
	p2 =	slt.u32 s8, $0xFFFFF086  }
0x1c: {  	p1 =	slt.u32 s9, $0xF7A;
	s5 =	simm.s32 @!p2 $0x0  }
0x1d: {  	s5 =	simm.s32 @p1 $0x1;
	p0 =	seq.s32 s7, s2  }
0x1e: {  	s7 =	smul.u32 @!p0 $0xF7A, s2;
	p2 =	seq.s32 @!p0 s5, $0x0  }
0x1f: {  	s9 =	smul.u32 $0xF7A, s1;
	s8 =	simm.s32 @!p0 $0x1BF5;
	p2 =	por !p2, p0  }
0x20: {  	[sflag:s8] =	ssyncset.s32 @!p0 $0xFFFFF086;
	s6 =	sadd.s32 @!p0 s3, s7;
	s7 =	simm.s32 @!p0 $0x108  }
0x21: {  	s3 =	sadd.s32 s3, s9;
	s6 =	sadd.s32 @!p0 $0x88, s6;
	s7 =	simm.s32 @p2 $0x1082  }
0x22: {  	[simem:s7], [sflag:s8] =	dma.local @!p0 [hbm:s6], $0xF7A  }
0x23: {  	s9 =	sor.u32 $0xD0000000, s2;
	s6 =	simm.s32 $0x108;
	_ =	swait.ge @!p0 [sflag:s8], $0x0  }
0x24: {  	s3 =	sadd.s32 $0x88, s3;
	s6 =	simm.s32 @!p1 $0x1082;
	[sflag:s4] =	ssyncset.s32 $0xFFFFF086  }
0x25: {  	[simem:s6], [sflag:s4] =	dma.local [hbm:s3], $0xF7A  }
0x26: {  	[smem:$0x3F98] =	sst s1;
	(tag) =	ssettag s2;
	_ =	strace s9  }
0x27: {  	s1 =	sld [smem:$0x3FA8]  }
0x28: {  	s2 =	sld [smem:$0x3FA9]  }
0x29: {  	s4 =	sld [smem:$0x3FAB]  }
0x2a: {  	p0 =	seq.s32 s5, $0x0;
	s5 =	sld [smem:$0x3FAC]  }
0x2b: {  	s6 =	sld [smem:$0x3FAD]  }
0x2c: {  	s7 =	sld [smem:$0x3FAE]  }
0x2d: {  	s3 =	simm.s32 $0x108;
	s8 =	sld [smem:$0x3FAF]  }
0x2e: {  	s3 =	simm.s32 @!p0 $0x1082;
	s9 =	sld [smem:$0x3FB0]  }
0x2f: {  	lr =	sadd.s32 s0, s3;
	s0 =	sld [smem:$0x3FA7]  }
0x30: {  	s3 =	sld [smem:$0x3FAA]  }
0x31: {  	[smem:$0x3FB3] =	sst s10  }
0x32: {  	s10 =	sld [smem:$0x3FB1];
	_ =	sdelay $0x3  }
0x33: {  	p0 =	seq.s32 s10, $0x1;
	s10 =	sld [smem:$0x3FB3];
	_ =	sdelay $0x3  }
0x34: {  	[smem:$0x3FB3] =	sst s10  }
0x35: {  	s10 =	sld [smem:$0x3FB2];
	_ =	sdelay $0x3  }
0x36: {  	p1 =	seq.s32 s10, $0x1;
	s10 =	sld [smem:$0x3FB3];
	_ =	sdelay $0x3  }
0x37: {  	[smem:$0x3FB3] =	sst s10  }
0x38: {  	s10 =	sld [smem:$0x3FB4]  }
0x39: {  	_ = 	snop;
	(pc) =	sbr.ind lr, $3  }
0x3a: {  	_ = 	snop  }
0x3b: {  	_ = 	snop  }
0x3c: {  	p2 =	seq.s32 s10, $0x1;
	s10 =	sld [smem:$0x3FB3]  }
0x3d: {  	_ =	shalt  }
0x3e: {  	_ =	shalt  }
0x3f: {  	_ =	shalt  }
0x40: {  	_ =	shalt  }
0x41: {  	_ =	shalt  }
0x42: {  	_ =	shalt  }
0x43: {  	_ =	shalt  }
0x44: {  	_ =	shalt  }
0x45: {  	_ =	shalt  }
0x46: {  	_ =	shalt  }
0x47: {  	_ =	shalt  }
0x48: {  	_ =	shalt  }
0x49: {  	_ =	shalt  }
0x4a: {  	_ =	shalt  }
0x4b: {  	_ =	shalt  }
0x4c: {  	_ =	shalt  }
0x4d: {  	_ =	shalt  }
0x4e: {  	_ =	shalt  }
0x4f: {  	_ =	shalt  }
0x50: {  	_ =	shalt  }
0x51: {  	_ =	shalt  }
0x52: {  	_ =	shalt  }
0x53: {  	_ =	shalt  }
0x54: {  	_ =	shalt  }
0x55: {  	_ =	shalt  }
0x56: {  	_ =	shalt  }
0x57: {  	_ =	shalt  }
0x58: {  	_ =	shalt  }
0x59: {  	_ =	shalt  }
0x5a: {  	_ =	shalt  }
0x5b: {  	_ =	shalt  }
0x5c: {  	_ =	shalt  }
0x5d: {  	_ =	shalt  }
0x5e: {  	_ =	shalt  }
0x5f: {  	_ =	shalt  }
0x60: {  	_ =	shalt  }
0x61: {  	_ =	shalt  }
0x62: {  	_ =	shalt  }
0x63: {  	_ =	shalt  }
0x64: {  	_ =	shalt  }
0x65: {  	_ =	shalt  }
0x66: {  	_ =	shalt  }
0x67: {  	_ =	shalt  }
0x68: {  	_ =	shalt  }
0x69: {  	_ =	shalt  }
0x6a: {  	_ =	shalt  }
0x6b: {  	_ =	shalt  }
0x6c: {  	_ =	shalt  }
0x6d: {  	_ =	shalt  }
0x6e: {  	_ =	shalt  }
0x6f: {  	_ =	shalt  }
0x70: {  	_ =	shalt  }
0x71: {  	_ =	shalt  }
0x72: {  	_ =	shalt  }
0x73: {  	_ =	shalt  }
0x74: {  	_ =	shalt  }
0x75: {  	_ =	shalt  }
0x76: {  	_ =	shalt  }
0x77: {  	_ =	shalt  }
0x78: {  	_ =	shalt  }
0x79: {  	_ =	shalt  }
0x7a: {  	_ =	shalt  }
0x7b: {  	_ =	shalt  }
0x7c: {  	_ =	shalt  }
0x7d: {  	_ =	shalt  }
0x7e: {  	_ =	shalt  }
0x7f: {  	_ =	shalt  }
0x80: {  	_ =	shalt  }
0x81: {  	_ =	shalt  }
0x82: {  	_ =	shalt  }
0x83: {  	_ =	shalt  }
0x84: {  	_ =	shalt  }
0x85: {  	_ =	shalt  }
0x86: {  	_ =	shalt  }
0x87: {  	_ =	shalt  }
.Lfunc_end0:
.L_simem_size_0:
called_computation_lowered:
.L_overlay_start_0:
0x88: {  	s2 =	sld [smem:$0x3FD9]  }
0x89: {  	s3 =	sld [smem:$0x3FFE];
	_ =	sdelay $0x1  }
0x8a: {  	s1 =	srdreg.scid  }
0x8b: {  	s0 =	sand.u32 $0x1, s1  }
0x8c: {  	s17 =	sshll.u32 s0, $0xA;
	s2 =	sadd.s32 s3, s2  }
0x8d: {  	s2 =	sadd.s32 s2, s17  }
0x8e: {  	[smem:$0x3FBF] =	sst s2  }
0x8f: {  	_ = 	snop  }
0x90: {  	s2 =	sld [smem:$0x3FD0];
	(tm) =	ssettm $0x1  }
0x91: {  	s18 =	sld [smem:$0x3FFB];
	_ =	sdelay $0x3  }
0x92: {  	_ =	strace s18  }
0x93: {  	s3 =	sld [smem:$0x3FFC];
	_ =	sdelay $0x3  }
0x94: {  	_ =	strace s3  }
0x95: {  	s3 =	sld [smem:$0x3FFD];
	_ =	sdelay $0x3  }
0x96: {  	_ =	strace s3  }
0x97: {  	_ =	strace $0x8FFFFFFF  }
0x98: {  	s19 =	sld [smem:$0x3FDB];
	_ =	sdelay $0x1  }
0x99: {  	s4 =	simm.s32 $_scs_section_size  }
0x9a: {  	s5 =	simm.s32 $_size__tile_overlayer_lowered;
	s6 =	simm.s32 $_tile_overlayer_lowered  }
0x9b: {  	s22 =	simm.s32 $0x1BFF;
	s21 =	sshll.u32 s6, $0x1;
	s3 =	sadd.s32 s4, s19  }
0x9c: {  	s7 =	simm.s32 $0x0;
	s20 =	sshll.u32 s5, $0x1;
	s5 =	sadd.s32 s21, s3  }
0x9d: {  	[timem:s7], [sflag:s22] =	dma.local [hbm:s5], s20  }
0x9e: {  	_ =	swait.ge [sflag:s22], s20  }
0x9f: {  	s4 =	ssub.s32 $0x0, s20;
	[sflag:s22] =	ssyncset.done $0x0  }
0xa0: {  	[sflag:s22] =	ssyncadd.s32 s4;
	_ =	sdelay $0x1  }
0xa1: {  	s23 =	simm.s32 $0x1B8B  }
0xa2: {  	_ =	swait.ge [sflag:s23], $0x1  }
0xa3: {  	[sflag:s23] =	ssyncset.done $0x0  }
0xa4: {  	s25 =	simm.s32 $0x1B8E;
	s24 =	sld [smem:$0x3FFE];
	[sflag:s23] =	ssyncadd.s32 $0xFFFFFFFF  }
0xa5: {  	s26 =	simm.s32 $execute0_lowered;
	[smem:$0x3FD2] =	sst s25  }
0xa6: {  	s5 =	sshll.u32 s26, $0x1;
	_ =	strace $0x80000046;
	[dreg:$0x1] =	wrdreg $0xFFFFFFFF  }
0xa7: {  	s28 =	simm.s32 $_size_execute0_lowered;
	s3 =	sadd.s32 s3, s5;
	[dreg:$0x0] =	wrdreg $0x0  }
0xa8: {  	s5 =	sshll.u32 s28, $0x1;
	[dreg:$0x2] =	wrdreg s3  }
0xa9: {  	[dreg:$0x3] =	wrdreg s5  }
0xaa: {  	[dreg:$0x4] =	wrdreg $0xC0  }
0xab: {  	_ =	task [dreg:s7], $0x5FFFF  }
0xac: {  	[dreg:$0x1] =	wrdreg $0xFFFFFFFF  }
0xad: {  	[dreg:$0x0] =	wrdreg $0x60  }
0xae: {  	[dreg:$0x2] =	wrdreg s24  }
0xaf: {  	[dreg:$0x3] =	wrdreg s2  }
0xb0: {  	[dreg:$0x4] =	wrdreg $0x3800  }
0xb1: {  	[dreg:$0x5] =	wrdreg $0x9  }
0xb2: {  	_ =	task.clear_ibuf [dreg:s7], $0x6FFFF;
	_ =	strace $0x90000046  }
0xb3: {  	s29 =	simm.s32 $0x9;
	_ =	strace $0x80000048  }
0xb4: {  	_ =	swait.ge [sflag:s29], $0x1  }
0xb5: {  	[sflag:s29] =	ssyncadd.s32 $0xFFFFFFFF  }
0xb6: {  	_ =	strace $0x90000048  }
0xb7: {  	_ =	sfence  }
0xb8: {  	s30 =	sld [smem:$0x0];
	_ =	sdelay $0x2  }
0xb9: {  	s31 =	sshll.u32 s1, $0xD;
	s1 =	sshrl.u32 s1, $0x2  }
0xba: {  	s3 =	sand.u32 $0x4000, s31;
	s1 =	sadd.s32 s1, s30  }
0xbb: {  	s0 =	sor.u32 s3, s0;
	s1 =	sshll.u32 s1, $0x11  }
0xbc: {  	s0 =	sor.u32 s1, s0  }
0xbd: {  	s0 =	sadd.s32 $0x8F2B, s0  }
0xbe: {  	[sflag:s0] =	ssyncadd.remote.s32 $0x1  }
0xbf: {  	_ =	sfence.sel $0xFFFF  }
0xc0: {  	[dreg:$0x0] =	wrdreg $0xFFFFFFFF;
	(pc) =	sbr.abs _section_cstart, $3  }
0xc1: {  	[dreg:$0x1] =	wrdreg $0xFFFFFFFF  }
0xc2: {  	_ =	task.clear_ibuf [dreg:s7], $0x2FFFF;
	_ =	strace $0x9FFFFFFF  }
0xc3: {  	(tm) =	ssettm $0x7FFFFFFF  }
tec
execute0_lowered:
.L_overlay_start_1:
0x0: {  	(tag) =	ssettag $0x1  }
0x1: {  	s4 =	rddreg [dreg:$0x0]  }
0x2: {  	s5 =	rddreg [dreg:$0x1]  }
0x3: {  	s0 =	srdreg.scid;
	s1 =	rddreg [dreg:$0x2]  }
0x4: {  	s3 =	simm.s32 $0x0;
	s2 =	stileid.u32;
	s11 =	simm.s32 $0x80  }
0x5: {  	s14 =	simm.s32 $0x20;
	s15 =	simm.s32 $0x10;
	s29 =	smul.u32 $0x500, s2  }
0x6: {  	s6 =	sand.u32 $0x1, s0;
	s0 =	rddreg [dreg:$0x3];
	s9 =	smul.u32 $0xA00, s2  }
0x7: {  	s16 =	simm.s32 $0x0;
	[smem:$0x7FF] =	sst s3;
	s30 =	smul.u32 $0x3E80, s2  }
0x8: {  	s12 =	sshll.u32 s2, $0x6;
	s7 =	smul.u32 $0x3E800, s6;
	_ =	strace $0x80000047  }
0x9: {  	s8 =	ssub.s32 $0x2, s6;
	s6 =	sshll.u32 s6, $0x7;
	s12 =	sor.u32 $0x1C01, s12  }
0xa: {  	s10 =	sshrl.u32 s8, $0x1;
	s9 =	sshrl.u32 s9, $0x2;
	s7 =	sadd.s32 s7, s4  }
0xb: {  	s4 =	sor.u32 s6, s29;
	s8 =	ssub.s32 s8, s10;
	s10 =	simm.s32 $0x50  }
0xc: {  	s31 =	sshrl.u32 s4, $0x3;
	s4 =	sadd.s32 s9, s1;
	s7 =	sadd.s32 s30, s7  }
0xd: {  	s6 =	smax.u32 s8, $0x1;
	s8 =	simm.s32 $0x100;
	s9 =	simm.s32 $0x1  }
0xe: {  	v0 =	vimm.f32 $0.0e+00;
	v1 =	vimm.f32 $1.000000000e+00;
	s5 =	sadd.s32 s5, s31;
	s7 =	sadd.s32 $0x1400, s7;
	s13 =	sshrl.u32 s4, $0x3  }
.LBB2_1:
0xf: {  	[tilespmem:$0x100] =	vst v0  }
0x10: {  	[tilespmem:$0x110] =	vst v0  }
0x11: {  	[tilespmem:$0x120] =	vst v0  }
0x12: {  	[tilespmem:$0x130] =	vst v0  }
0x13: {  	[tilespmem:$0x140] =	vst v0  }
0x14: {  	[tilespmem:$0x150] =	vst v0  }
0x15: {  	[tilespmem:$0x160] =	vst v0  }
0x16: {  	[tilespmem:$0x170] =	vst v0  }
0x17: {  	[tilespmem:$0x180] =	vst v0  }
0x18: {  	[tilespmem:$0x190] =	vst v0  }
0x19: {  	[tilespmem:$0x1A0] =	vst v0  }
0x1a: {  	[tilespmem:$0x1B0] =	vst v0  }
0x1b: {  	[tilespmem:$0x1C0] =	vst v0  }
0x1c: {  	[tilespmem:$0x1D0] =	vst v0  }
0x1d: {  	[tilespmem:$0x1E0] =	vst v0  }
0x1e: {  	[tilespmem:$0x1F0] =	vst v0  }
0x1f: {  	[tilespmem:$0x200] =	vst v0  }
0x20: {  	[tilespmem:$0x210] =	vst v0  }
0x21: {  	[tilespmem:$0x220] =	vst v0  }
0x22: {  	[tilespmem:$0x230] =	vst v0  }
0x23: {  	[tilespmem:$0x240] =	vst v0  }
0x24: {  	[tilespmem:$0x250] =	vst v0  }
0x25: {  	[tilespmem:$0x260] =	vst v0  }
0x26: {  	[tilespmem:$0x270] =	vst v0  }
0x27: {  	[tilespmem:$0x280] =	vst v0  }
0x28: {  	[tilespmem:$0x290] =	vst v0  }
0x29: {  	[tilespmem:$0x2A0] =	vst v0  }
0x2a: {  	[tilespmem:$0x2B0] =	vst v0  }
0x2b: {  	[tilespmem:$0x2C0] =	vst v0  }
0x2c: {  	[tilespmem:$0x2D0] =	vst v0  }
0x2d: {  	[tilespmem:$0x2E0] =	vst v0  }
0x2e: {  	[tilespmem:$0x2F0] =	vst v0  }
0x2f: {  	[tilespmem:$0x300] =	vst v0  }
0x30: {  	[tilespmem:$0x310] =	vst v0  }
0x31: {  	[tilespmem:$0x320] =	vst v0  }
0x32: {  	[tilespmem:$0x330] =	vst v0  }
0x33: {  	[tilespmem:$0x340] =	vst v0  }
0x34: {  	[tilespmem:$0x350] =	vst v0  }
0x35: {  	[tilespmem:$0x360] =	vst v0  }
0x36: {  	[tilespmem:$0x370] =	vst v0  }
0x37: {  	[tilespmem:$0x80] =	vst v1  }
0x38: {  	[tilespmem:$0x90] =	vst v1  }
0x39: {  	[tilespmem:$0xA0] =	vst v1  }
0x3a: {  	[tilespmem:$0xB0] =	vst v1  }
0x3b: {  	[tilespmem:$0xC0] =	vst v1  }
0x3c: {  	[spmem:s4] =	stream.linear.scatter [tilespmem:s8], [sflag:$0x1], $0x280, $0x38;
	[tilespmem:$0x600] =	vst v63  }
0x3d: {  	_ =	swait.ge [sflag:s9], $0x280  }
0x3e: {  	[sflag:s9] =	ssyncset.done $0x0  }
0x3f: {  	[sflag:s9] =	ssyncadd.s32 $0xFFFFFD80  }
0x40: {  	s17 =	sadd.s32 $0x0, s7;
	[bflag:$0x0] =	sbarrier.arrive $0xFFFF  }
0x41: {  	[tilespmem:s3], [sflag:$0x1] =	stream.linear.gather [hbm4b:s17+s3], $0x80, $0x38;
	[tilespmem:$0x600] =	vst v63  }
0x42: {  	_ =	swait.ge [sflag:s9], $0x80  }
0x43: {  	[sflag:s9] =	ssyncset.done $0x0  }
0x44: {  	[sflag:s9] =	ssyncadd.s32 $0xFFFFFF80  }
0x45: {  	[spmem:s1] =	stream.indirect.scatter.add.f32 [tilespmem:s11], [sflag:$0x1], $0x1, s3, s10, $0xb8;
	[tilespmem:$0x600] =	vst v63  }
0x46: {  	_ =	swait.ge [sflag:s9], $0x50  }
0x47: {  	s18 =	simm.s32 $0x100;
	s17 =	simm.s32 $0x80;
	[sflag:s9] =	ssyncset.done $0x0  }
.LBB2_2:
0x48: {  	s19 =	sadd.s32 s17, s7  }
0x49: {  	[sflag:s9] =	ssyncadd.s32 $0xFFFFFFB0;
	s17 =	smov.u32 s18;
	s20 =	sadd.s32 $0x80, s18  }
0x4a: {  	[tilespmem:s3], [sflag:$0x1] =	stream.linear.gather [hbm4b:s19+s3], $0x80, $0x38;
	[tilespmem:$0x600] =	vst v63  }
0x4b: {  	p0 =	sne.s32 s18, $0x3E00;
	_ =	swait.ge [sflag:s9], $0x80  }
.Ltmp0:
0x4c: {  	[sflag:s9] =	ssyncset.done $0x0;
	(pc) =	sbr.rel @p0 .LBB2_2-.Ltmp0, $4  }
0x4d: {  	[sflag:s9] =	ssyncadd.s32 $0xFFFFFF80  }
0x4e: {  	[spmem:s1] =	stream.indirect.scatter.add.f32 [tilespmem:s11], [sflag:$0x1], $0x1, s3, s10, $0xb8;
	[tilespmem:$0x600] =	vst v63  }
0x4f: {  	_ =	swait.ge [sflag:s9], $0x50  }
0x50: {  	s18 =	smov.u32 s20;
	[sflag:s9] =	ssyncset.done $0x0  }
0x51: {  	s17 =	sadd.s32 s17, s7;
	[sflag:s9] =	ssyncadd.s32 $0xFFFFFFB0  }
0x52: {  	[tilespmem:s3], [sflag:$0x1] =	stream.linear.gather [hbm4b:s17+s3], $0x80, $0x38;
	[tilespmem:$0x600] =	vst v63  }
0x53: {  	_ =	swait.ge [sflag:s9], $0x80  }
0x54: {  	[sflag:s9] =	ssyncset.done $0x0  }
0x55: {  	[sflag:s9] =	ssyncadd.s32 $0xFFFFFF80  }
0x56: {  	[spmem:s1] =	stream.indirect.scatter.add.f32 [tilespmem:s11], [sflag:$0x1], $0x1, s3, s10, $0xb8;
	[tilespmem:$0x600] =	vst v63  }
0x57: {  	_ =	swait.ge [sflag:s9], $0x50  }
0x58: {  	s16 =	sadd.s32 $0x1, s16;
	[sflag:s9] =	ssyncset.done $0x0  }
0x59: {  	p0 =	sne.s32 s16, s6;
	[sflag:s9] =	ssyncadd.s32 $0xFFFFFFB0  }
.Ltmp1:
0x5a: {  	[bflag:$0x0] =	sbarrier.arrive $0xFFFF;
	(pc) =	sbr.rel @p0 .LBB2_1-.Ltmp1, $4  }
0x5b: {  	[hbm:s5@s14], [sflag:s12] =	dma.strided [spmem:s13@s15], $0x50, s9, $0x10   }
0x5c: {  	_ =	swait.ge [sflag:s9], $0x50  }
0x5d: {  	[sflag:s9] =	ssyncset.done $0x0  }
0x5e: {  	[sflag:s9] =	ssyncadd.s32 $0xFFFFFFB0  }
0x5f: {  	_ =	sfence.sel $0x180000  }
0x60: {  	[bflag:$0x0] =	sbarrier.arrive $0xFFFF  }
0x61: {  	p0 =	sne.s32 s2, $0x0;
	_ =	strace $0x90000047  }
0x62: {  	s0 =	sadd.s32 @!p0 $0x100000, s0;
	[bflag:$0x2] =	sbarrier.arrive $0xFFFF  }
0x63: {  	[sflag:s0] =	ssyncadd.tile.s32 @!p0 $0x1;
	_ =	shalt  }
.Lfunc_end2:
_tile_overlayer_lowered:
.L_overlay_start_2:
0x64: {  	(tag) =	ssettag $0x2  }
0x65: {  	s0 =	rddreg [dreg:$0x0];
	s2 =	stileid.u32  }
0x66: {  	s1 =	rddreg [dreg:$0x1];
	p0 =	sne.s32 s2, $0x0  }
0x67: {  	s3 =	rddreg [dreg:$0x2];
	[bflag:$0x3] =	sbarrier.arrive $0xFFFF;
	s2 =	simm.s32 @!p0 $0x1C01  }
0x68: {  	[timem:s3], [sflag:s2] =	dma.local @!p0 [hbm:s0], s1  }
0x69: {  	s0 =	simm.s32 @!p0 $0x1  }
0x6a: {  	_ =	swait.ge @!p0 [sflag:s0], s1  }
0x6b: {  	s1 =	ssub.s32 @!p0 $0x0, s1;
	[sflag:s0] =	ssyncset.done @!p0 $0x0  }
0x6c: {  	[sflag:s0] =	ssyncadd.s32 @!p0 s1  }
0x6d: {  	[bflag:$0x3] =	sbarrier.arrive $0xFFFF  }
0x6e: {  	_ =	shalt  }

// kernel: kernel.9.cloned.1.call-start
scs
__scs_entry_jumppad:
0x0: {  	(pc) =	sbr.rel $0x88, $3  }
0x1: {  	(tag) =	ssettag $0x0;
	lr =	simm.s32 $0x1  }
0x2: {  	[smem:$0x3F98] =	sst lr;
	_ =	strace $0xD0000000  }
0x3: {  	_ = 	snop  }
0x4: {  	_ = 	snop  }
0x5: {  	_ = 	snop  }
0x6: {  	_ = 	snop  }
0x7: {  	_ = 	snop  }
__scs_overlays_trampoline_lowered:
0x8: {  	[smem:$0x3FA7] =	sst s0  }
0x9: {  	[smem:$0x3FA8] =	sst s1  }
0xa: {  	[smem:$0x3FA9] =	sst s2  }
0xb: {  	[smem:$0x3FAA] =	sst s3  }
0xc: {  	[smem:$0x3FAB] =	sst s4  }
0xd: {  	[smem:$0x3FAC] =	sst s5  }
0xe: {  	[smem:$0x3FAD] =	sst s6  }
0xf: {  	[smem:$0x3FAE] =	sst s7  }
0x10: {  	[smem:$0x3FAF] =	sst s8  }
0x11: {  	[smem:$0x3FB0] =	sst s9;
	s0 =	simm.s32 @!p0 $0x0  }
0x12: {  	s1 =	sld [smem:$0x3F96];
	s0 =	simm.s32 @p0 $0x1  }
0x13: {  	[smem:$0x3FB1] =	sst s0;
	s0 =	simm.s32 @!p1 $0x0  }
0x14: {  	s2 =	sld [smem:$0x3F95];
	s0 =	simm.s32 @p1 $0x1  }
0x15: {  	[smem:$0x3FB2] =	sst s0;
	s0 =	simm.s32 @!p2 $0x0  }
0x16: {  	s3 =	sld [smem:$0x3FDB];
	s0 =	simm.s32 @p2 $0x1  }
0x17: {  	s4 =	simm.s32 $0x1BF5;
	[smem:$0x3FB4] =	sst s0  }
0x18: {  	s0 =	sld [smem:$0x3F97];
	_ =	swait.ge [sflag:s4], $0x0  }
0x19: {  	s7 =	sld [smem:$0x3F98]  }
0x1a: {  	s8 =	sadd.s32 $0xFFFFE003, lr  }
0x1b: {  	s9 =	sadd.s32 $0xFFFFFEF7, lr;
	s5 =	simm.s32 $0xFFFFFFFF;
	p2 =	slt.u32 s8, $0xFFFFF086  }
0x1c: {  	p1 =	slt.u32 s9, $0xF7A;
	s5 =	simm.s32 @!p2 $0x0  }
0x1d: {  	s5 =	simm.s32 @p1 $0x1;
	p0 =	seq.s32 s7, s2  }
0x1e: {  	s7 =	smul.u32 @!p0 $0xF7A, s2;
	p2 =	seq.s32 @!p0 s5, $0x0  }
0x1f: {  	s9 =	smul.u32 $0xF7A, s1;
	s8 =	simm.s32 @!p0 $0x1BF5;
	p2 =	por !p2, p0  }
0x20: {  	[sflag:s8] =	ssyncset.s32 @!p0 $0xFFFFF086;
	s6 =	sadd.s32 @!p0 s3, s7;
	s7 =	simm.s32 @!p0 $0x108  }
0x21: {  	s3 =	sadd.s32 s3, s9;
	s6 =	sadd.s32 @!p0 $0x88, s6;
	s7 =	simm.s32 @p2 $0x1082  }
0x22: {  	[simem:s7], [sflag:s8] =	dma.local @!p0 [hbm:s6], $0xF7A  }
0x23: {  	s9 =	sor.u32 $0xD0000000, s2;
	s6 =	simm.s32 $0x108;
	_ =	swait.ge @!p0 [sflag:s8], $0x0  }
0x24: {  	s3 =	sadd.s32 $0x88, s3;
	s6 =	simm.s32 @!p1 $0x1082;
	[sflag:s4] =	ssyncset.s32 $0xFFFFF086  }
0x25: {  	[simem:s6], [sflag:s4] =	dma.local [hbm:s3], $0xF7A  }
0x26: {  	[smem:$0x3F98] =	sst s1;
	(tag) =	ssettag s2;
	_ =	strace s9  }
0x27: {  	s1 =	sld [smem:$0x3FA8]  }
0x28: {  	s2 =	sld [smem:$0x3FA9]  }
0x29: {  	s4 =	sld [smem:$0x3FAB]  }
0x2a: {  	p0 =	seq.s32 s5, $0x0;
	s5 =	sld [smem:$0x3FAC]  }
0x2b: {  	s6 =	sld [smem:$0x3FAD]  }
0x2c: {  	s7 =	sld [smem:$0x3FAE]  }
0x2d: {  	s3 =	simm.s32 $0x108;
	s8 =	sld [smem:$0x3FAF]  }
0x2e: {  	s3 =	simm.s32 @!p0 $0x1082;
	s9 =	sld [smem:$0x3FB0]  }
0x2f: {  	lr =	sadd.s32 s0, s3;
	s0 =	sld [smem:$0x3FA7]  }
0x30: {  	s3 =	sld [smem:$0x3FAA]  }
0x31: {  	[smem:$0x3FB3] =	sst s10  }
0x32: {  	s10 =	sld [smem:$0x3FB1];
	_ =	sdelay $0x3  }
0x33: {  	p0 =	seq.s32 s10, $0x1;
	s10 =	sld [smem:$0x3FB3];
	_ =	sdelay $0x3  }
0x34: {  	[smem:$0x3FB3] =	sst s10  }
0x35: {  	s10 =	sld [smem:$0x3FB2];
	_ =	sdelay $0x3  }
0x36: {  	p1 =	seq.s32 s10, $0x1;
	s10 =	sld [smem:$0x3FB3];
	_ =	sdelay $0x3  }
0x37: {  	[smem:$0x3FB3] =	sst s10  }
0x38: {  	s10 =	sld [smem:$0x3FB4]  }
0x39: {  	_ = 	snop;
	(pc) =	sbr.ind lr, $3  }
0x3a: {  	_ = 	snop  }
0x3b: {  	_ = 	snop  }
0x3c: {  	p2 =	seq.s32 s10, $0x1;
	s10 =	sld [smem:$0x3FB3]  }
0x3d: {  	_ =	shalt  }
0x3e: {  	_ =	shalt  }
0x3f: {  	_ =	shalt  }
0x40: {  	_ =	shalt  }
0x41: {  	_ =	shalt  }
0x42: {  	_ =	shalt  }
0x43: {  	_ =	shalt  }
0x44: {  	_ =	shalt  }
0x45: {  	_ =	shalt  }
0x46: {  	_ =	shalt  }
0x47: {  	_ =	shalt  }
0x48: {  	_ =	shalt  }
0x49: {  	_ =	shalt  }
0x4a: {  	_ =	shalt  }
0x4b: {  	_ =	shalt  }
0x4c: {  	_ =	shalt  }
0x4d: {  	_ =	shalt  }
0x4e: {  	_ =	shalt  }
0x4f: {  	_ =	shalt  }
0x50: {  	_ =	shalt  }
0x51: {  	_ =	shalt  }
0x52: {  	_ =	shalt  }
0x53: {  	_ =	shalt  }
0x54: {  	_ =	shalt  }
0x55: {  	_ =	shalt  }
0x56: {  	_ =	shalt  }
0x57: {  	_ =	shalt  }
0x58: {  	_ =	shalt  }
0x59: {  	_ =	shalt  }
0x5a: {  	_ =	shalt  }
0x5b: {  	_ =	shalt  }
0x5c: {  	_ =	shalt  }
0x5d: {  	_ =	shalt  }
0x5e: {  	_ =	shalt  }
0x5f: {  	_ =	shalt  }
0x60: {  	_ =	shalt  }
0x61: {  	_ =	shalt  }
0x62: {  	_ =	shalt  }
0x63: {  	_ =	shalt  }
0x64: {  	_ =	shalt  }
0x65: {  	_ =	shalt  }
0x66: {  	_ =	shalt  }
0x67: {  	_ =	shalt  }
0x68: {  	_ =	shalt  }
0x69: {  	_ =	shalt  }
0x6a: {  	_ =	shalt  }
0x6b: {  	_ =	shalt  }
0x6c: {  	_ =	shalt  }
0x6d: {  	_ =	shalt  }
0x6e: {  	_ =	shalt  }
0x6f: {  	_ =	shalt  }
0x70: {  	_ =	shalt  }
0x71: {  	_ =	shalt  }
0x72: {  	_ =	shalt  }
0x73: {  	_ =	shalt  }
0x74: {  	_ =	shalt  }
0x75: {  	_ =	shalt  }
0x76: {  	_ =	shalt  }
0x77: {  	_ =	shalt  }
0x78: {  	_ =	shalt  }
0x79: {  	_ =	shalt  }
0x7a: {  	_ =	shalt  }
0x7b: {  	_ =	shalt  }
0x7c: {  	_ =	shalt  }
0x7d: {  	_ =	shalt  }
0x7e: {  	_ =	shalt  }
0x7f: {  	_ =	shalt  }
0x80: {  	_ =	shalt  }
0x81: {  	_ =	shalt  }
0x82: {  	_ =	shalt  }
0x83: {  	_ =	shalt  }
0x84: {  	_ =	shalt  }
0x85: {  	_ =	shalt  }
0x86: {  	_ =	shalt  }
0x87: {  	_ =	shalt  }
.Lfunc_end0:
.L_simem_size_0:
called_computation.1_lowered:
.L_overlay_start_0:
0x88: {  	s2 =	sld [smem:$0x3FD9]  }
0x89: {  	s3 =	sld [smem:$0x3FFE];
	_ =	sdelay $0x1  }
0x8a: {  	s1 =	srdreg.scid  }
0x8b: {  	s0 =	sand.u32 $0x1, s1  }
0x8c: {  	s17 =	sshll.u32 s0, $0xA;
	s2 =	sadd.s32 s3, s2  }
0x8d: {  	s2 =	sadd.s32 s2, s17  }
0x8e: {  	[smem:$0x3FBF] =	sst s2  }
0x8f: {  	_ = 	snop  }
0x90: {  	s2 =	sld [smem:$0x3FD0];
	(tm) =	ssettm $0x1  }
0x91: {  	s18 =	sld [smem:$0x3FFB];
	_ =	sdelay $0x3  }
0x92: {  	_ =	strace s18  }
0x93: {  	s3 =	sld [smem:$0x3FFC];
	_ =	sdelay $0x3  }
0x94: {  	_ =	strace s3  }
0x95: {  	s3 =	sld [smem:$0x3FFD];
	_ =	sdelay $0x3  }
0x96: {  	_ =	strace s3  }
0x97: {  	_ =	strace $0x8FFFFFFF  }
0x98: {  	s19 =	sld [smem:$0x3FDB];
	_ =	sdelay $0x1  }
0x99: {  	s4 =	simm.s32 $_scs_section_size  }
0x9a: {  	s5 =	simm.s32 $_size__tile_overlayer_lowered;
	s6 =	simm.s32 $_tile_overlayer_lowered  }
0x9b: {  	s22 =	simm.s32 $0x1BFF;
	s21 =	sshll.u32 s6, $0x1;
	s3 =	sadd.s32 s4, s19  }
0x9c: {  	s7 =	simm.s32 $0x0;
	s20 =	sshll.u32 s5, $0x1;
	s5 =	sadd.s32 s21, s3  }
0x9d: {  	[timem:s7], [sflag:s22] =	dma.local [hbm:s5], s20  }
0x9e: {  	_ =	swait.ge [sflag:s22], s20  }
0x9f: {  	s4 =	ssub.s32 $0x0, s20;
	[sflag:s22] =	ssyncset.done $0x0  }
0xa0: {  	[sflag:s22] =	ssyncadd.s32 s4;
	_ =	sdelay $0x1  }
0xa1: {  	s23 =	simm.s32 $0x1B8B  }
0xa2: {  	_ =	swait.ge [sflag:s23], $0x1  }
0xa3: {  	[sflag:s23] =	ssyncset.done $0x0  }
0xa4: {  	s25 =	simm.s32 $0x1B8E;
	s24 =	sld [smem:$0x3FFE];
	[sflag:s23] =	ssyncadd.s32 $0xFFFFFFFF  }
0xa5: {  	s26 =	simm.s32 $execute0_lowered;
	[smem:$0x3FD2] =	sst s25  }
0xa6: {  	s5 =	sshll.u32 s26, $0x1;
	_ =	strace $0x80000049;
	[dreg:$0x1] =	wrdreg $0xFFFFFFFF  }
0xa7: {  	s28 =	simm.s32 $_size_execute0_lowered;
	s3 =	sadd.s32 s3, s5;
	[dreg:$0x0] =	wrdreg $0x0  }
0xa8: {  	s5 =	sshll.u32 s28, $0x1;
	[dreg:$0x2] =	wrdreg s3  }
0xa9: {  	[dreg:$0x3] =	wrdreg s5  }
0xaa: {  	[dreg:$0x4] =	wrdreg $0xC0  }
0xab: {  	_ =	task [dreg:s7], $0x5FFFF  }
0xac: {  	[dreg:$0x1] =	wrdreg $0xFFFFFFFF  }
0xad: {  	[dreg:$0x0] =	wrdreg $0x60  }
0xae: {  	[dreg:$0x2] =	wrdreg s24  }
0xaf: {  	[dreg:$0x3] =	wrdreg s2  }
0xb0: {  	[dreg:$0x4] =	wrdreg $0xFA000  }
0xb1: {  	[dreg:$0x5] =	wrdreg $0x9  }
0xb2: {  	_ =	task.clear_ibuf [dreg:s7], $0x6FFFF;
	_ =	strace $0x90000049  }
0xb3: {  	s29 =	simm.s32 $0x9;
	_ =	strace $0x8000004B  }
0xb4: {  	_ =	swait.ge [sflag:s29], $0x1  }
0xb5: {  	[sflag:s29] =	ssyncadd.s32 $0xFFFFFFFF  }
0xb6: {  	_ =	strace $0x9000004B  }
0xb7: {  	_ =	sfence  }
0xb8: {  	s30 =	sld [smem:$0x0];
	_ =	sdelay $0x2  }
0xb9: {  	s31 =	sshll.u32 s1, $0xD;
	s1 =	sshrl.u32 s1, $0x2  }
0xba: {  	s3 =	sand.u32 $0x4000, s31;
	s1 =	sadd.s32 s1, s30  }
0xbb: {  	s0 =	sor.u32 s3, s0;
	s1 =	sshll.u32 s1, $0x11  }
0xbc: {  	s0 =	sor.u32 s1, s0  }
0xbd: {  	s0 =	sadd.s32 $0x8F2B, s0  }
0xbe: {  	[sflag:s0] =	ssyncadd.remote.s32 $0x1  }
0xbf: {  	_ =	sfence.sel $0xFFFF  }
0xc0: {  	[dreg:$0x0] =	wrdreg $0xFFFFFFFF;
	(pc) =	sbr.abs _section_cstart, $3  }
0xc1: {  	[dreg:$0x1] =	wrdreg $0xFFFFFFFF  }
0xc2: {  	_ =	task.clear_ibuf [dreg:s7], $0x2FFFF;
	_ =	strace $0x9FFFFFFF  }
0xc3: {  	(tm) =	ssettm $0x7FFFFFFF  }
tec
execute0_lowered:
.L_overlay_start_1:
0x0: {  	(tag) =	ssettag $0x1  }
0x1: {  	s0 =	rddreg [dreg:$0x0]  }
0x2: {  	s2 =	rddreg [dreg:$0x1];
	s1 =	srdreg.scid  }
0x3: {  	s3 =	rddreg [dreg:$0x2];
	s11 =	stileid.u32;
	s4 =	simm.s32 $0x0  }
0x4: {  	s14 =	simm.s32 $0x7;
	s28 =	simm.s32 $0x4;
	s6 =	smul.u32 $0xA400, s11  }
0x5: {  	s29 =	simm.s32 $0x980;
	s30 =	simm.s32 $0x5;
	s7 =	smul.u32 $0x7D00, s11  }
0x6: {  	s1 =	sand.u32 $0x1, s1;
	[smem:$0x7FF] =	sst s4;
	s8 =	smul.u32 $0x29000, s11  }
0x7: {  	s31 =	simm.s32 $0x0;
	s5 =	smul.u32 $0xA4000, s1;
	_ =	strace $0x8000004A  }
0x8: {  	s18 =	ssub.s32 $0x2, s1;
	s1 =	smul.u32 $0x1400, s1;
	s9 =	sadd.s32 s7, s0  }
0x9: {  	s8 =	sshrl.u32 s8, $0x2;
	s10 =	sshrl.u32 s18, $0x1;
	s7 =	smul.u32 $0xFA, s11  }
0xa: {  	s11 =	sadd.s32 $0x1500, s0;
	s6 =	sadd.s32 s6, s5;
	s5 =	sadd.s32 $0x7E400, s0  }
0xb: {  	s13 =	sadd.s32 s8, s3;
	s19 =	ssub.s32 s18, s10;
	s21 =	sadd.s32 $0x1400, s9  }
0xc: {  	s9 =	sadd.s32 $0x1480, s9;
	s18 =	simm.s32 $0xAA00;
	[dreg:$0x6] =	wrdreg s21  }
0xd: {  	s8 =	simm.s32 $0x3;
	s10 =	simm.s32 $0x2;
	[dreg:$0x7] =	wrdreg s9  }
0xe: {  	v0 =	vmov s1;
	s1 =	simm.s32 $0x0;
	s20 =	sadd.s32 $0xA000, s13;
	[dreg:$0x4] =	wrdreg s13  }
0xf: {  	s6 =	sshrl.u32 s6, $0x3;
	s23 =	smax.u32 s19, $0x1;
	[dreg:$0x5] =	wrdreg s20  }
.Ltmp0:
0x10: {  	s24 =	sadd.s32 $0x2800, s13;
	[dreg:$0x9] =	wrdreg s23;
	(pc) =	sbr.rel .LBB2_1-.Ltmp0, $4  }
0x11: {  	s12 =	sor.u32 $0x1, s7;
	s25 =	sadd.s32 $0x5000, s13;
	[dreg:$0xa] =	wrdreg s24  }
0x12: {  	v4 =	vlaneseq.u32;
	s26 =	sadd.s32 $0x7800, s13;
	s6 =	sadd.s32 s6, s0;
	[dreg:$0xb] =	wrdreg s25  }
0x13: {  	v1 =	vimm.f32 $0.0e+00;
	vm0 =	vmmov $0xffff;
	v3 =	vshrl.u32 v4, $0x3;
	s21 =	simm.s32 $0x1;
	[dreg:$0xc] =	wrdreg s26;
	s22 =	sadd.s32 $0xCC600, s6  }
0x14: {  	v2 =	vand.u32 $0x7, v4;
	v4 =	vor.u32 $0x8, v4;
	v3 =	vmul.u32 $0x8, v3;
	s20 =	simm.s32 $0x50;
	s26 =	simm.s32 $0xD200;
	[dreg:$0x8] =	wrdreg s22  }
.LBB2_10:
0x15: {  	_ =	swait.ge [sflag:s30], $0x2800  }
0x16: {  	[sflag:s30] =	ssyncset.done $0x0  }
0x17: {  	s0 =	simm.s32 $0x6;
	[sflag:s30] =	ssyncadd.s32 $0xFFFFD800  }
0x18: {  	_ =	swait.ge [sflag:s0], $0x2800  }
0x19: {  	[sflag:s0] =	ssyncset.done $0x0  }
0x1a: {  	[sflag:s0] =	ssyncadd.s32 $0xFFFFD800  }
0x1b: {  	s23 =	stileid.u32;
	[bflag:$0x0] =	sbarrier.arrive $0xFFFF  }
0x1c: {  	s14 =	simm.s32 $0x7;
	s0 =	sshll.u32 s23, $0x6;
	s13 =	rddreg [dreg:$0x4]  }
0x1d: {  	s0 =	sor.u32 $0x1C07, s0;
	s6 =	rddreg [dreg:$0x8];
	s1 =	sshrl.u32 s13, $0x3  }
0x1e: {  	[hbm:s6], [sflag:s0] =	dma.local [spmem:s1], $0x1480  }
0x1f: {  	_ =	swait.ge [sflag:s14], $0x1480  }
0x20: {  	s24 =	rddreg [dreg:$0xd]  }
0x21: {  	s25 =	rddreg [dreg:$0x9];
	s1 =	sadd.s32 $0x1, s24  }
0x22: {  	p0 =	sne.s32 s1, s25  }
.Ltmp1:
0x23: {  	_ = 	snop;
	(pc) =	sbr.rel @!p0 .LBB2_11-.Ltmp1, $3  }
0x24: {  	_ =	sdelay $0x1  }
0x25: {  	[sflag:s14] =	ssyncset.done $0x0  }
0x26: {  	[sflag:s14] =	ssyncadd.s32 $0xFFFFEB80  }
.LBB2_1:
0x27: {  	s0 =	sand.u32 $0xFE00, s4  }
0x28: {  	[dreg:$0xd] =	wrdreg s1;
	s25 =	sand.u32 $0x70, s4;
	s6 =	sshrl.u32 s0, $0x2  }
0x29: {  	s1 =	simm.s32 $0x0;
	s0 =	simm.s32 $0x40;
	s6 =	sor.u32 s25, s6  }
.LBB2_2:
0x2a: {  	p0 =	sne.s32 s0, $0x9FC0  }
0x2b: {  	[tilespmem:s6+$0xAA00] =	vst v1;
	s1 =	sadd.s32 $0x10, s1;
	s6 =	smov.u32 s0;
	s0 =	sadd.s32 $0x40, s0  }
.Ltmp2:
0x2c: {  	(pc) =	sbr.rel @p0 .LBB2_2-.Ltmp2, $4  }
0x2d: {  	_ = 	snop  }
0x2e: {  	s6 =	sand.u32 $0xFE00, s6  }
0x2f: {  	s9 =	sand.u32 $0x70, s1;
	s6 =	sshrl.u32 s6, $0x2  }
0x30: {  	s6 =	sor.u32 s9, s6  }
0x31: {  	[tilespmem:s6+$0xAA00] =	vst v1  }
0x32: {  	[spmem:s13] =	stream.linear.scatter [tilespmem:s18], [sflag:$0x7], $0x2800, $0x38;
	[tilespmem:$0x19E00] =	vst v63  }
0x33: {  	_ =	swait.ge [sflag:s14], $0x2800  }
0x34: {  	[sflag:s14] =	ssyncset.done $0x0  }
0x35: {  	s0 =	rddreg [dreg:$0xa];
	[sflag:s14] =	ssyncadd.s32 $0xFFFFD800  }
0x36: {  	[spmem:s0] =	stream.linear.scatter [tilespmem:s18], [sflag:$0x7], $0x2800, $0x38;
	[tilespmem:$0x19E00] =	vst v63  }
0x37: {  	_ =	swait.ge [sflag:s14], $0x2800  }
0x38: {  	[sflag:s14] =	ssyncset.done $0x0  }
0x39: {  	s23 =	rddreg [dreg:$0xb];
	[sflag:s14] =	ssyncadd.s32 $0xFFFFD800  }
0x3a: {  	[spmem:s23] =	stream.linear.scatter [tilespmem:s18], [sflag:$0x7], $0x2800, $0x38;
	[tilespmem:$0x19E00] =	vst v63  }
0x3b: {  	_ =	swait.ge [sflag:s14], $0x2800  }
0x3c: {  	[sflag:s14] =	ssyncset.done $0x0  }
0x3d: {  	s24 =	rddreg [dreg:$0xc];
	[sflag:s14] =	ssyncadd.s32 $0xFFFFD800  }
0x3e: {  	[spmem:s24] =	stream.linear.scatter [tilespmem:s18], [sflag:$0x7], $0x2800, $0x38;
	[tilespmem:$0x19E00] =	vst v63  }
0x3f: {  	_ =	swait.ge [sflag:s14], $0x2800  }
0x40: {  	[sflag:s14] =	ssyncset.done $0x0  }
0x41: {  	s25 =	rddreg [dreg:$0x5];
	[sflag:s14] =	ssyncadd.s32 $0xFFFFD800  }
0x42: {  	[spmem:s25] =	stream.linear.scatter [tilespmem:s18], [sflag:$0x7], $0x400, $0x38;
	[tilespmem:$0x19E00] =	vst v63  }
0x43: {  	_ =	swait.ge [sflag:s14], $0x400  }
0x44: {  	[sflag:s14] =	ssyncset.done $0x0  }
0x45: {  	[sflag:s14] =	ssyncadd.s32 $0xFFFFFC00  }
0x46: {  	[bflag:$0x0] =	sbarrier.arrive $0xFFFF  }
0x47: {  	s1 =	rddreg [dreg:$0x6]  }
0x48: {  	[tilespmem:s31], [sflag:$0x1] =	stream.linear.gather [hbm4b:s1+s31], $0x280, $0x38;
	[tilespmem:$0x19E00] =	vst v63  }
0x49: {  	s6 =	rddreg [dreg:$0x7];
	s1 =	simm.s32 $0x400  }
0x4a: {  	[tilespmem:s1], [sflag:$0x2] =	stream.linear.gather [hbm4b:s6+s31], $0x280, $0x38;
	[tilespmem:$0x19E00] =	vst v63  }
0x4b: {  	_ =	swait.ge [sflag:s21], $0x280  }
0x4c: {  	[sflag:s21] =	ssyncset.done $0x0  }
0x4d: {  	[sflag:s21] =	ssyncadd.s32 $0xFFFFFD80  }
0x4e: {  	v5 =	vld [tilespmem:$0x100]  }
0x4f: {  	v6 =	vld [tilespmem:$0x180]  }
0x50: {  	v7 =	vld [tilespmem:$0x200]  }
0x51: {  	v8 =	vld [tilespmem:$0x80]  }
0x52: {  	v9 =	vld [tilespmem:$0x110]  }
0x53: {  	v10 =	vld [tilespmem:$0x190]  }
0x54: {  	v12 =	vld [tilespmem:$0x90]  }
0x55: {  	v13 =	vld [tilespmem:$0x120]  }
0x56: {  	v14 =	vld [tilespmem:$0x1A0]  }
0x57: {  	v17 =	vld [tilespmem:$0x130]  }
0x58: {  	v18 =	vld [tilespmem:$0x0]  }
0x59: {  	v11 =	vld [tilespmem:$0x210]  }
0x5a: {  	v15 =	vld [tilespmem:$0x220]  }
0x5b: {  	v16 =	vld [tilespmem:$0xA0];
	v5 =	vshll.u32 v5, $0x6;
	v6 =	vshll.u32 v6, $0x3  }
0x5c: {  	v50 =	vld [tilespmem:$0x1B0];
	v49 =	vshll.u32 v10, $0x3;
	v52 =	vshll.u32 v13, $0x6;
	v53 =	vshll.u32 v14, $0x3  }
0x5d: {  	v51 =	vld [tilespmem:$0x230];
	v12 =	vsub.s32 v12, v0;
	v56 =	vshll.u32 v17, $0x6;
	v58 =	vshll.u32 v18, $0x1  }
0x5e: {  	v55 =	vld [tilespmem:$0x140];
	v60 =	vand.u32 $0x7, v18;
	v5 =	vadd.s32 v5, v6;
	v6 =	vshll.u32 v9, $0x6  }
0x5f: {  	v54 =	vld [tilespmem:$0xB0];
	v5 =	vadd.s32 v7, v5;
	v7 =	vsub.s32 v8, v0;
	v6 =	vadd.s32 v6, v49  }
0x60: {  	v57 =	vld [tilespmem:$0x1C0];
	v9 =	vadd.s32 v52, v53;
	v6 =	vadd.s32 v11, v6;
	v7 =	vmin.u32 v7, $0x1400;
	[tilespmem:$0x800] =	vst v5  }
0x61: {  	v59 =	vld [tilespmem:$0x240];
	v5 =	vadd.s32 v15, v9;
	v15 =	vand.u32 $0xFFFFFFF0, v58;
	[tilespmem:$0x900] =	vst v7;
	v7 =	vshll.u32 v50, $0x3  }
0x62: {  	v62 =	vld [tilespmem:$0xC0];
	[tilespmem:$0x810] =	vst v6;
	v61 =	vor.u32 v60, v15;
	v6 =	vadd.s32 v56, v7;
	v7 =	vmin.u32 v12, $0x1400  }
0x63: {  	v11 =	vshll.u32 v55, $0x6;
	v63 =	vperm.xlane v61, v2;
	[tilespmem:$0x910] =	vst v7;
	v7 =	vsub.s32 v16, v0  }
0x64: {  	[tilespmem:$0x820] =	vst v5;
	v9 =	vperm.xlane v61, v4;
	v6 =	vadd.s32 v51, v6;
	v5 =	vmin.u32 v7, $0x1400  }
0x65: {  	v7 =	vsub.s32 v54, v0;
	v8 =	vadd.s32 v3, v63;
	[tilespmem:$0x920] =	vst v5;
	v5 =	vshll.u32 v57, $0x3  }
0x66: {  	[tilespmem:$0x830] =	vst v6;
	v6 =	vmin.u32 v7, $0x1400;
	v5 =	vadd.s32 v11, v5  }
0x67: {  	v7 =	vadd.s32 v3, v9;
	[tilespmem:$0x930] =	vst v6;
	v6 =	vsub.s32 v62, v0;
	v5 =	vadd.s32 v59, v5  }
0x68: {  	[tilespmem:$0x840] =	vst v5;
	v5 =	vmin.u32 v6, $0x1400  }
0x69: {  	s9 =	simm.s32 $0xA00;
	[tilespmem:$0x940] =	vst v5  }
0x6a: {  	[tilespmem:s9], [sflag:$0x3] =	stream.indirect_vreg.gather [hbm4b:s5+s31], $0x80, v8, vm0, $0xb8;
	[tilespmem:$0x19E00] =	vst v63  }
0x6b: {  	s13 =	simm.s32 $0x1200  }
0x6c: {  	[tilespmem:s13], [sflag:$0x3] =	stream.indirect_vreg.gather [hbm4b:s5+s31], $0x80, v7, vm0, $0xb8;
	[tilespmem:$0x19E00] =	vst v63  }
0x6d: {  	v5 =	vld [tilespmem:$0x10];
	_ =	sdelay $0x4  }
0x6e: {  	v6 =	vshll.u32 v5, $0x1  }
0x6f: {  	v5 =	vand.u32 $0x7, v5;
	v6 =	vand.u32 $0xFFFFFFF0, v6  }
0x70: {  	v5 =	vor.u32 v5, v6  }
0x71: {  	v6 =	vperm.xlane v5, v2;
	_ =	sdelay $0x1  }
0x72: {  	v5 =	vperm.xlane v5, v4;
	v6 =	vadd.s32 v3, v6;
	_ =	sdelay $0x1  }
0x73: {  	v5 =	vadd.s32 v3, v5;
	_ =	sdelay $0x1  }
0x74: {  	s14 =	simm.s32 $0x1A00  }
0x75: {  	[tilespmem:s14], [sflag:$0x3] =	stream.indirect_vreg.gather [hbm4b:s5+s31], $0x80, v6, vm0, $0xb8;
	[tilespmem:$0x19E00] =	vst v63  }
0x76: {  	s15 =	simm.s32 $0x2200  }
0x77: {  	[tilespmem:s15], [sflag:$0x3] =	stream.indirect_vreg.gather [hbm4b:s5+s31], $0x80, v5, vm0, $0xb8;
	[tilespmem:$0x19E00] =	vst v63  }
0x78: {  	v5 =	vld [tilespmem:$0x20];
	_ =	sdelay $0x4  }
0x79: {  	v6 =	vshll.u32 v5, $0x1  }
0x7a: {  	v5 =	vand.u32 $0x7, v5;
	v6 =	vand.u32 $0xFFFFFFF0, v6  }
0x7b: {  	v5 =	vor.u32 v5, v6  }
0x7c: {  	v6 =	vperm.xlane v5, v2;
	_ =	sdelay $0x1  }
0x7d: {  	v5 =	vperm.xlane v5, v4;
	v6 =	vadd.s32 v3, v6;
	_ =	sdelay $0x1  }
0x7e: {  	v5 =	vadd.s32 v3, v5;
	_ =	sdelay $0x1  }
0x7f: {  	s16 =	simm.s32 $0x2A00  }
0x80: {  	[tilespmem:s16], [sflag:$0x3] =	stream.indirect_vreg.gather [hbm4b:s5+s31], $0x80, v6, vm0, $0xb8;
	[tilespmem:$0x19E00] =	vst v63  }
0x81: {  	s17 =	simm.s32 $0x3200  }
0x82: {  	[tilespmem:s17], [sflag:$0x3] =	stream.indirect_vreg.gather [hbm4b:s5+s31], $0x80, v5, vm0, $0xb8;
	[tilespmem:$0x19E00] =	vst v63  }
0x83: {  	v5 =	vld [tilespmem:$0x30];
	_ =	sdelay $0x4  }
0x84: {  	v6 =	vshll.u32 v5, $0x1  }
0x85: {  	v5 =	vand.u32 $0x7, v5;
	v6 =	vand.u32 $0xFFFFFFF0, v6  }
0x86: {  	v5 =	vor.u32 v5, v6  }
0x87: {  	v6 =	vperm.xlane v5, v2;
	_ =	sdelay $0x1  }
0x88: {  	v5 =	vperm.xlane v5, v4;
	v6 =	vadd.s32 v3, v6;
	_ =	sdelay $0x1  }
0x89: {  	v5 =	vadd.s32 v3, v5;
	_ =	sdelay $0x1  }
0x8a: {  	s19 =	simm.s32 $0x3A00  }
0x8b: {  	[tilespmem:s19], [sflag:$0x3] =	stream.indirect_vreg.gather [hbm4b:s5+s31], $0x80, v6, vm0, $0xb8;
	[tilespmem:$0x19E00] =	vst v63  }
0x8c: {  	s22 =	simm.s32 $0x4200  }
0x8d: {  	[tilespmem:s22], [sflag:$0x3] =	stream.indirect_vreg.gather [hbm4b:s5+s31], $0x80, v5, vm0, $0xb8;
	[tilespmem:$0x19E00] =	vst v63  }
0x8e: {  	v5 =	vld [tilespmem:$0x40];
	_ =	sdelay $0x4  }
0x8f: {  	v6 =	vshll.u32 v5, $0x1  }
0x90: {  	v5 =	vand.u32 $0x7, v5;
	v6 =	vand.u32 $0xFFFFFFF0, v6  }
0x91: {  	v5 =	vor.u32 v5, v6  }
0x92: {  	v6 =	vperm.xlane v5, v2;
	_ =	sdelay $0x1  }
0x93: {  	v5 =	vperm.xlane v5, v4;
	v6 =	vadd.s32 v3, v6;
	_ =	sdelay $0x1  }
0x94: {  	v5 =	vadd.s32 v3, v5;
	_ =	sdelay $0x1  }
0x95: {  	s23 =	simm.s32 $0x4A00  }
0x96: {  	[tilespmem:s23], [sflag:$0x3] =	stream.indirect_vreg.gather [hbm4b:s5+s31], $0x80, v6, vm0, $0xb8;
	[tilespmem:$0x19E00] =	vst v63  }
0x97: {  	s24 =	simm.s32 $0x5200  }
0x98: {  	[tilespmem:s24], [sflag:$0x3] =	stream.indirect_vreg.gather [hbm4b:s5+s31], $0x80, v5, vm0, $0xb8;
	[tilespmem:$0x19E00] =	vst v63  }
0x99: {  	s0 =	simm.s32 $0x0;
	s25 =	simm.s32 $0x800  }
0x9a: {  	[tilespmem:s18], [sflag:$0x3] =	stream.indirect.gather [hbm4b:s2+s20], $0x80, s25, s20, $0xb8;
	[tilespmem:$0x19E00] =	vst v63  }
.LBB2_4:
0x9b: {  	_ =	swait.ge [sflag:s8], $0x5000  }
0x9c: {  	[sflag:s8] =	ssyncset.done $0x0  }
0x9d: {  	s1 =	sshll.u32 s0, $0x1;
	p0 =	seq.s32 s0, $0x7C;
	[sflag:s8] =	ssyncadd.s32 $0xFFFFB000  }
0x9e: {  	s6 =	sadd.s32 @!p0 s7, s1;
	_ =	swait.ge [sflag:s8], $0x2800  }
0x9f: {  	s6 =	sshll.u32 @!p0 s6, $0x7;
	[sflag:s8] =	ssyncset.done $0x0  }
0xa0: {  	s9 =	simm.s32 @!p0 $0x0;
	s6 =	sadd.s32 @!p0 s6, s11;
	[sflag:s8] =	ssyncadd.s32 $0xFFFFD800  }
0xa1: {  	[tilespmem:s9], [sflag:$0x1] =	stream.linear.gather @!p0 [hbm4b:s6+s9], $0x280, $0x38;
	[tilespmem:$0x19E00] =	vst v63  }
0xa2: {  	s22 =	sand.u32 $0x7800, s31;
	s13 =	sand.u32 $0x380, s31;
	s9 =	simm.s32 $0xAA40  }
0xa3: {  	s22 =	sor.u32 s13, s22;
	v6 =	vld [tilespmem:s9+$0xFFFFFFC0]  }
0xa4: {  	v5 =	vld [tilespmem:s22+$0xE00];
	_ =	sdelay $0x1  }
0xa5: {  	v7 =	vld [tilespmem:s22+$0xA00];
	_ =	sdelay $0x2  }
0xa6: {  	v6 =	vmul.f32 v6, v5;
	_ =	sdelay $0x1  }
0xa7: {  	v6 =	vadd.f32 v6, v7;
	_ =	sdelay $0x1  }
0xa8: {  	v7 =	vld [tilespmem:s9+$0xFFFFFFD0];
	v6 =	vmax.f32 v6, $0.0e+00  }
0xa9: {  	[tilespmem:s9+$0xFFFFFFC0] =	vst v6  }
0xaa: {  	v6 =	vld [tilespmem:s22+$0xA10];
	_ =	sdelay $0x2  }
0xab: {  	s23 =	simm.s32 $0x100;
	s14 =	simm.s32 $0x80;
	v7 =	vmul.f32 v7, v5  }
0xac: {  	s13 =	simm.s32 $0xAAC0;
	s14 =	sand.u32 $0x380, s14;
	s6 =	sand.u32 $0x7800, s23  }
0xad: {  	s15 =	sor.u32 s14, s6;
	v8 =	vld [tilespmem:s13+$0xFFFFFFC0];
	v7 =	vadd.f32 v7, v6  }
0xae: {  	v6 =	vld [tilespmem:s15+$0xE00]  }
0xaf: {  	v9 =	vld [tilespmem:s9+$0xFFFFFFE0];
	v7 =	vmax.f32 v7, $0.0e+00  }
0xb0: {  	v10 =	vld [tilespmem:s15+$0xA00];
	[tilespmem:s9+$0xFFFFFFD0] =	vst v7  }
0xb1: {  	v7 =	vld [tilespmem:s22+$0xA20];
	_ =	sdelay $0x1  }
0xb2: {  	v8 =	vmul.f32 v8, v6  }
0xb3: {  	v9 =	vmul.f32 v9, v5  }
0xb4: {  	v8 =	vadd.f32 v8, v10  }
0xb5: {  	v7 =	vadd.f32 v9, v7  }
0xb6: {  	v8 =	vmax.f32 v8, $0.0e+00;
	v9 =	vld [tilespmem:s13+$0xFFFFFFD0]  }
0xb7: {  	[tilespmem:s13+$0xFFFFFFC0] =	vst v8;
	v8 =	vld [tilespmem:s9+$0xFFFFFFF0];
	v7 =	vmax.f32 v7, $0.0e+00  }
0xb8: {  	v10 =	vld [tilespmem:s15+$0xA10];
	[tilespmem:s9+$0xFFFFFFE0] =	vst v7  }
0xb9: {  	v11 =	vld [tilespmem:s22+$0xA30]  }
0xba: {  	s24 =	simm.s32 $0x200;
	s16 =	simm.s32 $0x100  }
0xbb: {  	s16 =	sand.u32 $0x380, s16;
	s14 =	simm.s32 $0xAB40;
	s6 =	sand.u32 $0x7800, s24;
	v7 =	vmul.f32 v9, v6  }
0xbc: {  	s16 =	sor.u32 s16, s6;
	v12 =	vld [tilespmem:s14+$0xFFFFFFC0];
	v8 =	vmul.f32 v8, v5  }
0xbd: {  	v13 =	vld [tilespmem:s16+$0xA00];
	v10 =	vadd.f32 v7, v10  }
0xbe: {  	v7 =	vld [tilespmem:s16+$0xE00];
	v8 =	vadd.f32 v8, v11  }
0xbf: {  	v10 =	vmax.f32 v10, $0.0e+00;
	v11 =	vld [tilespmem:s13+$0xFFFFFFE0]  }
0xc0: {  	v9 =	vld [tilespmem:s9+$0x0];
	[tilespmem:s13+$0xFFFFFFD0] =	vst v10;
	v8 =	vmax.f32 v8, $0.0e+00  }
0xc1: {  	v10 =	vld [tilespmem:s15+$0xA20];
	[tilespmem:s9+$0xFFFFFFF0] =	vst v8  }
0xc2: {  	v8 =	vld [tilespmem:s22+$0xA40]  }
0xc3: {  	v12 =	vmul.f32 v12, v7  }
0xc4: {  	v11 =	vmul.f32 v11, v6  }
0xc5: {  	v9 =	vmul.f32 v9, v5;
	v12 =	vadd.f32 v12, v13  }
0xc6: {  	v14 =	vld [tilespmem:s14+$0xFFFFFFD0];
	v10 =	vadd.f32 v11, v10  }
0xc7: {  	v11 =	vld [tilespmem:s9+$0x10];
	v12 =	vmax.f32 v12, $0.0e+00;
	v8 =	vadd.f32 v9, v8  }
0xc8: {  	[tilespmem:s14+$0xFFFFFFC0] =	vst v12;
	v9 =	vmax.f32 v10, $0.0e+00;
	v10 =	vld [tilespmem:s13+$0xFFFFFFF0]  }
0xc9: {  	v12 =	vld [tilespmem:s16+$0xA10];
	[tilespmem:s13+$0xFFFFFFE0] =	vst v9;
	v8 =	vmax.f32 v8, $0.0e+00  }
0xca: {  	v9 =	vld [tilespmem:s15+$0xA30];
	[tilespmem:s9+$0x0] =	vst v8  }
0xcb: {  	s17 =	simm.s32 $0xABC0;
	v15 =	vld [tilespmem:s22+$0xA50]  }
0xcc: {  	s25 =	simm.s32 $0x300;
	s19 =	simm.s32 $0x180;
	v16 =	vld [tilespmem:s17+$0xFFFFFFC0];
	v8 =	vmul.f32 v14, v7  }
0xcd: {  	s19 =	sand.u32 $0x380, s19;
	s6 =	sand.u32 $0x7800, s25;
	v13 =	vld [tilespmem:s9+$0x20];
	v10 =	vmul.f32 v10, v6  }
0xce: {  	s6 =	sor.u32 s19, s6;
	v14 =	vld [tilespmem:s13+$0x0];
	v11 =	vmul.f32 v11, v5;
	v12 =	vadd.f32 v8, v12  }
0xcf: {  	v8 =	vld [tilespmem:s6+$0xE00];
	v9 =	vadd.f32 v10, v9  }
0xd0: {  	v10 =	vmax.f32 v12, $0.0e+00;
	v12 =	vld [tilespmem:s14+$0xFFFFFFE0];
	v11 =	vadd.f32 v11, v15  }
0xd1: {  	[tilespmem:s14+$0xFFFFFFD0] =	vst v10;
	v15 =	vld [tilespmem:s6+$0xA00];
	v9 =	vmax.f32 v9, $0.0e+00  }
0xd2: {  	v17 =	vld [tilespmem:s16+$0xA20];
	[tilespmem:s13+$0xFFFFFFF0] =	vst v9;
	v9 =	vmax.f32 v11, $0.0e+00  }
0xd3: {  	v11 =	vld [tilespmem:s15+$0xA40];
	[tilespmem:s9+$0x10] =	vst v9  }
0xd4: {  	v10 =	vmul.f32 v16, v8;
	v16 =	vld [tilespmem:s22+$0xA60]  }
0xd5: {  	v18 =	vld [tilespmem:s17+$0xFFFFFFD0];
	v12 =	vmul.f32 v12, v7  }
0xd6: {  	v14 =	vmul.f32 v14, v6;
	v9 =	vld [tilespmem:s9+$0x30];
	v15 =	vadd.f32 v10, v15  }
0xd7: {  	v13 =	vmul.f32 v13, v5;
	v10 =	vld [tilespmem:s13+$0x20];
	v17 =	vadd.f32 v12, v17  }
0xd8: {  	v12 =	vld [tilespmem:s13+$0x10];
	v15 =	vmax.f32 v15, $0.0e+00;
	v11 =	vadd.f32 v14, v11  }
0xd9: {  	v14 =	vmax.f32 v17, $0.0e+00;
	v17 =	vld [tilespmem:s14+$0xFFFFFFF0];
	[tilespmem:s17+$0xFFFFFFC0] =	vst v15;
	v13 =	vadd.f32 v13, v16  }
0xda: {  	[tilespmem:s14+$0xFFFFFFE0] =	vst v14;
	v16 =	vld [tilespmem:s6+$0xA10];
	v11 =	vmax.f32 v11, $0.0e+00  }
0xdb: {  	v15 =	vld [tilespmem:s16+$0xA30];
	[tilespmem:s13+$0x0] =	vst v11;
	v11 =	vmax.f32 v13, $0.0e+00  }
0xdc: {  	s24 =	simm.s32 $0x400;
	v13 =	vld [tilespmem:s15+$0xA50];
	[tilespmem:s9+$0x20] =	vst v11  }
0xdd: {  	s23 =	simm.s32 $0x200;
	s24 =	sand.u32 $0x7800, s24;
	v18 =	vmul.f32 v18, v8;
	v11 =	vld [tilespmem:s22+$0xA70]  }
0xde: {  	s25 =	sand.u32 $0x380, s23;
	s19 =	simm.s32 $0xAC40;
	v14 =	vld [tilespmem:s14+$0x0];
	v17 =	vmul.f32 v17, v7;
	s22 =	simm.s32 $0x500  }
.LBB2_5:
0xdf: {  	p1 =	sne.s32 s22, $0x4F00;
	s25 =	sor.u32 s25, s24;
	v19 =	vld [tilespmem:s19+$0xFFFFFFC0];
	v16 =	vadd.f32 v18, v16;
	v12 =	vmul.f32 v12, v6;
	s24 =	smov.u32 s16  }
0xe0: {  	v9 =	vmul.f32 v9, v5;
	v5 =	vmovc v6;
	v6 =	vmovc v7;
	v7 =	vmov v8;
	s16 =	smov.u32 s6;
	v15 =	vadd.f32 v17, v15;
	v8 =	vld [tilespmem:s25+$0xE00];
	s6 =	smov.u32 s25  }
0xe1: {  	v16 =	vmax.f32 v16, $0.0e+00;
	v17 =	vld [tilespmem:s17+$0xFFFFFFE0];
	v12 =	vadd.f32 v12, v13  }
0xe2: {  	v13 =	vld [tilespmem:s6+$0xA00];
	[tilespmem:s17+$0xFFFFFFD0] =	vst v16;
	v15 =	vmax.f32 v15, $0.0e+00;
	v9 =	vadd.f32 v9, v11  }
0xe3: {  	v11 =	vld [tilespmem:s16+$0xA20];
	[tilespmem:s14+$0xFFFFFFF0] =	vst v15;
	v12 =	vmax.f32 v12, $0.0e+00  }
0xe4: {  	v15 =	vld [tilespmem:s24+$0xA40];
	[tilespmem:s13+$0x10] =	vst v12;
	v9 =	vmax.f32 v9, $0.0e+00  }
0xe5: {  	v12 =	vmul.f32 v19, v8;
	v16 =	vld [tilespmem:s15+$0xA60];
	[tilespmem:s9+$0x30] =	vst v9;
	s9 =	smov.u32 s13;
	s13 =	smov.u32 s14;
	s14 =	smov.u32 s17  }
0xe6: {  	s17 =	smov.u32 s19;
	v17 =	vmul.f32 v17, v7;
	v9 =	vld [tilespmem:s9+$0x30]  }
0xe7: {  	v14 =	vmul.f32 v14, v6;
	v13 =	vadd.f32 v12, v13;
	v18 =	vld [tilespmem:s13+$0x20]  }
0xe8: {  	v10 =	vmul.f32 v10, v5;
	v11 =	vadd.f32 v17, v11;
	v12 =	vld [tilespmem:s13+$0x10]  }
0xe9: {  	v13 =	vmax.f32 v13, $0.0e+00;
	v17 =	vld [tilespmem:s19+$0xFFFFFFD0];
	v14 =	vadd.f32 v14, v15  }
0xea: {  	[tilespmem:s19+$0xFFFFFFC0] =	vst v13;
	v11 =	vmax.f32 v11, $0.0e+00;
	v19 =	vld [tilespmem:s14+$0xFFFFFFF0];
	v13 =	vadd.f32 v10, v16  }
.Ltmp3:
0xeb: {  	v16 =	vld [tilespmem:s6+$0xA10];
	[tilespmem:s14+$0xFFFFFFE0] =	vst v11;
	v11 =	vmax.f32 v14, $0.0e+00;
	(pc) =	sbr.rel @p1 .LBB2_5-.Ltmp3, $4  }
0xec: {  	v15 =	vld [tilespmem:s16+$0xA30];
	[tilespmem:s13+$0x0] =	vst v11;
	v11 =	vmax.f32 v13, $0.0e+00;
	v10 =	vmov v18  }
0xed: {  	v13 =	vld [tilespmem:s24+$0xA50];
	[tilespmem:s9+$0x20] =	vst v11  }
0xee: {  	s23 =	sadd.s32 $0x80, s23;
	s19 =	sadd.s32 $0x80, s19;
	v18 =	vmul.f32 v17, v8;
	v11 =	vld [tilespmem:s15+$0xA70];
	s15 =	smov.u32 s24  }
0xef: {  	s25 =	sand.u32 $0x380, s23;
	s24 =	sand.u32 $0x7800, s22;
	s22 =	sadd.s32 $0x100, s22;
	v17 =	vmul.f32 v19, v7;
	v14 =	vld [tilespmem:s14+$0x0]  }
0xf0: {  	s22 =	sor.u32 s25, s24;
	v19 =	vld [tilespmem:s19+$0xFFFFFFC0]  }
0xf1: {  	v20 =	vld [tilespmem:s22+$0xE00];
	_ =	sdelay $0x1  }
0xf2: {  	v21 =	vld [tilespmem:s22+$0xA00];
	_ =	sdelay $0x2  }
0xf3: {  	v19 =	vmul.f32 v19, v20;
	_ =	sdelay $0x1  }
0xf4: {  	v19 =	vadd.f32 v19, v21;
	_ =	sdelay $0x1  }
0xf5: {  	v61 =	vld [tilespmem:s19+$0xFFFFFFD0];
	v19 =	vmax.f32 v19, $0.0e+00  }
0xf6: {  	[tilespmem:s19+$0xFFFFFFC0] =	vst v19  }
0xf7: {  	v19 =	vld [tilespmem:s22+$0xA10];
	_ =	sdelay $0x2  }
0xf8: {  	v21 =	vmul.f32 v61, v20  }
0xf9: {  	v16 =	vadd.f32 v18, v16  }
0xfa: {  	v18 =	vadd.f32 v21, v19  }
0xfb: {  	v16 =	vmax.f32 v16, $0.0e+00;
	v19 =	vld [tilespmem:s17+$0xFFFFFFE0]  }
0xfc: {  	[tilespmem:s17+$0xFFFFFFD0] =	vst v16;
	v16 =	vmax.f32 v18, $0.0e+00;
	v18 =	vld [tilespmem:s19+$0xFFFFFFE0]  }
0xfd: {  	v62 =	vld [tilespmem:s6+$0xA20];
	[tilespmem:s19+$0xFFFFFFD0] =	vst v16  }
0xfe: {  	v16 =	vld [tilespmem:s22+$0xA20];
	_ =	sdelay $0x1  }
0xff: {  	v19 =	vmul.f32 v19, v8  }
0x100: {  	v18 =	vmul.f32 v18, v20  }
0x101: {  	v19 =	vadd.f32 v19, v62  }
0x102: {  	v16 =	vadd.f32 v18, v16  }
0x103: {  	v18 =	vmax.f32 v19, $0.0e+00;
	v19 =	vld [tilespmem:s17+$0xFFFFFFF0]  }
0x104: {  	[tilespmem:s17+$0xFFFFFFE0] =	vst v18;
	v18 =	vld [tilespmem:s19+$0xFFFFFFF0];
	v16 =	vmax.f32 v16, $0.0e+00  }
0x105: {  	v15 =	vadd.f32 v17, v15;
	v17 =	vld [tilespmem:s6+$0xA30];
	[tilespmem:s19+$0xFFFFFFE0] =	vst v16  }
0x106: {  	v16 =	vld [tilespmem:s22+$0xA30]  }
0x107: {  	v15 =	vmax.f32 v15, $0.0e+00  }
0x108: {  	[tilespmem:s14+$0xFFFFFFF0] =	vst v15;
	v15 =	vmul.f32 v19, v8  }
0x109: {  	v19 =	vld [tilespmem:s16+$0xA40];
	v18 =	vmul.f32 v18, v20  }
0x10a: {  	v15 =	vadd.f32 v15, v17  }
0x10b: {  	v16 =	vadd.f32 v18, v16  }
0x10c: {  	v14 =	vmul.f32 v14, v7;
	v18 =	vld [tilespmem:s17+$0x0];
	v15 =	vmax.f32 v15, $0.0e+00  }
0x10d: {  	[tilespmem:s17+$0xFFFFFFF0] =	vst v15;
	v15 =	vld [tilespmem:s19+$0x0];
	v16 =	vmax.f32 v16, $0.0e+00  }
0x10e: {  	v14 =	vadd.f32 v14, v19;
	v19 =	vld [tilespmem:s6+$0xA40];
	[tilespmem:s19+$0xFFFFFFF0] =	vst v16  }
0x10f: {  	v16 =	vld [tilespmem:s22+$0xA40]  }
0x110: {  	v14 =	vmax.f32 v14, $0.0e+00  }
0x111: {  	[tilespmem:s14+$0x0] =	vst v14;
	v14 =	vmul.f32 v18, v8  }
0x112: {  	v63 =	vld [tilespmem:s14+$0x10];
	v15 =	vmul.f32 v15, v20  }
0x113: {  	v14 =	vadd.f32 v14, v19  }
0x114: {  	v18 =	vld [tilespmem:s16+$0xA50];
	v15 =	vadd.f32 v15, v16  }
0x115: {  	v19 =	vld [tilespmem:s17+$0x10];
	v14 =	vmax.f32 v14, $0.0e+00  }
0x116: {  	v12 =	vmul.f32 v12, v6;
	[tilespmem:s17+$0x0] =	vst v14;
	v14 =	vld [tilespmem:s19+$0x10];
	v15 =	vmax.f32 v15, $0.0e+00  }
0x117: {  	v21 =	vmul.f32 v63, v7;
	[tilespmem:s19+$0x0] =	vst v15;
	v15 =	vld [tilespmem:s6+$0xA50]  }
0x118: {  	v12 =	vadd.f32 v12, v13;
	v13 =	vld [tilespmem:s22+$0xA50]  }
0x119: {  	v18 =	vadd.f32 v21, v18  }
0x11a: {  	v12 =	vmax.f32 v12, $0.0e+00;
	v19 =	vmul.f32 v19, v8  }
0x11b: {  	[tilespmem:s13+$0x10] =	vst v12;
	v17 =	vld [tilespmem:s14+$0x20];
	v12 =	vmax.f32 v18, $0.0e+00;
	v14 =	vmul.f32 v14, v20  }
0x11c: {  	[tilespmem:s14+$0x10] =	vst v12;
	v12 =	vadd.f32 v19, v15;
	v15 =	vld [tilespmem:s15+$0xA60]  }
0x11d: {  	v13 =	vadd.f32 v14, v13;
	v14 =	vld [tilespmem:s16+$0xA60]  }
0x11e: {  	v22 =	vld [tilespmem:s17+$0x20];
	v12 =	vmax.f32 v12, $0.0e+00  }
0x11f: {  	v10 =	vmul.f32 v10, v6;
	v16 =	vld [tilespmem:s19+$0x20];
	[tilespmem:s17+$0x10] =	vst v12;
	v12 =	vmax.f32 v13, $0.0e+00  }
0x120: {  	v13 =	vmul.f32 v17, v7;
	v17 =	vld [tilespmem:s6+$0xA60];
	[tilespmem:s19+$0x10] =	vst v12  }
0x121: {  	v10 =	vadd.f32 v10, v15;
	v12 =	vld [tilespmem:s22+$0xA60]  }
0x122: {  	v13 =	vadd.f32 v13, v14  }
0x123: {  	v15 =	vmul.f32 v22, v8;
	v14 =	vld [tilespmem:s13+$0x30];
	v10 =	vmax.f32 v10, $0.0e+00  }
0x124: {  	v16 =	vmul.f32 v16, v20;
	[tilespmem:s13+$0x20] =	vst v10;
	v10 =	vld [tilespmem:s14+$0x30];
	v13 =	vmax.f32 v13, $0.0e+00  }
0x125: {  	v18 =	vld [tilespmem:s15+$0xA70];
	[tilespmem:s14+$0x20] =	vst v13;
	v13 =	vadd.f32 v15, v17  }
0x126: {  	v15 =	vld [tilespmem:s16+$0xA70];
	v12 =	vadd.f32 v16, v12  }
0x127: {  	v16 =	vld [tilespmem:s17+$0x30];
	v13 =	vmax.f32 v13, $0.0e+00  }
0x128: {  	[tilespmem:s17+$0x20] =	vst v13;
	v13 =	vld [tilespmem:s19+$0x30];
	v12 =	vmax.f32 v12, $0.0e+00  }
0x129: {  	v5 =	vmul.f32 v9, v5;
	v9 =	vld [tilespmem:s6+$0xA70];
	[tilespmem:s19+$0x20] =	vst v12  }
0x12a: {  	v6 =	vmul.f32 v14, v6;
	v12 =	vld [tilespmem:s22+$0xA70]  }
0x12b: {  	v5 =	vadd.f32 v5, v11;
	v7 =	vmul.f32 v10, v7  }
0x12c: {  	v6 =	vadd.f32 v6, v18;
	v8 =	vmul.f32 v16, v8  }
0x12d: {  	v5 =	vmax.f32 v5, $0.0e+00;
	v7 =	vadd.f32 v7, v15;
	v10 =	vmul.f32 v13, v20  }
0x12e: {  	[tilespmem:s9+$0x30] =	vst v5;
	v5 =	vmax.f32 v6, $0.0e+00;
	v6 =	vadd.f32 v8, v9  }
0x12f: {  	[tilespmem:s13+$0x30] =	vst v5;
	v5 =	vmax.f32 v7, $0.0e+00;
	v7 =	vadd.f32 v10, v12  }
0x130: {  	[tilespmem:s14+$0x30] =	vst v5;
	v5 =	vmax.f32 v6, $0.0e+00  }
0x131: {  	[tilespmem:s17+$0x30] =	vst v5;
	v5 =	vmax.f32 v7, $0.0e+00  }
0x132: {  	s13 =	simm.s32 $0x900;
	[tilespmem:s19+$0x30] =	vst v5  }
0x133: {  	[spmem:s3] =	stream.indirect.scatter.add.f32 [tilespmem:s18], [sflag:$0x5], $0x80, s13, s20, $0xb8;
	[tilespmem:$0x19E00] =	vst v63  }
0x134: {  	_ =	swait.ge [sflag:s10], $0x280  }
0x135: {  	p1 =	seq.s32 s0, $0x0;
	[sflag:s10] =	ssyncset.done $0x0  }
0x136: {  	s6 =	simm.s32 @!p1 $0x6;
	[sflag:s10] =	ssyncadd.s32 $0xFFFFFD80  }
0x137: {  	_ =	swait.ge @!p1 [sflag:s6], $0x2800  }
0x138: {  	[sflag:s6] =	ssyncset.done @!p1 $0x0  }
0x139: {  	[sflag:s6] =	ssyncadd.s32 @!p1 $0xFFFFD800  }
0x13a: {  	v5 =	vld [tilespmem:$0x500]  }
0x13b: {  	v6 =	vld [tilespmem:$0x580]  }
0x13c: {  	v7 =	vld [tilespmem:$0x600]  }
0x13d: {  	v8 =	vld [tilespmem:$0x480]  }
0x13e: {  	v9 =	vld [tilespmem:$0x510]  }
0x13f: {  	v10 =	vld [tilespmem:$0x590]  }
0x140: {  	v11 =	vld [tilespmem:$0x610]  }
0x141: {  	v12 =	vld [tilespmem:$0x490]  }
0x142: {  	v13 =	vld [tilespmem:$0x520]  }
0x143: {  	v14 =	vld [tilespmem:$0x5A0]  }
0x144: {  	v15 =	vld [tilespmem:$0x620]  }
0x145: {  	v16 =	vld [tilespmem:$0x4A0]  }
0x146: {  	v17 =	vld [tilespmem:$0x530];
	v5 =	vshll.u32 v5, $0x6;
	v6 =	vshll.u32 v6, $0x3  }
0x147: {  	v9 =	vshll.u32 v9, $0x6;
	v10 =	vshll.u32 v10, $0x3;
	v5 =	vadd.s32 v5, v6;
	v6 =	vld [tilespmem:$0x400]  }
0x148: {  	v9 =	vadd.s32 v9, v10;
	v10 =	vshll.u32 v13, $0x6;
	v13 =	vshll.u32 v14, $0x3;
	v14 =	vld [tilespmem:$0x4B0]  }
0x149: {  	v5 =	vadd.s32 v7, v5;
	v7 =	vsub.s32 v8, v0;
	v8 =	vld [tilespmem:$0x5B0]  }
0x14a: {  	v9 =	vadd.s32 v11, v9;
	v11 =	vsub.s32 v12, v0;
	v12 =	vld [tilespmem:$0x540]  }
0x14b: {  	v10 =	vadd.s32 v10, v13;
	[tilespmem:$0x880] =	vst v5;
	v5 =	vmin.u32 v11, $0x1400;
	v11 =	vld [tilespmem:$0x5C0]  }
0x14c: {  	v18 =	vld [tilespmem:$0x630];
	v7 =	vmin.u32 v7, $0x1400;
	v10 =	vadd.s32 v15, v10;
	[tilespmem:$0x890] =	vst v9;
	v13 =	vshll.u32 v6, $0x1  }
0x14d: {  	v15 =	vld [tilespmem:$0x640];
	v9 =	vshll.u32 v17, $0x6;
	[tilespmem:$0x980] =	vst v7;
	v6 =	vand.u32 $0x7, v6;
	v13 =	vand.u32 $0xFFFFFFF0, v13  }
0x14e: {  	v7 =	vsub.s32 v16, v0;
	v16 =	vld [tilespmem:$0x4C0];
	[tilespmem:$0x990] =	vst v5;
	v8 =	vshll.u32 v8, $0x3;
	v6 =	vor.u32 v6, v13  }
0x14f: {  	[tilespmem:$0x8A0] =	vst v10;
	v5 =	vmin.u32 v7, $0x1400;
	v7 =	vadd.s32 v9, v8;
	v8 =	vperm.xlane v6, v2  }
0x150: {  	[tilespmem:$0x9A0] =	vst v5;
	v10 =	vshll.u32 v12, $0x6;
	v9 =	vsub.s32 v14, v0;
	v5 =	vshll.u32 v11, $0x3  }
0x151: {  	v7 =	vadd.s32 v18, v7;
	v6 =	vperm.xlane v6, v4;
	v8 =	vadd.s32 v3, v8  }
0x152: {  	v5 =	vadd.s32 v10, v5;
	[tilespmem:$0x8B0] =	vst v7;
	v7 =	vmin.u32 v9, $0x1400  }
0x153: {  	v5 =	vadd.s32 v15, v5;
	[tilespmem:$0x9B0] =	vst v7;
	v7 =	vsub.s32 v16, v0;
	v6 =	vadd.s32 v3, v6  }
0x154: {  	[tilespmem:$0x8C0] =	vst v5;
	v5 =	vmin.u32 v7, $0x1400  }
0x155: {  	s14 =	simm.s32 $0x5A00;
	[tilespmem:$0x9C0] =	vst v5  }
0x156: {  	[tilespmem:s14], [sflag:$0x4] =	stream.indirect_vreg.gather [hbm4b:s5+s4], $0x80, v8, vm0, $0xb8;
	[tilespmem:$0x19E00] =	vst v63  }
0x157: {  	s15 =	simm.s32 $0x6200  }
0x158: {  	[tilespmem:s15], [sflag:$0x4] =	stream.indirect_vreg.gather [hbm4b:s5+s4], $0x80, v6, vm0, $0xb8;
	[tilespmem:$0x19E00] =	vst v63  }
0x159: {  	v5 =	vld [tilespmem:$0x410];
	_ =	sdelay $0x4  }
0x15a: {  	v6 =	vshll.u32 v5, $0x1  }
0x15b: {  	v5 =	vand.u32 $0x7, v5;
	v6 =	vand.u32 $0xFFFFFFF0, v6  }
0x15c: {  	v5 =	vor.u32 v5, v6  }
0x15d: {  	v6 =	vperm.xlane v5, v2;
	_ =	sdelay $0x1  }
0x15e: {  	v5 =	vperm.xlane v5, v4;
	v6 =	vadd.s32 v3, v6;
	_ =	sdelay $0x1  }
0x15f: {  	v5 =	vadd.s32 v3, v5;
	_ =	sdelay $0x1  }
0x160: {  	s16 =	simm.s32 $0x6A00  }
0x161: {  	[tilespmem:s16], [sflag:$0x4] =	stream.indirect_vreg.gather [hbm4b:s5+s4], $0x80, v6, vm0, $0xb8;
	[tilespmem:$0x19E00] =	vst v63  }
0x162: {  	s17 =	simm.s32 $0x7200  }
0x163: {  	[tilespmem:s17], [sflag:$0x4] =	stream.indirect_vreg.gather [hbm4b:s5+s4], $0x80, v5, vm0, $0xb8;
	[tilespmem:$0x19E00] =	vst v63  }
0x164: {  	v5 =	vld [tilespmem:$0x420];
	_ =	sdelay $0x4  }
0x165: {  	v6 =	vshll.u32 v5, $0x1  }
0x166: {  	v5 =	vand.u32 $0x7, v5;
	v6 =	vand.u32 $0xFFFFFFF0, v6  }
0x167: {  	v5 =	vor.u32 v5, v6  }
0x168: {  	v6 =	vperm.xlane v5, v2;
	_ =	sdelay $0x1  }
0x169: {  	v5 =	vperm.xlane v5, v4;
	v6 =	vadd.s32 v3, v6;
	_ =	sdelay $0x1  }
0x16a: {  	v5 =	vadd.s32 v3, v5;
	_ =	sdelay $0x1  }
0x16b: {  	s19 =	simm.s32 $0x7A00  }
0x16c: {  	[tilespmem:s19], [sflag:$0x4] =	stream.indirect_vreg.gather [hbm4b:s5+s4], $0x80, v6, vm0, $0xb8;
	[tilespmem:$0x19E00] =	vst v63  }
0x16d: {  	s22 =	simm.s32 $0x8200  }
0x16e: {  	[tilespmem:s22], [sflag:$0x4] =	stream.indirect_vreg.gather [hbm4b:s5+s4], $0x80, v5, vm0, $0xb8;
	[tilespmem:$0x19E00] =	vst v63  }
0x16f: {  	v5 =	vld [tilespmem:$0x430];
	_ =	sdelay $0x4  }
0x170: {  	v6 =	vshll.u32 v5, $0x1  }
0x171: {  	v5 =	vand.u32 $0x7, v5;
	v6 =	vand.u32 $0xFFFFFFF0, v6  }
0x172: {  	v5 =	vor.u32 v5, v6  }
0x173: {  	v6 =	vperm.xlane v5, v2;
	_ =	sdelay $0x1  }
0x174: {  	v5 =	vperm.xlane v5, v4;
	v6 =	vadd.s32 v3, v6;
	_ =	sdelay $0x1  }
0x175: {  	v5 =	vadd.s32 v3, v5;
	_ =	sdelay $0x1  }
0x176: {  	s23 =	simm.s32 $0x8A00  }
0x177: {  	[tilespmem:s23], [sflag:$0x4] =	stream.indirect_vreg.gather [hbm4b:s5+s4], $0x80, v6, vm0, $0xb8;
	[tilespmem:$0x19E00] =	vst v63  }
0x178: {  	s24 =	simm.s32 $0x9200  }
0x179: {  	[tilespmem:s24], [sflag:$0x4] =	stream.indirect_vreg.gather [hbm4b:s5+s4], $0x80, v5, vm0, $0xb8;
	[tilespmem:$0x19E00] =	vst v63  }
0x17a: {  	v5 =	vld [tilespmem:$0x440];
	_ =	sdelay $0x4  }
0x17b: {  	v6 =	vshll.u32 v5, $0x1  }
0x17c: {  	v5 =	vand.u32 $0x7, v5;
	v6 =	vand.u32 $0xFFFFFFF0, v6  }
0x17d: {  	v5 =	vor.u32 v5, v6  }
0x17e: {  	v6 =	vperm.xlane v5, v2;
	_ =	sdelay $0x1  }
0x17f: {  	v5 =	vperm.xlane v5, v4;
	v6 =	vadd.s32 v3, v6;
	_ =	sdelay $0x1  }
0x180: {  	v5 =	vadd.s32 v3, v5;
	_ =	sdelay $0x1  }
0x181: {  	s25 =	simm.s32 $0x9A00  }
0x182: {  	[tilespmem:s25], [sflag:$0x4] =	stream.indirect_vreg.gather [hbm4b:s5+s4], $0x80, v6, vm0, $0xb8;
	[tilespmem:$0x19E00] =	vst v63  }
0x183: {  	s9 =	simm.s32 $0xA200  }
0x184: {  	[tilespmem:s9], [sflag:$0x4] =	stream.indirect_vreg.gather [hbm4b:s5+s4], $0x80, v5, vm0, $0xb8;
	[tilespmem:$0x19E00] =	vst v63  }
0x185: {  	s13 =	simm.s32 $0x880  }
0x186: {  	[tilespmem:s26], [sflag:$0x4] =	stream.indirect.gather [hbm4b:s2+s20], $0x80, s13, s20, $0xb8;
	[tilespmem:$0x19E00] =	vst v63  }
0x187: {  	_ =	swait.ge [sflag:s28], $0x5000  }
0x188: {  	[sflag:s28] =	ssyncset.done $0x0  }
0x189: {  	s1 =	sadd.s32 @!p0 s1, s12;
	[sflag:s28] =	ssyncadd.s32 $0xFFFFB000  }
0x18a: {  	s1 =	sshll.u32 @!p0 s1, $0x7;
	_ =	swait.ge [sflag:s28], $0x2800  }
0x18b: {  	s1 =	sadd.s32 @!p0 s1, s11;
	s6 =	simm.s32 @!p0 $0x0;
	[sflag:s28] =	ssyncset.done $0x0  }
0x18c: {  	s14 =	simm.s32 $0x0;
	s9 =	simm.s32 @!p0 $0x400;
	[sflag:s28] =	ssyncadd.s32 $0xFFFFD800  }
0x18d: {  	[tilespmem:s9], [sflag:$0x2] =	stream.linear.gather @!p0 [hbm4b:s1+s6], $0x280, $0x38;
	[tilespmem:$0x19E00] =	vst v63  }
0x18e: {  	s15 =	sand.u32 $0x7800, s14;
	s1 =	simm.s32 $0xD240;
	s6 =	sand.u32 $0x380, s14  }
0x18f: {  	s19 =	sor.u32 s6, s15;
	v6 =	vld [tilespmem:s1+$0xFFFFFFC0]  }
0x190: {  	v5 =	vld [tilespmem:s19+$0x5E00];
	_ =	sdelay $0x1  }
0x191: {  	v7 =	vld [tilespmem:s19+$0x5A00];
	_ =	sdelay $0x2  }
0x192: {  	v6 =	vmul.f32 v6, v5;
	_ =	sdelay $0x1  }
0x193: {  	v6 =	vadd.f32 v6, v7;
	_ =	sdelay $0x1  }
0x194: {  	v7 =	vld [tilespmem:s1+$0xFFFFFFD0];
	v6 =	vmax.f32 v6, $0.0e+00  }
0x195: {  	[tilespmem:s1+$0xFFFFFFC0] =	vst v6  }
0x196: {  	v6 =	vld [tilespmem:s19+$0x5A10];
	_ =	sdelay $0x2  }
0x197: {  	s16 =	simm.s32 $0x100;
	s17 =	simm.s32 $0x80;
	v7 =	vmul.f32 v7, v5  }
0x198: {  	s13 =	sand.u32 $0x380, s17;
	s9 =	simm.s32 $0xD2C0;
	s6 =	sand.u32 $0x7800, s16  }
0x199: {  	v8 =	vld [tilespmem:s9+$0xFFFFFFC0];
	s14 =	sor.u32 s13, s6;
	v7 =	vadd.f32 v7, v6  }
0x19a: {  	v6 =	vld [tilespmem:s14+$0x5E00]  }
0x19b: {  	v9 =	vld [tilespmem:s1+$0xFFFFFFE0];
	v7 =	vmax.f32 v7, $0.0e+00  }
0x19c: {  	v10 =	vld [tilespmem:s14+$0x5A00];
	[tilespmem:s1+$0xFFFFFFD0] =	vst v7  }
0x19d: {  	v7 =	vld [tilespmem:s19+$0x5A20];
	_ =	sdelay $0x1  }
0x19e: {  	v8 =	vmul.f32 v8, v6  }
0x19f: {  	v9 =	vmul.f32 v9, v5  }
0x1a0: {  	v8 =	vadd.f32 v8, v10  }
0x1a1: {  	v7 =	vadd.f32 v9, v7  }
0x1a2: {  	v8 =	vmax.f32 v8, $0.0e+00;
	v9 =	vld [tilespmem:s9+$0xFFFFFFD0]  }
0x1a3: {  	[tilespmem:s9+$0xFFFFFFC0] =	vst v8;
	v8 =	vld [tilespmem:s1+$0xFFFFFFF0];
	v7 =	vmax.f32 v7, $0.0e+00  }
0x1a4: {  	v10 =	vld [tilespmem:s14+$0x5A10];
	[tilespmem:s1+$0xFFFFFFE0] =	vst v7  }
0x1a5: {  	v11 =	vld [tilespmem:s19+$0x5A30]  }
0x1a6: {  	s22 =	simm.s32 $0x200;
	s23 =	simm.s32 $0x100  }
0x1a7: {  	s15 =	sand.u32 $0x380, s23;
	s13 =	simm.s32 $0xD340;
	s6 =	sand.u32 $0x7800, s22;
	v7 =	vmul.f32 v9, v6  }
0x1a8: {  	s15 =	sor.u32 s15, s6;
	v12 =	vld [tilespmem:s13+$0xFFFFFFC0];
	v8 =	vmul.f32 v8, v5  }
0x1a9: {  	v13 =	vld [tilespmem:s15+$0x5A00];
	v10 =	vadd.f32 v7, v10  }
0x1aa: {  	v7 =	vld [tilespmem:s15+$0x5E00];
	v8 =	vadd.f32 v8, v11  }
0x1ab: {  	v10 =	vmax.f32 v10, $0.0e+00;
	v11 =	vld [tilespmem:s9+$0xFFFFFFE0]  }
0x1ac: {  	v9 =	vld [tilespmem:s1+$0x0];
	[tilespmem:s9+$0xFFFFFFD0] =	vst v10;
	v8 =	vmax.f32 v8, $0.0e+00  }
0x1ad: {  	v10 =	vld [tilespmem:s14+$0x5A20];
	[tilespmem:s1+$0xFFFFFFF0] =	vst v8  }
0x1ae: {  	v8 =	vld [tilespmem:s19+$0x5A40]  }
0x1af: {  	v12 =	vmul.f32 v12, v7  }
0x1b0: {  	v11 =	vmul.f32 v11, v6  }
0x1b1: {  	v9 =	vmul.f32 v9, v5;
	v12 =	vadd.f32 v12, v13  }
0x1b2: {  	v14 =	vld [tilespmem:s13+$0xFFFFFFD0];
	v10 =	vadd.f32 v11, v10  }
0x1b3: {  	v11 =	vld [tilespmem:s1+$0x10];
	v12 =	vmax.f32 v12, $0.0e+00;
	v8 =	vadd.f32 v9, v8  }
0x1b4: {  	[tilespmem:s13+$0xFFFFFFC0] =	vst v12;
	v9 =	vmax.f32 v10, $0.0e+00;
	v10 =	vld [tilespmem:s9+$0xFFFFFFF0]  }
0x1b5: {  	v12 =	vld [tilespmem:s15+$0x5A10];
	[tilespmem:s9+$0xFFFFFFE0] =	vst v9;
	v8 =	vmax.f32 v8, $0.0e+00  }
0x1b6: {  	v9 =	vld [tilespmem:s14+$0x5A30];
	[tilespmem:s1+$0x0] =	vst v8  }
0x1b7: {  	s16 =	simm.s32 $0xD3C0;
	v15 =	vld [tilespmem:s19+$0x5A50]  }
0x1b8: {  	s24 =	simm.s32 $0x300;
	s25 =	simm.s32 $0x180;
	v16 =	vld [tilespmem:s16+$0xFFFFFFC0];
	v8 =	vmul.f32 v14, v7  }
0x1b9: {  	s17 =	sand.u32 $0x380, s25;
	s6 =	sand.u32 $0x7800, s24;
	v13 =	vld [tilespmem:s1+$0x20];
	v10 =	vmul.f32 v10, v6  }
0x1ba: {  	s6 =	sor.u32 s17, s6;
	v14 =	vld [tilespmem:s9+$0x0];
	v11 =	vmul.f32 v11, v5;
	v12 =	vadd.f32 v8, v12  }
0x1bb: {  	v8 =	vld [tilespmem:s6+$0x5E00];
	v9 =	vadd.f32 v10, v9  }
0x1bc: {  	v10 =	vmax.f32 v12, $0.0e+00;
	v12 =	vld [tilespmem:s13+$0xFFFFFFE0];
	v11 =	vadd.f32 v11, v15  }
0x1bd: {  	[tilespmem:s13+$0xFFFFFFD0] =	vst v10;
	v15 =	vld [tilespmem:s6+$0x5A00];
	v9 =	vmax.f32 v9, $0.0e+00  }
0x1be: {  	v17 =	vld [tilespmem:s15+$0x5A20];
	[tilespmem:s9+$0xFFFFFFF0] =	vst v9;
	v9 =	vmax.f32 v11, $0.0e+00  }
0x1bf: {  	v11 =	vld [tilespmem:s14+$0x5A40];
	[tilespmem:s1+$0x10] =	vst v9  }
0x1c0: {  	v10 =	vmul.f32 v16, v8;
	v16 =	vld [tilespmem:s19+$0x5A60]  }
0x1c1: {  	v18 =	vld [tilespmem:s16+$0xFFFFFFD0];
	v12 =	vmul.f32 v12, v7  }
0x1c2: {  	v14 =	vmul.f32 v14, v6;
	v9 =	vld [tilespmem:s1+$0x30];
	v15 =	vadd.f32 v10, v15  }
0x1c3: {  	v13 =	vmul.f32 v13, v5;
	v10 =	vld [tilespmem:s9+$0x20];
	v17 =	vadd.f32 v12, v17  }
0x1c4: {  	v12 =	vld [tilespmem:s9+$0x10];
	v15 =	vmax.f32 v15, $0.0e+00;
	v11 =	vadd.f32 v14, v11  }
0x1c5: {  	v14 =	vmax.f32 v17, $0.0e+00;
	v17 =	vld [tilespmem:s13+$0xFFFFFFF0];
	[tilespmem:s16+$0xFFFFFFC0] =	vst v15;
	v13 =	vadd.f32 v13, v16  }
0x1c6: {  	[tilespmem:s13+$0xFFFFFFE0] =	vst v14;
	v16 =	vld [tilespmem:s6+$0x5A10];
	v11 =	vmax.f32 v11, $0.0e+00  }
0x1c7: {  	v15 =	vld [tilespmem:s15+$0x5A30];
	[tilespmem:s9+$0x0] =	vst v11;
	v11 =	vmax.f32 v13, $0.0e+00  }
0x1c8: {  	s23 =	simm.s32 $0x400;
	v13 =	vld [tilespmem:s14+$0x5A50];
	[tilespmem:s1+$0x20] =	vst v11  }
0x1c9: {  	s22 =	simm.s32 $0x200;
	s23 =	sand.u32 $0x7800, s23;
	v18 =	vmul.f32 v18, v8;
	v11 =	vld [tilespmem:s19+$0x5A70]  }
0x1ca: {  	s24 =	sand.u32 $0x380, s22;
	s17 =	simm.s32 $0xD440;
	v14 =	vld [tilespmem:s13+$0x0];
	v17 =	vmul.f32 v17, v7;
	s19 =	simm.s32 $0x500  }
.LBB2_7:
0x1cb: {  	p1 =	sne.s32 s19, $0x4F00;
	s24 =	sor.u32 s24, s23;
	v19 =	vld [tilespmem:s17+$0xFFFFFFC0];
	v16 =	vadd.f32 v18, v16;
	v12 =	vmul.f32 v12, v6;
	s23 =	smov.u32 s15  }
0x1cc: {  	v9 =	vmul.f32 v9, v5;
	v5 =	vmovc v6;
	v6 =	vmovc v7;
	v7 =	vmov v8;
	s15 =	smov.u32 s6;
	v15 =	vadd.f32 v17, v15;
	v8 =	vld [tilespmem:s24+$0x5E00];
	s6 =	smov.u32 s24  }
0x1cd: {  	v16 =	vmax.f32 v16, $0.0e+00;
	v17 =	vld [tilespmem:s16+$0xFFFFFFE0];
	v12 =	vadd.f32 v12, v13  }
0x1ce: {  	v13 =	vld [tilespmem:s6+$0x5A00];
	[tilespmem:s16+$0xFFFFFFD0] =	vst v16;
	v15 =	vmax.f32 v15, $0.0e+00;
	v9 =	vadd.f32 v9, v11  }
0x1cf: {  	v11 =	vld [tilespmem:s15+$0x5A20];
	[tilespmem:s13+$0xFFFFFFF0] =	vst v15;
	v12 =	vmax.f32 v12, $0.0e+00  }
0x1d0: {  	v15 =	vld [tilespmem:s23+$0x5A40];
	[tilespmem:s9+$0x10] =	vst v12;
	v9 =	vmax.f32 v9, $0.0e+00  }
0x1d1: {  	v12 =	vmul.f32 v19, v8;
	v16 =	vld [tilespmem:s14+$0x5A60];
	[tilespmem:s1+$0x30] =	vst v9;
	s1 =	smov.u32 s9;
	s9 =	smov.u32 s13;
	s13 =	smov.u32 s16  }
0x1d2: {  	s16 =	smov.u32 s17;
	v17 =	vmul.f32 v17, v7;
	v9 =	vld [tilespmem:s1+$0x30]  }
0x1d3: {  	v14 =	vmul.f32 v14, v6;
	v13 =	vadd.f32 v12, v13;
	v18 =	vld [tilespmem:s9+$0x20]  }
0x1d4: {  	v10 =	vmul.f32 v10, v5;
	v11 =	vadd.f32 v17, v11;
	v12 =	vld [tilespmem:s9+$0x10]  }
0x1d5: {  	v13 =	vmax.f32 v13, $0.0e+00;
	v17 =	vld [tilespmem:s17+$0xFFFFFFD0];
	v14 =	vadd.f32 v14, v15  }
0x1d6: {  	[tilespmem:s17+$0xFFFFFFC0] =	vst v13;
	v11 =	vmax.f32 v11, $0.0e+00;
	v19 =	vld [tilespmem:s13+$0xFFFFFFF0];
	v13 =	vadd.f32 v10, v16  }
.Ltmp4:
0x1d7: {  	v16 =	vld [tilespmem:s6+$0x5A10];
	[tilespmem:s13+$0xFFFFFFE0] =	vst v11;
	v11 =	vmax.f32 v14, $0.0e+00;
	(pc) =	sbr.rel @p1 .LBB2_7-.Ltmp4, $4  }
0x1d8: {  	v15 =	vld [tilespmem:s15+$0x5A30];
	[tilespmem:s9+$0x0] =	vst v11;
	v11 =	vmax.f32 v13, $0.0e+00;
	v10 =	vmov v18  }
0x1d9: {  	v13 =	vld [tilespmem:s23+$0x5A50];
	[tilespmem:s1+$0x20] =	vst v11  }
0x1da: {  	s22 =	sadd.s32 $0x80, s22;
	s17 =	sadd.s32 $0x80, s17;
	v18 =	vmul.f32 v17, v8;
	v11 =	vld [tilespmem:s14+$0x5A70];
	s14 =	smov.u32 s23  }
0x1db: {  	s24 =	sand.u32 $0x380, s22;
	s23 =	sand.u32 $0x7800, s19;
	s19 =	sadd.s32 $0x100, s19;
	v17 =	vmul.f32 v19, v7;
	v14 =	vld [tilespmem:s13+$0x0]  }
0x1dc: {  	s19 =	sor.u32 s24, s23;
	v19 =	vld [tilespmem:s17+$0xFFFFFFC0]  }
0x1dd: {  	v20 =	vld [tilespmem:s19+$0x5E00];
	_ =	sdelay $0x1  }
0x1de: {  	v21 =	vld [tilespmem:s19+$0x5A00];
	_ =	sdelay $0x2  }
0x1df: {  	v19 =	vmul.f32 v19, v20;
	_ =	sdelay $0x1  }
0x1e0: {  	v19 =	vadd.f32 v19, v21;
	_ =	sdelay $0x1  }
0x1e1: {  	v63 =	vld [tilespmem:s17+$0xFFFFFFD0];
	v19 =	vmax.f32 v19, $0.0e+00  }
0x1e2: {  	[tilespmem:s17+$0xFFFFFFC0] =	vst v19  }
0x1e3: {  	v19 =	vld [tilespmem:s19+$0x5A10];
	_ =	sdelay $0x2  }
0x1e4: {  	v21 =	vmul.f32 v63, v20  }
0x1e5: {  	v16 =	vadd.f32 v18, v16  }
0x1e6: {  	v23 =	vadd.f32 v21, v19  }
0x1e7: {  	v24 =	vld [tilespmem:s16+$0xFFFFFFE0];
	v16 =	vmax.f32 v16, $0.0e+00  }
0x1e8: {  	v26 =	vld [tilespmem:s17+$0xFFFFFFE0];
	[tilespmem:s16+$0xFFFFFFD0] =	vst v16;
	v25 =	vmax.f32 v23, $0.0e+00  }
0x1e9: {  	v27 =	vld [tilespmem:s6+$0x5A20];
	[tilespmem:s17+$0xFFFFFFD0] =	vst v25  }
0x1ea: {  	v16 =	vld [tilespmem:s19+$0x5A20];
	_ =	sdelay $0x1  }
0x1eb: {  	v19 =	vmul.f32 v24, v8  }
0x1ec: {  	v18 =	vmul.f32 v26, v20  }
0x1ed: {  	v19 =	vadd.f32 v19, v27  }
0x1ee: {  	v16 =	vadd.f32 v18, v16  }
0x1ef: {  	v29 =	vld [tilespmem:s16+$0xFFFFFFF0];
	v28 =	vmax.f32 v19, $0.0e+00  }
0x1f0: {  	v30 =	vld [tilespmem:s17+$0xFFFFFFF0];
	[tilespmem:s16+$0xFFFFFFE0] =	vst v28;
	v16 =	vmax.f32 v16, $0.0e+00  }
0x1f1: {  	v31 =	vld [tilespmem:s6+$0x5A30];
	[tilespmem:s17+$0xFFFFFFE0] =	vst v16  }
0x1f2: {  	v16 =	vld [tilespmem:s19+$0x5A30]  }
0x1f3: {  	v15 =	vadd.f32 v17, v15  }
0x1f4: {  	v32 =	vmul.f32 v29, v8  }
0x1f5: {  	v15 =	vmax.f32 v15, $0.0e+00;
	v18 =	vmul.f32 v30, v20  }
0x1f6: {  	[tilespmem:s13+$0xFFFFFFF0] =	vst v15;
	v15 =	vadd.f32 v32, v31  }
0x1f7: {  	v33 =	vld [tilespmem:s15+$0x5A40];
	v16 =	vadd.f32 v18, v16  }
0x1f8: {  	v35 =	vld [tilespmem:s16+$0x0];
	v15 =	vmax.f32 v15, $0.0e+00  }
0x1f9: {  	v36 =	vld [tilespmem:s17+$0x0];
	[tilespmem:s16+$0xFFFFFFF0] =	vst v15;
	v16 =	vmax.f32 v16, $0.0e+00  }
0x1fa: {  	v14 =	vmul.f32 v14, v7;
	v37 =	vld [tilespmem:s6+$0x5A40];
	[tilespmem:s17+$0xFFFFFFF0] =	vst v16  }
0x1fb: {  	v16 =	vld [tilespmem:s19+$0x5A40]  }
0x1fc: {  	v14 =	vadd.f32 v14, v33  }
0x1fd: {  	v39 =	vmul.f32 v35, v8  }
0x1fe: {  	v14 =	vmax.f32 v14, $0.0e+00;
	v15 =	vmul.f32 v36, v20  }
0x1ff: {  	v38 =	vld [tilespmem:s13+$0x10];
	[tilespmem:s13+$0x0] =	vst v14;
	v14 =	vadd.f32 v39, v37  }
0x200: {  	v41 =	vld [tilespmem:s16+$0x10];
	v15 =	vadd.f32 v15, v16  }
0x201: {  	v43 =	vld [tilespmem:s17+$0x10];
	v14 =	vmax.f32 v14, $0.0e+00  }
0x202: {  	v40 =	vld [tilespmem:s15+$0x5A50];
	[tilespmem:s16+$0x0] =	vst v14;
	v15 =	vmax.f32 v15, $0.0e+00  }
0x203: {  	v44 =	vld [tilespmem:s6+$0x5A50];
	[tilespmem:s17+$0x0] =	vst v15  }
0x204: {  	v12 =	vmul.f32 v12, v6;
	v45 =	vld [tilespmem:s19+$0x5A50]  }
0x205: {  	v21 =	vmul.f32 v38, v7  }
0x206: {  	v12 =	vadd.f32 v12, v13;
	v19 =	vmul.f32 v41, v8  }
0x207: {  	v34 =	vld [tilespmem:s13+$0x20];
	v18 =	vadd.f32 v21, v40;
	v14 =	vmul.f32 v43, v20  }
0x208: {  	v22 =	vld [tilespmem:s16+$0x20];
	v12 =	vmax.f32 v12, $0.0e+00;
	v47 =	vadd.f32 v19, v44  }
0x209: {  	v42 =	vld [tilespmem:s17+$0x20];
	[tilespmem:s9+$0x10] =	vst v12;
	v46 =	vmax.f32 v18, $0.0e+00;
	v13 =	vadd.f32 v14, v45  }
0x20a: {  	v48 =	vld [tilespmem:s14+$0x5A60];
	[tilespmem:s13+$0x10] =	vst v46;
	v12 =	vmax.f32 v47, $0.0e+00  }
0x20b: {  	v49 =	vld [tilespmem:s15+$0x5A60];
	[tilespmem:s16+$0x10] =	vst v12;
	v50 =	vmax.f32 v13, $0.0e+00  }
0x20c: {  	v52 =	vld [tilespmem:s6+$0x5A60];
	[tilespmem:s17+$0x10] =	vst v50  }
0x20d: {  	v10 =	vmul.f32 v10, v6;
	v12 =	vld [tilespmem:s19+$0x5A60]  }
0x20e: {  	v51 =	vmul.f32 v34, v7  }
0x20f: {  	v53 =	vld [tilespmem:s9+$0x30];
	v54 =	vmul.f32 v22, v8;
	v10 =	vadd.f32 v10, v48  }
0x210: {  	v55 =	vld [tilespmem:s13+$0x30];
	v16 =	vmul.f32 v42, v20;
	v13 =	vadd.f32 v51, v49  }
0x211: {  	v59 =	vld [tilespmem:s16+$0x30];
	v10 =	vmax.f32 v10, $0.0e+00;
	v57 =	vadd.f32 v54, v52  }
0x212: {  	v60 =	vld [tilespmem:s17+$0x30];
	[tilespmem:s9+$0x20] =	vst v10;
	v13 =	vmax.f32 v13, $0.0e+00;
	v12 =	vadd.f32 v16, v12  }
0x213: {  	v56 =	vld [tilespmem:s14+$0x5A70];
	[tilespmem:s13+$0x20] =	vst v13;
	v13 =	vmax.f32 v57, $0.0e+00  }
0x214: {  	v58 =	vld [tilespmem:s15+$0x5A70];
	[tilespmem:s16+$0x20] =	vst v13;
	v12 =	vmax.f32 v12, $0.0e+00  }
0x215: {  	v5 =	vmul.f32 v9, v5;
	v61 =	vld [tilespmem:s6+$0x5A70];
	[tilespmem:s17+$0x20] =	vst v12  }
0x216: {  	v6 =	vmul.f32 v53, v6;
	v12 =	vld [tilespmem:s19+$0x5A70]  }
0x217: {  	v5 =	vadd.f32 v5, v11;
	v7 =	vmul.f32 v55, v7  }
0x218: {  	v62 =	vmul.f32 v59, v8;
	v6 =	vadd.f32 v6, v56  }
0x219: {  	v5 =	vmax.f32 v5, $0.0e+00;
	v63 =	vmul.f32 v60, v20;
	v7 =	vadd.f32 v7, v58  }
0x21a: {  	[tilespmem:s1+$0x30] =	vst v5;
	v5 =	vmax.f32 v6, $0.0e+00;
	v6 =	vadd.f32 v62, v61  }
.Ltmp5:
0x21b: {  	[tilespmem:s9+$0x30] =	vst v5;
	v5 =	vmax.f32 v7, $0.0e+00;
	v7 =	vadd.f32 v63, v12;
	(pc) =	sbr.rel @p0 .LBB2_10-.Ltmp5, $4  }
0x21c: {  	[tilespmem:s13+$0x30] =	vst v5;
	v5 =	vmax.f32 v6, $0.0e+00  }
0x21d: {  	[tilespmem:s16+$0x30] =	vst v5;
	v5 =	vmax.f32 v7, $0.0e+00  }
0x21e: {  	[tilespmem:s17+$0x30] =	vst v5  }
0x21f: {  	[spmem:s3] =	stream.indirect.scatter.add.f32 [tilespmem:s26], [sflag:$0x6], $0x80, s29, s20, $0xb8;
	[tilespmem:$0x19E00] =	vst v63  }
0x220: {  	_ =	swait.ge [sflag:s21], $0x280  }
0x221: {  	[sflag:s21] =	ssyncset.done $0x0  }
0x222: {  	[sflag:s21] =	ssyncadd.s32 $0xFFFFFD80  }
0x223: {  	_ =	swait.ge [sflag:s30], $0x2800  }
0x224: {  	[sflag:s30] =	ssyncset.done $0x0  }
0x225: {  	[sflag:s30] =	ssyncadd.s32 $0xFFFFD800  }
0x226: {  	v5 =	vld [tilespmem:$0x100]  }
0x227: {  	v6 =	vld [tilespmem:$0x180]  }
0x228: {  	v7 =	vld [tilespmem:$0x200]  }
0x229: {  	v8 =	vld [tilespmem:$0x80]  }
0x22a: {  	v9 =	vld [tilespmem:$0x110]  }
0x22b: {  	v10 =	vld [tilespmem:$0x190]  }
0x22c: {  	v12 =	vld [tilespmem:$0x90]  }
0x22d: {  	v13 =	vld [tilespmem:$0x120]  }
0x22e: {  	v14 =	vld [tilespmem:$0x1A0]  }
0x22f: {  	v17 =	vld [tilespmem:$0x130]  }
0x230: {  	v18 =	vld [tilespmem:$0x0]  }
0x231: {  	v11 =	vld [tilespmem:$0x210]  }
0x232: {  	v15 =	vld [tilespmem:$0x220]  }
0x233: {  	v16 =	vld [tilespmem:$0xA0];
	v5 =	vshll.u32 v5, $0x6;
	v6 =	vshll.u32 v6, $0x3  }
0x234: {  	v50 =	vld [tilespmem:$0x1B0];
	v49 =	vshll.u32 v10, $0x3;
	v52 =	vshll.u32 v13, $0x6;
	v53 =	vshll.u32 v14, $0x3  }
0x235: {  	v51 =	vld [tilespmem:$0x230];
	v12 =	vsub.s32 v12, v0;
	v56 =	vshll.u32 v17, $0x6;
	v58 =	vshll.u32 v18, $0x1  }
0x236: {  	v55 =	vld [tilespmem:$0x140];
	v60 =	vand.u32 $0x7, v18;
	v5 =	vadd.s32 v5, v6;
	v6 =	vshll.u32 v9, $0x6  }
0x237: {  	v54 =	vld [tilespmem:$0xB0];
	v5 =	vadd.s32 v7, v5;
	v7 =	vsub.s32 v8, v0;
	v6 =	vadd.s32 v6, v49  }
0x238: {  	v57 =	vld [tilespmem:$0x1C0];
	v9 =	vadd.s32 v52, v53;
	v6 =	vadd.s32 v11, v6;
	v7 =	vmin.u32 v7, $0x1400;
	[tilespmem:$0x800] =	vst v5  }
0x239: {  	v59 =	vld [tilespmem:$0x240];
	v5 =	vadd.s32 v15, v9;
	v15 =	vand.u32 $0xFFFFFFF0, v58;
	[tilespmem:$0x900] =	vst v7;
	v7 =	vshll.u32 v50, $0x3  }
0x23a: {  	v62 =	vld [tilespmem:$0xC0];
	[tilespmem:$0x810] =	vst v6;
	v61 =	vor.u32 v60, v15;
	v6 =	vadd.s32 v56, v7;
	v7 =	vmin.u32 v12, $0x1400  }
0x23b: {  	v11 =	vshll.u32 v55, $0x6;
	v63 =	vperm.xlane v61, v2;
	[tilespmem:$0x910] =	vst v7;
	v7 =	vsub.s32 v16, v0  }
0x23c: {  	[tilespmem:$0x820] =	vst v5;
	v9 =	vperm.xlane v61, v4;
	v6 =	vadd.s32 v51, v6;
	v5 =	vmin.u32 v7, $0x1400  }
0x23d: {  	v7 =	vsub.s32 v54, v0;
	v8 =	vadd.s32 v3, v63;
	[tilespmem:$0x920] =	vst v5;
	v5 =	vshll.u32 v57, $0x3  }
0x23e: {  	[tilespmem:$0x830] =	vst v6;
	v6 =	vmin.u32 v7, $0x1400;
	v5 =	vadd.s32 v11, v5  }
0x23f: {  	v7 =	vadd.s32 v3, v9;
	[tilespmem:$0x930] =	vst v6;
	v6 =	vsub.s32 v62, v0;
	v5 =	vadd.s32 v59, v5  }
0x240: {  	[tilespmem:$0x840] =	vst v5;
	v5 =	vmin.u32 v6, $0x1400  }
0x241: {  	s1 =	simm.s32 $0xA00;
	[tilespmem:$0x940] =	vst v5  }
0x242: {  	[tilespmem:s1], [sflag:$0x3] =	stream.indirect_vreg.gather [hbm4b:s5+s4], $0x80, v8, vm0, $0xb8;
	[tilespmem:$0x19E00] =	vst v63  }
0x243: {  	s13 =	simm.s32 $0x1200  }
0x244: {  	[tilespmem:s13], [sflag:$0x3] =	stream.indirect_vreg.gather [hbm4b:s5+s4], $0x80, v7, vm0, $0xb8;
	[tilespmem:$0x19E00] =	vst v63  }
0x245: {  	v5 =	vld [tilespmem:$0x10];
	_ =	sdelay $0x4  }
0x246: {  	v6 =	vshll.u32 v5, $0x1  }
0x247: {  	v5 =	vand.u32 $0x7, v5;
	v6 =	vand.u32 $0xFFFFFFF0, v6  }
0x248: {  	v5 =	vor.u32 v5, v6  }
0x249: {  	v6 =	vperm.xlane v5, v2;
	_ =	sdelay $0x1  }
0x24a: {  	v5 =	vperm.xlane v5, v4;
	v6 =	vadd.s32 v3, v6;
	_ =	sdelay $0x1  }
0x24b: {  	v5 =	vadd.s32 v3, v5;
	_ =	sdelay $0x1  }
0x24c: {  	s14 =	simm.s32 $0x1A00  }
0x24d: {  	[tilespmem:s14], [sflag:$0x3] =	stream.indirect_vreg.gather [hbm4b:s5+s4], $0x80, v6, vm0, $0xb8;
	[tilespmem:$0x19E00] =	vst v63  }
0x24e: {  	s15 =	simm.s32 $0x2200  }
0x24f: {  	[tilespmem:s15], [sflag:$0x3] =	stream.indirect_vreg.gather [hbm4b:s5+s4], $0x80, v5, vm0, $0xb8;
	[tilespmem:$0x19E00] =	vst v63  }
0x250: {  	v5 =	vld [tilespmem:$0x20];
	_ =	sdelay $0x4  }
0x251: {  	v6 =	vshll.u32 v5, $0x1  }
0x252: {  	v5 =	vand.u32 $0x7, v5;
	v6 =	vand.u32 $0xFFFFFFF0, v6  }
0x253: {  	v5 =	vor.u32 v5, v6  }
0x254: {  	v6 =	vperm.xlane v5, v2;
	_ =	sdelay $0x1  }
0x255: {  	v5 =	vperm.xlane v5, v4;
	v6 =	vadd.s32 v3, v6;
	_ =	sdelay $0x1  }
0x256: {  	v5 =	vadd.s32 v3, v5;
	_ =	sdelay $0x1  }
0x257: {  	s16 =	simm.s32 $0x2A00  }
0x258: {  	[tilespmem:s16], [sflag:$0x3] =	stream.indirect_vreg.gather [hbm4b:s5+s4], $0x80, v6, vm0, $0xb8;
	[tilespmem:$0x19E00] =	vst v63  }
0x259: {  	s17 =	simm.s32 $0x3200  }
0x25a: {  	[tilespmem:s17], [sflag:$0x3] =	stream.indirect_vreg.gather [hbm4b:s5+s4], $0x80, v5, vm0, $0xb8;
	[tilespmem:$0x19E00] =	vst v63  }
0x25b: {  	v5 =	vld [tilespmem:$0x30];
	_ =	sdelay $0x4  }
0x25c: {  	v6 =	vshll.u32 v5, $0x1  }
0x25d: {  	v5 =	vand.u32 $0x7, v5;
	v6 =	vand.u32 $0xFFFFFFF0, v6  }
0x25e: {  	v5 =	vor.u32 v5, v6  }
0x25f: {  	v6 =	vperm.xlane v5, v2;
	_ =	sdelay $0x1  }
0x260: {  	v5 =	vperm.xlane v5, v4;
	v6 =	vadd.s32 v3, v6;
	_ =	sdelay $0x1  }
0x261: {  	v5 =	vadd.s32 v3, v5;
	_ =	sdelay $0x1  }
0x262: {  	s19 =	simm.s32 $0x3A00  }
0x263: {  	[tilespmem:s19], [sflag:$0x3] =	stream.indirect_vreg.gather [hbm4b:s5+s4], $0x80, v6, vm0, $0xb8;
	[tilespmem:$0x19E00] =	vst v63  }
0x264: {  	s22 =	simm.s32 $0x4200  }
0x265: {  	[tilespmem:s22], [sflag:$0x3] =	stream.indirect_vreg.gather [hbm4b:s5+s4], $0x80, v5, vm0, $0xb8;
	[tilespmem:$0x19E00] =	vst v63  }
0x266: {  	v5 =	vld [tilespmem:$0x40];
	_ =	sdelay $0x4  }
0x267: {  	v6 =	vshll.u32 v5, $0x1  }
0x268: {  	v5 =	vand.u32 $0x7, v5;
	v6 =	vand.u32 $0xFFFFFFF0, v6  }
0x269: {  	v5 =	vor.u32 v5, v6  }
0x26a: {  	v6 =	vperm.xlane v5, v2;
	_ =	sdelay $0x1  }
0x26b: {  	v6 =	vadd.s32 v3, v6  }
0x26c: {  	v5 =	vperm.xlane v5, v4;
	_ =	sdelay $0x1  }
0x26d: {  	v5 =	vadd.s32 v3, v5  }
0x26e: {  	s23 =	simm.s32 $0x4A00  }
0x26f: {  	[tilespmem:s23], [sflag:$0x3] =	stream.indirect_vreg.gather [hbm4b:s5+s4], $0x80, v6, vm0, $0xb8;
	[tilespmem:$0x19E00] =	vst v63  }
.Ltmp6:
0x270: {  	_ = 	snop;
	(pc) =	sbr.rel .LBB2_4-.Ltmp6, $4  }
0x271: {  	s24 =	simm.s32 $0x5200  }
0x272: {  	[tilespmem:s24], [sflag:$0x3] =	stream.indirect_vreg.gather [hbm4b:s5+s4], $0x80, v5, vm0, $0xb8;
	[tilespmem:$0x19E00] =	vst v63  }
0x273: {  	s25 =	simm.s32 $0x800;
	s0 =	sadd.s32 $0x1, s0  }
0x274: {  	[tilespmem:s18], [sflag:$0x3] =	stream.indirect.gather [hbm4b:s2+s20], $0x80, s25, s20, $0xb8;
	[tilespmem:$0x19E00] =	vst v63  }
.LBB2_11:
0x275: {  	_ =	sfence.sel $0x180000  }
0x276: {  	[bflag:$0x0] =	sbarrier.arrive $0xFFFF  }
0x277: {  	_ =	strace $0x9000004A  }
0x278: {  	s0 =	stileid.u32;
	[bflag:$0x2] =	sbarrier.arrive $0xFFFF  }
0x279: {  	p0 =	sne.s32 s0, $0x0;
	s0 =	rddreg [dreg:$0x3]  }
0x27a: {  	s0 =	sadd.s32 @!p0 $0x100000, s0  }
0x27b: {  	[sflag:s0] =	ssyncadd.tile.s32 @!p0 $0x1;
	_ =	shalt  }
.Lfunc_end2:
_tile_overlayer_lowered:
.L_overlay_start_2:
0x27c: {  	(tag) =	ssettag $0x2  }
0x27d: {  	s0 =	rddreg [dreg:$0x0];
	s2 =	stileid.u32  }
0x27e: {  	s1 =	rddreg [dreg:$0x1];
	p0 =	sne.s32 s2, $0x0  }
0x27f: {  	s3 =	rddreg [dreg:$0x2];
	[bflag:$0x3] =	sbarrier.arrive $0xFFFF;
	s2 =	simm.s32 @!p0 $0x1C07  }
0x280: {  	[timem:s3], [sflag:s2] =	dma.local @!p0 [hbm:s0], s1  }
0x281: {  	s0 =	simm.s32 @!p0 $0x7  }
0x282: {  	_ =	swait.ge @!p0 [sflag:s0], s1  }
0x283: {  	s1 =	ssub.s32 @!p0 $0x0, s1;
	[sflag:s0] =	ssyncset.done @!p0 $0x0  }
0x284: {  	[sflag:s0] =	ssyncadd.s32 @!p0 s1  }
0x285: {  	[bflag:$0x3] =	sbarrier.arrive $0xFFFF  }
0x286: {  	_ =	shalt  }

</sc_bundles>
